<compile_context>
chip_gen: v7x
topology: tpu7x:2x2x1
jax: 0.10.2.dev20260603
libtpu: 0.0.44.dev20260713+nightly
codegen_flags: <defaults>
</compile_context>

<pallas_src>
import functools

import jax
import jax.numpy as jnp
from jax import lax
from jax.experimental import pallas as pl
from jax.experimental.pallas import tpu as pltpu
from jax.experimental.pallas import tpu_sc as plsc

N = 50000
F = 512
B = 256
L = 16
NC = 2
NS = 16
CH = 2000
NCH = N // CH
U = 16


def _pool_body(x_hbm, ids_hbm, c_hbm, out_hbm,
               xbuf, idbuf, cbuf, acc_e, acc_w, acc_c, obuf, semx, semi):
    cid = lax.axis_index("c")
    sid = lax.axis_index("s")
    w = sid * NC + cid
    col0 = w * L

    pltpu.sync_copy(c_hbm, cbuf)
    p_vec = cbuf[0, :]
    beta_vec = cbuf[1, :]
    scale_vec = cbuf[2, :]
    zeros = jnp.zeros((L,), jnp.float32)
    ones = jnp.ones((L,), jnp.float32)
    sixteen = jnp.full((L,), float(U), jnp.float32)

    def zero_body(b, carry):
        off = b * L
        acc_e[pl.ds(off, L)] = zeros
        acc_w[pl.ds(off, L)] = zeros
        acc_c[pl.ds(off, L)] = zeros
        return carry

    lax.fori_loop(0, B, zero_body, 0)

    def copies(ci):
        s = lax.rem(ci, 2)
        r0 = ci * CH
        cx = pltpu.make_async_copy(
            x_hbm.at[pl.ds(r0, CH), pl.ds(col0, L)], xbuf.at[s], semx.at[s])
        cb = pltpu.make_async_copy(
            ids_hbm.at[pl.ds(r0, CH)], idbuf.at[pl.ds(s * CH, CH)], semi.at[s])
        return cx, cb

    cx0, cb0 = copies(0)
    cx0.start()
    cb0.start()

    def chunk_body(ci, carry):
        s = lax.rem(ci, 2)
        cx, cb = copies(ci)
        cx.wait()
        cb.wait()

        @pl.when(ci + 1 < NCH)
        def _prefetch():
            nx, nb = copies(ci + 1)
            nx.start()
            nb.start()

        def group(base):
            idv = idbuf[pl.ds(s * CH + base, U)]
            xs = [xbuf[s, base + u, :] for u in range(U)]
            es = [jnp.exp(xv * p_vec) for xv in xs]
            ws = [xs[u] * es[u] for u in range(U)]
            esum, wsum = es, ws
            while len(esum) > 1:
                esum = [a + b for a, b in zip(esum[::2], esum[1::2])]
                wsum = [a + b for a, b in zip(wsum[::2], wsum[1::2])]

            @pl.when(idv[0] == idv[U - 1])
            def _fast():
                off = idv[0] * L
                plsc.addupdate(acc_e.at[pl.ds(off, L)], esum[0])
                plsc.addupdate(acc_w.at[pl.ds(off, L)], wsum[0])
                plsc.addupdate(acc_c.at[pl.ds(off, L)], sixteen)

            @pl.when(idv[0] != idv[U - 1])
            def _slow():
                for u in range(U):
                    off = idv[u] * L
                    plsc.addupdate(acc_e.at[pl.ds(off, L)], es[u])
                    plsc.addupdate(acc_w.at[pl.ds(off, L)], ws[u])
                    plsc.addupdate(acc_c.at[pl.ds(off, L)], ones)

        def row_body(jj, inner):
            base = jj * (5 * U)
            for g in range(5):
                group(base + g * U)
            return inner

        lax.fori_loop(0, CH // (5 * U), row_body, 0)
        return carry

    lax.fori_loop(0, NCH, chunk_body, 0)

    def fin_body(b, carry):
        off = b * L
        e = acc_e[pl.ds(off, L)]
        wv = acc_w[pl.ds(off, L)]
        n = acc_c[pl.ds(off, L)]
        pooled = wv / e
        out_v = pooled * n / (1.0 + beta_vec * (n - 1.0)) * scale_vec
        obuf[b, :] = out_v
        return carry

    lax.fori_loop(0, B, fin_body, 0)
    pltpu.sync_copy(obuf, out_hbm.at[:, pl.ds(col0, L)])


@jax.jit
def _pool(x, ids, consts):
    mesh = plsc.VectorSubcoreMesh(core_axis_name="c", subcore_axis_name="s")
    f = functools.partial(
        pl.kernel,
        out_type=jax.ShapeDtypeStruct((B, F), jnp.float32),
        mesh=mesh,
        compiler_params=pltpu.CompilerParams(
            use_tc_tiling_on_sc=False, needs_layout_passes=False),
        scratch_types=[
            pltpu.VMEM((2, CH, L), jnp.float32),
            pltpu.VMEM((2 * CH,), jnp.int32),
            pltpu.VMEM((3, L), jnp.float32),
            pltpu.VMEM((B * L,), jnp.float32),
            pltpu.VMEM((B * L,), jnp.float32),
            pltpu.VMEM((B * L,), jnp.float32),
            pltpu.VMEM((B, L), jnp.float32),
            pltpu.SemaphoreType.DMA((2,)),
            pltpu.SemaphoreType.DMA((2,)),
        ],
    )(_pool_body)
    return f(x, ids, consts)


def kernel(x, batch, p, beta, bsize):
    scale = jnp.asarray(bsize, jnp.float32) / jnp.float32(B)
    consts = jnp.stack([
        jnp.broadcast_to(p.astype(jnp.float32), (L,)),
        jnp.broadcast_to(beta.astype(jnp.float32), (L,)),
        jnp.broadcast_to(scale, (L,)),
    ])
    return _pool(x, batch.astype(jnp.int32), consts)

# --- scband reference (transcript-rebuilt; emitter-appended) ---
"""Pipeline reference for scband-global-gen-sum-mean-max-pool-53979148976325 (READ-ONLY COPY).

The authoritative reference and input builder live on the scoring server;
editing this copy changes nothing except your own understanding.
"""

import jax, jax.numpy as jnp
import numpy as np

N = 50000
F = 512
B = 256


def setup_inputs(seed: int = 0) -> dict:
    key = jax.random.key(seed)
    k1, k2 = jax.random.split(key)
    x = jax.random.normal(k1, (N, F), dtype=jnp.float32)
    batch = jnp.sort(jax.random.randint(k2, (N,), 0, B, dtype=jnp.int32))
    p = jnp.array([1.0], dtype=jnp.float32)
    beta = jnp.array([1.0], dtype=jnp.float32)
    return {"x": x, "batch": batch, "p": p, "beta": beta, "bsize": B}


def reference(x, batch, p, beta, bsize):
    # n_nodes per graph, broadcast over feature dim (matches torch scatter_sum of ones_like(x))
    n_nodes = jax.ops.segment_sum(jnp.ones_like(x), batch, num_segments=B)
    # scatter_softmax of p * x.detach() over segments
    z = p * jax.lax.stop_gradient(x)
    seg_max = jax.ops.segment_max(z, batch, num_segments=B)
    z = z - seg_max[batch]
    ez = jnp.exp(z)
    denom = jax.ops.segment_sum(ez, batch, num_segments=B)
    soft = ez / denom[batch]
    pooled = jax.ops.segment_sum(x * soft, batch, num_segments=B)
    scale = jnp.asarray(bsize, dtype=jnp.float32) / jnp.float32(B)
    return pooled * n_nodes / (1.0 + beta * (n_nodes - 1.0)) * scale

if __name__ == "__main__":
    import jax
    _d = setup_inputs()
    print(jax.jit(kernel)(*tuple(_d.values())))

</pallas_src>

<mosaic_0001>
#map = affine_map<(d0, d1) -> (0, 0)>
#map1 = affine_map<(d0, d1) -> (0)>
module attributes {stable_mosaic.version = 14 : i64} {
  func.func @_pool_body(%arg0: i32, %arg1: i32, %arg2: memref<50000x512xf32, #tpu.memory_space<hbm>>, %arg3: memref<50000xi32, #tpu.memory_space<hbm>>, %arg4: memref<3x16xf32, #tpu.memory_space<hbm>>, %arg5: memref<256x512xf32, #tpu.memory_space<hbm>>, %arg6: memref<2x2000x16xf32, #tpu.memory_space<vmem>>, %arg7: memref<4000xi32, #tpu.memory_space<vmem>>, %arg8: memref<3x16xf32, #tpu.memory_space<vmem>>, %arg9: memref<4096xf32, #tpu.memory_space<vmem>>, %arg10: memref<4096xf32, #tpu.memory_space<vmem>>, %arg11: memref<4096xf32, #tpu.memory_space<vmem>>, %arg12: memref<256x16xf32, #tpu.memory_space<vmem>>, %arg13: memref<2x!tpu.dma_semaphore, #tpu.memory_space<semaphore_mem>>, %arg14: memref<2x!tpu.dma_semaphore, #tpu.memory_space<semaphore_mem>>) attributes {dimension_semantics = [#tpu.dimension_semantics<core_parallel>, #tpu.dimension_semantics<subcore_parallel>], iteration_bounds = array<i64: 2, 16>, scalar_prefetch = 0 : i64, scratch_operands = 9 : i64, tpu.core_type = #tpu.core_type<sc_vector_subcore>, window_params = [{transform_indices = #map}, {transform_indices = #map1}, {transform_indices = #map}, {transform_indices = #map}]} {
    %mul3A = arith.constant 2 : i32
    %mul3A_0 = arith.muli %arg1, %mul3A : i32
    %add3A = arith.addi %mul3A_0, %arg0 : i32
    %mul3A_1 = arith.constant 16 : i32
    %mul3A_2 = arith.muli %add3A, %mul3A_1 : i32
    "tpu.region"() ({
      %run_scoped3A = tpu.sem_alloc : memref<!tpu.dma_semaphore, #tpu.memory_space<semaphore_mem>>
      tpu.enqueue_dma source(%arg4 : memref<3x16xf32, #tpu.memory_space<hbm>>) target(%arg8 : memref<3x16xf32, #tpu.memory_space<vmem>>) target_semaphore(%run_scoped3A : memref<!tpu.dma_semaphore, #tpu.memory_space<semaphore_mem>>)
      tpu.wait_dma2 semaphore(%run_scoped3A : memref<!tpu.dma_semaphore, #tpu.memory_space<semaphore_mem>>) src(%arg4 : memref<3x16xf32, #tpu.memory_space<hbm>>) dst(%arg8 : memref<3x16xf32, #tpu.memory_space<vmem>>)
      tpu.yield
    }) : () -> ()
    %get3A = arith.constant 0 : i32
    %get3A_3 = arith.index_cast %get3A : i32 to index
    %get3A_4 = arith.constant 0 : index
    %get3A_5 = tpu.vector_load %arg8[%get3A_3, %get3A_4] {strides = array<i32>} : memref<3x16xf32, #tpu.memory_space<vmem>>, vector<16xf32>,
    %get3A_6 = arith.constant 1 : i32
    %get3A_7 = arith.index_cast %get3A_6 : i32 to index
    %get3A_8 = arith.constant 0 : index
    %get3A_9 = tpu.vector_load %arg8[%get3A_7, %get3A_8] {strides = array<i32>} : memref<3x16xf32, #tpu.memory_space<vmem>>, vector<16xf32>,
    %get3A_10 = arith.constant 2 : i32
    %get3A_11 = arith.index_cast %get3A_10 : i32 to index
    %get3A_12 = arith.constant 0 : index
    %get3A_13 = tpu.vector_load %arg8[%get3A_11, %get3A_12] {strides = array<i32>} : memref<3x16xf32, #tpu.memory_space<vmem>>, vector<16xf32>,
    %broadcast_in_dim3A = arith.constant 0.000000e+00 : f32
    %broadcast_in_dim3A_14 = vector.broadcast %broadcast_in_dim3A : f32 to vector<16xf32>
    %broadcast_in_dim3A_15 = arith.constant 1.000000e+00 : f32
    %broadcast_in_dim3A_16 = vector.broadcast %broadcast_in_dim3A_15 : f32 to vector<16xf32>
    %broadcast_in_dim3A_17 = arith.constant 1.600000e+01 : f32
    %broadcast_in_dim3A_18 = vector.broadcast %broadcast_in_dim3A_17 : f32 to vector<16xf32>
    %scan3A = arith.constant 0 : i32
    %scan3A_19 = arith.constant 0 : i32
    %scan3A_20 = arith.constant 256 : i32
    %scan3A_21 = arith.addi %scan3A_19, %scan3A_20 : i32
    %scan3A_22 = arith.constant 1 : i32
    scf.for %scan3A_61 = %scan3A_19 to %scan3A_21 step %scan3A_22  : i32 {
      %mul3A_62 = arith.constant 16 : i32
      %mul3A_63 = arith.muli %scan3A_61, %mul3A_62 : i32
      %swap3A = arith.index_cast %mul3A_63 : i32 to index
      %swap3A_64 = tpu.vector_load %arg9[%swap3A] {strides = array<i32>} : memref<4096xf32, #tpu.memory_space<vmem>>, vector<16xf32>,
      tpu.vector_store %arg9[%swap3A], %broadcast_in_dim3A_14 {strides = array<i32>} : memref<4096xf32, #tpu.memory_space<vmem>>, vector<16xf32>,
      %swap3A_65 = arith.index_cast %mul3A_63 : i32 to index
      %swap3A_66 = tpu.vector_load %arg10[%swap3A_65] {strides = array<i32>} : memref<4096xf32, #tpu.memory_space<vmem>>, vector<16xf32>,
      tpu.vector_store %arg10[%swap3A_65], %broadcast_in_dim3A_14 {strides = array<i32>} : memref<4096xf32, #tpu.memory_space<vmem>>, vector<16xf32>,
      %swap3A_67 = arith.index_cast %mul3A_63 : i32 to index
      %swap3A_68 = tpu.vector_load %arg11[%swap3A_67] {strides = array<i32>} : memref<4096xf32, #tpu.memory_space<vmem>>, vector<16xf32>,
      tpu.vector_store %arg11[%swap3A_67], %broadcast_in_dim3A_14 {strides = array<i32>} : memref<4096xf32, #tpu.memory_space<vmem>>, vector<16xf32>,
    }
    %scan3A_23 = arith.constant 256 : i32
    %rem3A = arith.constant 0 : i32
    %rem3A_24 = arith.constant 2 : i32
    %rem3A_25 = arith.remsi %rem3A, %rem3A_24 : i32
    %mul3A_26 = arith.constant 2000 : i32
    %mul3A_27 = arith.muli %rem3A_25, %mul3A_26 : i32
    %dma_start3A = arith.constant 0 : i32
    %dma_start3A_28 = arith.constant 0 : i32
    %dma_start3A_29 = tpu.memref_slice %arg6[%rem3A_25, %dma_start3A, %dma_start3A_28] : memref<2x2000x16xf32, #tpu.memory_space<vmem>> -> memref<1x2000x16xf32, #tpu.memory_space<vmem>>
    %dma_start3A_30 = tpu.memref_squeeze %dma_start3A_29 : memref<1x2000x16xf32, #tpu.memory_space<vmem>> -> memref<2000x16xf32, #tpu.memory_space<vmem>>
    %dma_start3A_31 = arith.constant 0 : i32
    %dma_start3A_32 = tpu.memref_slice %arg2[%dma_start3A_31, %mul3A_2] : memref<50000x512xf32, #tpu.memory_space<hbm>> -> memref<2000x16xf32, #tpu.memory_space<hbm>>
    %dma_start3A_33 = tpu.memref_slice %arg13[%rem3A_25] : memref<2x!tpu.dma_semaphore, #tpu.memory_space<semaphore_mem>> -> memref<1x!tpu.dma_semaphore, #tpu.memory_space<semaphore_mem>>
    %dma_start3A_34 = tpu.memref_squeeze %dma_start3A_33 : memref<1x!tpu.dma_semaphore, #tpu.memory_space<semaphore_mem>> -> memref<!tpu.dma_semaphore, #tpu.memory_space<semaphore_mem>>
    %dma_start3A_35 = arith.constant 0 : i32
    %dma_start3A_36 = arith.constant 0 : i32
    %dma_start3A_37 = tpu.memref_slice %arg6[%rem3A_25, %dma_start3A_35, %dma_start3A_36] : memref<2x2000x16xf32, #tpu.memory_space<vmem>> -> memref<1x2000x16xf32, #tpu.memory_space<vmem>>
    %dma_start3A_38 = tpu.memref_squeeze %dma_start3A_37 : memref<1x2000x16xf32, #tpu.memory_space<vmem>> -> memref<2000x16xf32, #tpu.memory_space<vmem>>
    %dma_start3A_39 = arith.constant 0 : i32
    %dma_start3A_40 = tpu.memref_slice %arg2[%dma_start3A_39, %mul3A_2] : memref<50000x512xf32, #tpu.memory_space<hbm>> -> memref<2000x16xf32, #tpu.memory_space<hbm>>
    tpu.enqueue_dma source(%dma_start3A_40 : memref<2000x16xf32, #tpu.memory_space<hbm>>) target(%dma_start3A_38 : memref<2000x16xf32, #tpu.memory_space<vmem>>) target_semaphore(%dma_start3A_34 : memref<!tpu.dma_semaphore, #tpu.memory_space<semaphore_mem>>)
    %dma_start3A_41 = tpu.memref_slice %arg7[%mul3A_27] : memref<4000xi32, #tpu.memory_space<vmem>> -> memref<2000xi32, #tpu.memory_space<vmem>>
    %dma_start3A_42 = arith.constant 0 : i32
    %dma_start3A_43 = tpu.memref_slice %arg3[%dma_start3A_42] : memref<50000xi32, #tpu.memory_space<hbm>> -> memref<2000xi32, #tpu.memory_space<hbm>>
    %dma_start3A_44 = tpu.memref_slice %arg14[%rem3A_25] : memref<2x!tpu.dma_semaphore, #tpu.memory_space<semaphore_mem>> -> memref<1x!tpu.dma_semaphore, #tpu.memory_space<semaphore_mem>>
    %dma_start3A_45 = tpu.memref_squeeze %dma_start3A_44 : memref<1x!tpu.dma_semaphore, #tpu.memory_space<semaphore_mem>> -> memref<!tpu.dma_semaphore, #tpu.memory_space<semaphore_mem>>
    %dma_start3A_46 = tpu.memref_slice %arg7[%mul3A_27] : memref<4000xi32, #tpu.memory_space<vmem>> -> memref<2000xi32, #tpu.memory_space<vmem>>
    %dma_start3A_47 = arith.constant 0 : i32
    %dma_start3A_48 = tpu.memref_slice %arg3[%dma_start3A_47] : memref<50000xi32, #tpu.memory_space<hbm>> -> memref<2000xi32, #tpu.memory_space<hbm>>
    tpu.enqueue_dma source(%dma_start3A_48 : memref<2000xi32, #tpu.memory_space<hbm>>) target(%dma_start3A_46 : memref<2000xi32, #tpu.memory_space<vmem>>) target_semaphore(%dma_start3A_45 : memref<!tpu.dma_semaphore, #tpu.memory_space<semaphore_mem>>)
    %scan3A_49 = arith.constant 0 : i32
    %scan3A_50 = arith.constant 0 : i32
    %scan3A_51 = arith.constant 25 : i32
    %scan3A_52 = arith.addi %scan3A_50, %scan3A_51 : i32
    %scan3A_53 = arith.constant 1 : i32
    scf.for %scan3A_61 = %scan3A_50 to %scan3A_52 step %scan3A_53  : i32 {
      %rem3A_62 = arith.constant 2 : i32
      %rem3A_63 = arith.remsi %scan3A_61, %rem3A_62 : i32
      %rem3A_64 = arith.constant 2 : i32
      %rem3A_65 = arith.remsi %scan3A_61, %rem3A_64 : i32
      %mul3A_66 = arith.constant 2000 : i32
      %mul3A_67 = arith.muli %scan3A_61, %mul3A_66 : i32
      %mul3A_68 = arith.constant 2000 : i32
      %mul3A_69 = arith.muli %rem3A_65, %mul3A_68 : i32
      %dma_wait3A = arith.constant 0 : i32
      %dma_wait3A_70 = arith.constant 0 : i32
      %dma_wait3A_71 = tpu.memref_slice %arg6[%rem3A_65, %dma_wait3A, %dma_wait3A_70] : memref<2x2000x16xf32, #tpu.memory_space<vmem>> -> memref<1x2000x16xf32, #tpu.memory_space<vmem>>
      %dma_wait3A_72 = tpu.memref_squeeze %dma_wait3A_71 : memref<1x2000x16xf32, #tpu.memory_space<vmem>> -> memref<2000x16xf32, #tpu.memory_space<vmem>>
      %dma_wait3A_73 = tpu.memref_slice %arg2[%mul3A_67, %mul3A_2] : memref<50000x512xf32, #tpu.memory_space<hbm>> -> memref<2000x16xf32, #tpu.memory_space<hbm>>
      %dma_wait3A_74 = tpu.memref_slice %arg13[%rem3A_65] : memref<2x!tpu.dma_semaphore, #tpu.memory_space<semaphore_mem>> -> memref<1x!tpu.dma_semaphore, #tpu.memory_space<semaphore_mem>>
      %dma_wait3A_75 = tpu.memref_squeeze %dma_wait3A_74 : memref<1x!tpu.dma_semaphore, #tpu.memory_space<semaphore_mem>> -> memref<!tpu.dma_semaphore, #tpu.memory_space<semaphore_mem>>
      %dma_wait3A_76 = arith.constant 0 : i32
      %dma_wait3A_77 = arith.constant 0 : i32
      %dma_wait3A_78 = tpu.memref_slice %arg6[%rem3A_65, %dma_wait3A_76, %dma_wait3A_77] : memref<2x2000x16xf32, #tpu.memory_space<vmem>> -> memref<1x2000x16xf32, #tpu.memory_space<vmem>>
      %dma_wait3A_79 = tpu.memref_squeeze %dma_wait3A_78 : memref<1x2000x16xf32, #tpu.memory_space<vmem>> -> memref<2000x16xf32, #tpu.memory_space<vmem>>
      %dma_wait3A_80 = tpu.memref_slice %arg2[%mul3A_67, %mul3A_2] : memref<50000x512xf32, #tpu.memory_space<hbm>> -> memref<2000x16xf32, #tpu.memory_space<hbm>>
      tpu.wait_dma2 semaphore(%dma_wait3A_75 : memref<!tpu.dma_semaphore, #tpu.memory_space<semaphore_mem>>) src(%dma_wait3A_80 : memref<2000x16xf32, #tpu.memory_space<hbm>>) dst(%dma_wait3A_79 : memref<2000x16xf32, #tpu.memory_space<vmem>>)
      %dma_wait3A_81 = tpu.memref_slice %arg7[%mul3A_69] : memref<4000xi32, #tpu.memory_space<vmem>> -> memref<2000xi32, #tpu.memory_space<vmem>>
      %dma_wait3A_82 = tpu.memref_slice %arg3[%mul3A_67] : memref<50000xi32, #tpu.memory_space<hbm>> -> memref<2000xi32, #tpu.memory_space<hbm>>
      %dma_wait3A_83 = tpu.memref_slice %arg14[%rem3A_65] : memref<2x!tpu.dma_semaphore, #tpu.memory_space<semaphore_mem>> -> memref<1x!tpu.dma_semaphore, #tpu.memory_space<semaphore_mem>>
      %dma_wait3A_84 = tpu.memref_squeeze %dma_wait3A_83 : memref<1x!tpu.dma_semaphore, #tpu.memory_space<semaphore_mem>> -> memref<!tpu.dma_semaphore, #tpu.memory_space<semaphore_mem>>
      %dma_wait3A_85 = tpu.memref_slice %arg7[%mul3A_69] : memref<4000xi32, #tpu.memory_space<vmem>> -> memref<2000xi32, #tpu.memory_space<vmem>>
      %dma_wait3A_86 = tpu.memref_slice %arg3[%mul3A_67] : memref<50000xi32, #tpu.memory_space<hbm>> -> memref<2000xi32, #tpu.memory_space<hbm>>
      tpu.wait_dma2 semaphore(%dma_wait3A_84 : memref<!tpu.dma_semaphore, #tpu.memory_space<semaphore_mem>>) src(%dma_wait3A_86 : memref<2000xi32, #tpu.memory_space<hbm>>) dst(%dma_wait3A_85 : memref<2000xi32, #tpu.memory_space<vmem>>)
      %add3A_87 = arith.constant 1 : i32
      %add3A_88 = arith.addi %scan3A_61, %add3A_87 : i32
      %lt3A = arith.constant 25 : i32
      %lt3A_89 = arith.cmpi slt, %add3A_88, %lt3A : i32
      %convert_element_type3A = arith.extui %lt3A_89 : i1 to i32
      %cond3A = arith.constant 0 : i32
      %cond3A_90 = arith.cmpi ne, %convert_element_type3A, %cond3A : i32
      scf.if %cond3A_90 {
        %add3A_97 = arith.constant 1 : i32
        %add3A_98 = arith.addi %scan3A_61, %add3A_97 : i32
        %rem3A_99 = arith.constant 2 : i32
        %rem3A_100 = arith.remsi %add3A_98, %rem3A_99 : i32
        %mul3A_101 = arith.constant 2000 : i32
        %mul3A_102 = arith.muli %add3A_98, %mul3A_101 : i32
        %mul3A_103 = arith.constant 2000 : i32
        %mul3A_104 = arith.muli %rem3A_100, %mul3A_103 : i32
        %dma_start3A_105 = arith.constant 0 : i32
        %dma_start3A_106 = arith.constant 0 : i32
        %dma_start3A_107 = tpu.memref_slice %arg6[%rem3A_100, %dma_start3A_105, %dma_start3A_106] : memref<2x2000x16xf32, #tpu.memory_space<vmem>> -> memref<1x2000x16xf32, #tpu.memory_space<vmem>>
        %dma_start3A_108 = tpu.memref_squeeze %dma_start3A_107 : memref<1x2000x16xf32, #tpu.memory_space<vmem>> -> memref<2000x16xf32, #tpu.memory_space<vmem>>
        %dma_start3A_109 = tpu.memref_slice %arg2[%mul3A_102, %mul3A_2] : memref<50000x512xf32, #tpu.memory_space<hbm>> -> memref<2000x16xf32, #tpu.memory_space<hbm>>
        %dma_start3A_110 = tpu.memref_slice %arg13[%rem3A_100] : memref<2x!tpu.dma_semaphore, #tpu.memory_space<semaphore_mem>> -> memref<1x!tpu.dma_semaphore, #tpu.memory_space<semaphore_mem>>
        %dma_start3A_111 = tpu.memref_squeeze %dma_start3A_110 : memref<1x!tpu.dma_semaphore, #tpu.memory_space<semaphore_mem>> -> memref<!tpu.dma_semaphore, #tpu.memory_space<semaphore_mem>>
        %dma_start3A_112 = arith.constant 0 : i32
        %dma_start3A_113 = arith.constant 0 : i32
        %dma_start3A_114 = tpu.memref_slice %arg6[%rem3A_100, %dma_start3A_112, %dma_start3A_113] : memref<2x2000x16xf32, #tpu.memory_space<vmem>> -> memref<1x2000x16xf32, #tpu.memory_space<vmem>>
        %dma_start3A_115 = tpu.memref_squeeze %dma_start3A_114 : memref<1x2000x16xf32, #tpu.memory_space<vmem>> -> memref<2000x16xf32, #tpu.memory_space<vmem>>
        %dma_start3A_116 = tpu.memref_slice %arg2[%mul3A_102, %mul3A_2] : memref<50000x512xf32, #tpu.memory_space<hbm>> -> memref<2000x16xf32, #tpu.memory_space<hbm>>
        tpu.enqueue_dma source(%dma_start3A_116 : memref<2000x16xf32, #tpu.memory_space<hbm>>) target(%dma_start3A_115 : memref<2000x16xf32, #tpu.memory_space<vmem>>) target_semaphore(%dma_start3A_111 : memref<!tpu.dma_semaphore, #tpu.memory_space<semaphore_mem>>)
        %dma_start3A_117 = tpu.memref_slice %arg7[%mul3A_104] : memref<4000xi32, #tpu.memory_space<vmem>> -> memref<2000xi32, #tpu.memory_space<vmem>>
        %dma_start3A_118 = tpu.memref_slice %arg3[%mul3A_102] : memref<50000xi32, #tpu.memory_space<hbm>> -> memref<2000xi32, #tpu.memory_space<hbm>>
        %dma_start3A_119 = tpu.memref_slice %arg14[%rem3A_100] : memref<2x!tpu.dma_semaphore, #tpu.memory_space<semaphore_mem>> -> memref<1x!tpu.dma_semaphore, #tpu.memory_space<semaphore_mem>>
        %dma_start3A_120 = tpu.memref_squeeze %dma_start3A_119 : memref<1x!tpu.dma_semaphore, #tpu.memory_space<semaphore_mem>> -> memref<!tpu.dma_semaphore, #tpu.memory_space<semaphore_mem>>
        %dma_start3A_121 = tpu.memref_slice %arg7[%mul3A_104] : memref<4000xi32, #tpu.memory_space<vmem>> -> memref<2000xi32, #tpu.memory_space<vmem>>
        %dma_start3A_122 = tpu.memref_slice %arg3[%mul3A_102] : memref<50000xi32, #tpu.memory_space<hbm>> -> memref<2000xi32, #tpu.memory_space<hbm>>
        tpu.enqueue_dma source(%dma_start3A_122 : memref<2000xi32, #tpu.memory_space<hbm>>) target(%dma_start3A_121 : memref<2000xi32, #tpu.memory_space<vmem>>) target_semaphore(%dma_start3A_120 : memref<!tpu.dma_semaphore, #tpu.memory_space<semaphore_mem>>)
      } else {
      }
      %scan3A_91 = arith.constant 0 : i32
      %scan3A_92 = arith.constant 0 : i32
      %scan3A_93 = arith.constant 25 : i32
      %scan3A_94 = arith.addi %scan3A_92, %scan3A_93 : i32
      %scan3A_95 = arith.constant 1 : i32
      scf.for %scan3A_97 = %scan3A_92 to %scan3A_94 step %scan3A_95  : i32 {
        %mul3A_98 = arith.constant 80 : i32
        %mul3A_99 = arith.muli %scan3A_97, %mul3A_98 : i32
        %add3A_100 = arith.constant 0 : i32
        %add3A_101 = arith.addi %mul3A_99, %add3A_100 : i32
        %mul3A_102 = arith.constant 2000 : i32
        %mul3A_103 = arith.muli %rem3A_63, %mul3A_102 : i32
        %add3A_104 = arith.addi %mul3A_103, %add3A_101 : i32
        %get3A_105 = arith.index_cast %add3A_104 : i32 to index
        %get3A_106 = tpu.vector_load %arg7[%get3A_105] {strides = array<i32>} : memref<4000xi32, #tpu.memory_space<vmem>>, vector<16xi32>,
        %add3A_107 = arith.constant 0 : i32
        %add3A_108 = arith.addi %add3A_101, %add3A_107 : i32
        %get3A_109 = arith.index_cast %rem3A_63 : i32 to index
        %get3A_110 = arith.index_cast %add3A_108 : i32 to index
        %get3A_111 = arith.constant 0 : index
        %get3A_112 = tpu.vector_load %arg6[%get3A_109, %get3A_110, %get3A_111] {strides = array<i32>} : memref<2x2000x16xf32, #tpu.memory_space<vmem>>, vector<16xf32>,
        %add3A_113 = arith.constant 1 : i32
        %add3A_114 = arith.addi %add3A_101, %add3A_113 : i32
        %get3A_115 = arith.index_cast %rem3A_63 : i32 to index
        %get3A_116 = arith.index_cast %add3A_114 : i32 to index
        %get3A_117 = arith.constant 0 : index
        %get3A_118 = tpu.vector_load %arg6[%get3A_115, %get3A_116, %get3A_117] {strides = array<i32>} : memref<2x2000x16xf32, #tpu.memory_space<vmem>>, vector<16xf32>,
        %add3A_119 = arith.constant 2 : i32
        %add3A_120 = arith.addi %add3A_101, %add3A_119 : i32
        %get3A_121 = arith.index_cast %rem3A_63 : i32 to index
        %get3A_122 = arith.index_cast %add3A_120 : i32 to index
        %get3A_123 = arith.constant 0 : index
        %get3A_124 = tpu.vector_load %arg6[%get3A_121, %get3A_122, %get3A_123] {strides = array<i32>} : memref<2x2000x16xf32, #tpu.memory_space<vmem>>, vector<16xf32>,
        %add3A_125 = arith.constant 3 : i32
        %add3A_126 = arith.addi %add3A_101, %add3A_125 : i32
        %get3A_127 = arith.index_cast %rem3A_63 : i32 to index
        %get3A_128 = arith.index_cast %add3A_126 : i32 to index
        %get3A_129 = arith.constant 0 : index
        %get3A_130 = tpu.vector_load %arg6[%get3A_127, %get3A_128, %get3A_129] {strides = array<i32>} : memref<2x2000x16xf32, #tpu.memory_space<vmem>>, vector<16xf32>,
        %add3A_131 = arith.constant 4 : i32
        %add3A_132 = arith.addi %add3A_101, %add3A_131 : i32
        %get3A_133 = arith.index_cast %rem3A_63 : i32 to index
        %get3A_134 = arith.index_cast %add3A_132 : i32 to index
        %get3A_135 = arith.constant 0 : index
        %get3A_136 = tpu.vector_load %arg6[%get3A_133, %get3A_134, %get3A_135] {strides = array<i32>} : memref<2x2000x16xf32, #tpu.memory_space<vmem>>, vector<16xf32>,
        %add3A_137 = arith.constant 5 : i32
        %add3A_138 = arith.addi %add3A_101, %add3A_137 : i32
        %get3A_139 = arith.index_cast %rem3A_63 : i32 to index
        %get3A_140 = arith.index_cast %add3A_138 : i32 to index
        %get3A_141 = arith.constant 0 : index
        %get3A_142 = tpu.vector_load %arg6[%get3A_139, %get3A_140, %get3A_141] {strides = array<i32>} : memref<2x2000x16xf32, #tpu.memory_space<vmem>>, vector<16xf32>,
        %add3A_143 = arith.constant 6 : i32
        %add3A_144 = arith.addi %add3A_101, %add3A_143 : i32
        %get3A_145 = arith.index_cast %rem3A_63 : i32 to index
        %get3A_146 = arith.index_cast %add3A_144 : i32 to index
        %get3A_147 = arith.constant 0 : index
        %get3A_148 = tpu.vector_load %arg6[%get3A_145, %get3A_146, %get3A_147] {strides = array<i32>} : memref<2x2000x16xf32, #tpu.memory_space<vmem>>, vector<16xf32>,
        %add3A_149 = arith.constant 7 : i32
        %add3A_150 = arith.addi %add3A_101, %add3A_149 : i32
        %get3A_151 = arith.index_cast %rem3A_63 : i32 to index
        %get3A_152 = arith.index_cast %add3A_150 : i32 to index
        %get3A_153 = arith.constant 0 : index
        %get3A_154 = tpu.vector_load %arg6[%get3A_151, %get3A_152, %get3A_153] {strides = array<i32>} : memref<2x2000x16xf32, #tpu.memory_space<vmem>>, vector<16xf32>,
        %add3A_155 = arith.constant 8 : i32
        %add3A_156 = arith.addi %add3A_101, %add3A_155 : i32
        %get3A_157 = arith.index_cast %rem3A_63 : i32 to index
        %get3A_158 = arith.index_cast %add3A_156 : i32 to index
        %get3A_159 = arith.constant 0 : index
        %get3A_160 = tpu.vector_load %arg6[%get3A_157, %get3A_158, %get3A_159] {strides = array<i32>} : memref<2x2000x16xf32, #tpu.memory_space<vmem>>, vector<16xf32>,
        %add3A_161 = arith.constant 9 : i32
        %add3A_162 = arith.addi %add3A_101, %add3A_161 : i32
        %get3A_163 = arith.index_cast %rem3A_63 : i32 to index
        %get3A_164 = arith.index_cast %add3A_162 : i32 to index
        %get3A_165 = arith.constant 0 : index
        %get3A_166 = tpu.vector_load %arg6[%get3A_163, %get3A_164, %get3A_165] {strides = array<i32>} : memref<2x2000x16xf32, #tpu.memory_space<vmem>>, vector<16xf32>,
        %add3A_167 = arith.constant 10 : i32
        %add3A_168 = arith.addi %add3A_101, %add3A_167 : i32
        %get3A_169 = arith.index_cast %rem3A_63 : i32 to index
        %get3A_170 = arith.index_cast %add3A_168 : i32 to index
        %get3A_171 = arith.constant 0 : index
        %get3A_172 = tpu.vector_load %arg6[%get3A_169, %get3A_170, %get3A_171] {strides = array<i32>} : memref<2x2000x16xf32, #tpu.memory_space<vmem>>, vector<16xf32>,
        %add3A_173 = arith.constant 11 : i32
        %add3A_174 = arith.addi %add3A_101, %add3A_173 : i32
        %get3A_175 = arith.index_cast %rem3A_63 : i32 to index
        %get3A_176 = arith.index_cast %add3A_174 : i32 to index
        %get3A_177 = arith.constant 0 : index
        %get3A_178 = tpu.vector_load %arg6[%get3A_175, %get3A_176, %get3A_177] {strides = array<i32>} : memref<2x2000x16xf32, #tpu.memory_space<vmem>>, vector<16xf32>,
        %add3A_179 = arith.constant 12 : i32
        %add3A_180 = arith.addi %add3A_101, %add3A_179 : i32
        %get3A_181 = arith.index_cast %rem3A_63 : i32 to index
        %get3A_182 = arith.index_cast %add3A_180 : i32 to index
        %get3A_183 = arith.constant 0 : index
        %get3A_184 = tpu.vector_load %arg6[%get3A_181, %get3A_182, %get3A_183] {strides = array<i32>} : memref<2x2000x16xf32, #tpu.memory_space<vmem>>, vector<16xf32>,
        %add3A_185 = arith.constant 13 : i32
        %add3A_186 = arith.addi %add3A_101, %add3A_185 : i32
        %get3A_187 = arith.index_cast %rem3A_63 : i32 to index
        %get3A_188 = arith.index_cast %add3A_186 : i32 to index
        %get3A_189 = arith.constant 0 : index
        %get3A_190 = tpu.vector_load %arg6[%get3A_187, %get3A_188, %get3A_189] {strides = array<i32>} : memref<2x2000x16xf32, #tpu.memory_space<vmem>>, vector<16xf32>,
        %add3A_191 = arith.constant 14 : i32
        %add3A_192 = arith.addi %add3A_101, %add3A_191 : i32
        %get3A_193 = arith.index_cast %rem3A_63 : i32 to index
        %get3A_194 = arith.index_cast %add3A_192 : i32 to index
        %get3A_195 = arith.constant 0 : index
        %get3A_196 = tpu.vector_load %arg6[%get3A_193, %get3A_194, %get3A_195] {strides = array<i32>} : memref<2x2000x16xf32, #tpu.memory_space<vmem>>, vector<16xf32>,
        %add3A_197 = arith.constant 15 : i32
        %add3A_198 = arith.addi %add3A_101, %add3A_197 : i32
        %get3A_199 = arith.index_cast %rem3A_63 : i32 to index
        %get3A_200 = arith.index_cast %add3A_198 : i32 to index
        %get3A_201 = arith.constant 0 : index
        %get3A_202 = tpu.vector_load %arg6[%get3A_199, %get3A_200, %get3A_201] {strides = array<i32>} : memref<2x2000x16xf32, #tpu.memory_space<vmem>>, vector<16xf32>,
        %mul3A_203 = arith.mulf %get3A_112, %get3A_5 : vector<16xf32>
        %exp3A = math.exp %mul3A_203 : vector<16xf32>
        %mul3A_204 = arith.mulf %get3A_118, %get3A_5 : vector<16xf32>
        %exp3A_205 = math.exp %mul3A_204 : vector<16xf32>
        %mul3A_206 = arith.mulf %get3A_124, %get3A_5 : vector<16xf32>
        %exp3A_207 = math.exp %mul3A_206 : vector<16xf32>
        %mul3A_208 = arith.mulf %get3A_130, %get3A_5 : vector<16xf32>
        %exp3A_209 = math.exp %mul3A_208 : vector<16xf32>
        %mul3A_210 = arith.mulf %get3A_136, %get3A_5 : vector<16xf32>
        %exp3A_211 = math.exp %mul3A_210 : vector<16xf32>
        %mul3A_212 = arith.mulf %get3A_142, %get3A_5 : vector<16xf32>
        %exp3A_213 = math.exp %mul3A_212 : vector<16xf32>
        %mul3A_214 = arith.mulf %get3A_148, %get3A_5 : vector<16xf32>
        %exp3A_215 = math.exp %mul3A_214 : vector<16xf32>
        %mul3A_216 = arith.mulf %get3A_154, %get3A_5 : vector<16xf32>
        %exp3A_217 = math.exp %mul3A_216 : vector<16xf32>
        %mul3A_218 = arith.mulf %get3A_160, %get3A_5 : vector<16xf32>
        %exp3A_219 = math.exp %mul3A_218 : vector<16xf32>
        %mul3A_220 = arith.mulf %get3A_166, %get3A_5 : vector<16xf32>
        %exp3A_221 = math.exp %mul3A_220 : vector<16xf32>
        %mul3A_222 = arith.mulf %get3A_172, %get3A_5 : vector<16xf32>
        %exp3A_223 = math.exp %mul3A_222 : vector<16xf32>
        %mul3A_224 = arith.mulf %get3A_178, %get3A_5 : vector<16xf32>
        %exp3A_225 = math.exp %mul3A_224 : vector<16xf32>
        %mul3A_226 = arith.mulf %get3A_184, %get3A_5 : vector<16xf32>
        %exp3A_227 = math.exp %mul3A_226 : vector<16xf32>
        %mul3A_228 = arith.mulf %get3A_190, %get3A_5 : vector<16xf32>
        %exp3A_229 = math.exp %mul3A_228 : vector<16xf32>
        %mul3A_230 = arith.mulf %get3A_196, %get3A_5 : vector<16xf32>
        %exp3A_231 = math.exp %mul3A_230 : vector<16xf32>
        %mul3A_232 = arith.mulf %get3A_202, %get3A_5 : vector<16xf32>
        %exp3A_233 = math.exp %mul3A_232 : vector<16xf32>
        %mul3A_234 = arith.mulf %get3A_112, %exp3A : vector<16xf32>
        %mul3A_235 = arith.mulf %get3A_118, %exp3A_205 : vector<16xf32>
        %mul3A_236 = arith.mulf %get3A_124, %exp3A_207 : vector<16xf32>
        %mul3A_237 = arith.mulf %get3A_130, %exp3A_209 : vector<16xf32>
        %mul3A_238 = arith.mulf %get3A_136, %exp3A_211 : vector<16xf32>
        %mul3A_239 = arith.mulf %get3A_142, %exp3A_213 : vector<16xf32>
        %mul3A_240 = arith.mulf %get3A_148, %exp3A_215 : vector<16xf32>
        %mul3A_241 = arith.mulf %get3A_154, %exp3A_217 : vector<16xf32>
        %mul3A_242 = arith.mulf %get3A_160, %exp3A_219 : vector<16xf32>
        %mul3A_243 = arith.mulf %get3A_166, %exp3A_221 : vector<16xf32>
        %mul3A_244 = arith.mulf %get3A_172, %exp3A_223 : vector<16xf32>
        %mul3A_245 = arith.mulf %get3A_178, %exp3A_225 : vector<16xf32>
        %mul3A_246 = arith.mulf %get3A_184, %exp3A_227 : vector<16xf32>
        %mul3A_247 = arith.mulf %get3A_190, %exp3A_229 : vector<16xf32>
        %mul3A_248 = arith.mulf %get3A_196, %exp3A_231 : vector<16xf32>
        %mul3A_249 = arith.mulf %get3A_202, %exp3A_233 : vector<16xf32>
        %add3A_250 = arith.addf %exp3A, %exp3A_205 : vector<16xf32>
        %add3A_251 = arith.addf %exp3A_207, %exp3A_209 : vector<16xf32>
        %add3A_252 = arith.addf %exp3A_211, %exp3A_213 : vector<16xf32>
        %add3A_253 = arith.addf %exp3A_215, %exp3A_217 : vector<16xf32>
        %add3A_254 = arith.addf %exp3A_219, %exp3A_221 : vector<16xf32>
        %add3A_255 = arith.addf %exp3A_223, %exp3A_225 : vector<16xf32>
        %add3A_256 = arith.addf %exp3A_227, %exp3A_229 : vector<16xf32>
        %add3A_257 = arith.addf %exp3A_231, %exp3A_233 : vector<16xf32>
        %add3A_258 = arith.addf %mul3A_234, %mul3A_235 : vector<16xf32>
        %add3A_259 = arith.addf %mul3A_236, %mul3A_237 : vector<16xf32>
        %add3A_260 = arith.addf %mul3A_238, %mul3A_239 : vector<16xf32>
        %add3A_261 = arith.addf %mul3A_240, %mul3A_241 : vector<16xf32>
        %add3A_262 = arith.addf %mul3A_242, %mul3A_243 : vector<16xf32>
        %add3A_263 = arith.addf %mul3A_244, %mul3A_245 : vector<16xf32>
        %add3A_264 = arith.addf %mul3A_246, %mul3A_247 : vector<16xf32>
        %add3A_265 = arith.addf %mul3A_248, %mul3A_249 : vector<16xf32>
        %add3A_266 = arith.addf %add3A_250, %add3A_251 : vector<16xf32>
        %add3A_267 = arith.addf %add3A_252, %add3A_253 : vector<16xf32>
        %add3A_268 = arith.addf %add3A_254, %add3A_255 : vector<16xf32>
        %add3A_269 = arith.addf %add3A_256, %add3A_257 : vector<16xf32>
        %add3A_270 = arith.addf %add3A_258, %add3A_259 : vector<16xf32>
        %add3A_271 = arith.addf %add3A_260, %add3A_261 : vector<16xf32>
        %add3A_272 = arith.addf %add3A_262, %add3A_263 : vector<16xf32>
        %add3A_273 = arith.addf %add3A_264, %add3A_265 : vector<16xf32>
        %add3A_274 = arith.addf %add3A_266, %add3A_267 : vector<16xf32>
        %add3A_275 = arith.addf %add3A_268, %add3A_269 : vector<16xf32>
        %add3A_276 = arith.addf %add3A_270, %add3A_271 : vector<16xf32>
        %add3A_277 = arith.addf %add3A_272, %add3A_273 : vector<16xf32>
        %add3A_278 = arith.addf %add3A_274, %add3A_275 : vector<16xf32>
        %add3A_279 = arith.addf %add3A_276, %add3A_277 : vector<16xf32>
        %slice3A = vector.extract_strided_slice %get3A_106 {offsets = [0], sizes = [1], strides = [1]} : vector<16xi32> to vector<1xi32>
        %squeeze3A = vector.extract %slice3A[0] : i32 from vector<1xi32>
        %slice3A_280 = vector.extract_strided_slice %get3A_106 {offsets = [15], sizes = [1], strides = [1]} : vector<16xi32> to vector<1xi32>
        %squeeze3A_281 = vector.extract %slice3A_280[0] : i32 from vector<1xi32>
        %eq3A = arith.cmpi eq, %squeeze3A, %squeeze3A_281 : i32
        %convert_element_type3A_282 = arith.extui %eq3A : i1 to i32
        %cond3A_283 = arith.constant 0 : i32
        %cond3A_284 = arith.cmpi ne, %convert_element_type3A_282, %cond3A_283 : i32
        scf.if %cond3A_284 {
          %slice3A_1080 = vector.extract_strided_slice %get3A_106 {offsets = [0], sizes = [1], strides = [1]} : vector<16xi32> to vector<1xi32>
          %squeeze3A_1081 = vector.extract %slice3A_1080[0] : i32 from vector<1xi32>
          %mul3A_1082 = arith.constant 16 : i32
          %mul3A_1083 = arith.muli %squeeze3A_1081, %mul3A_1082 : i32
          %swap3A = arith.index_cast %mul3A_1083 : i32 to index
          %swap3A_1084 = tpu.vector_load %arg9[%swap3A] {strides = array<i32>} : memref<4096xf32, #tpu.memory_space<vmem>>, vector<16xf32>,
          tpu.vector_store %arg9[%swap3A], %add3A_278 {add = true, strides = array<i32>} : memref<4096xf32, #tpu.memory_space<vmem>>, vector<16xf32>,
          %swap3A_1085 = arith.index_cast %mul3A_1083 : i32 to index
          %swap3A_1086 = tpu.vector_load %arg10[%swap3A_1085] {strides = array<i32>} : memref<4096xf32, #tpu.memory_space<vmem>>, vector<16xf32>,
          tpu.vector_store %arg10[%swap3A_1085], %add3A_279 {add = true, strides = array<i32>} : memref<4096xf32, #tpu.memory_space<vmem>>, vector<16xf32>,
          %swap3A_1087 = arith.index_cast %mul3A_1083 : i32 to index
          %swap3A_1088 = tpu.vector_load %arg11[%swap3A_1087] {strides = array<i32>} : memref<4096xf32, #tpu.memory_space<vmem>>, vector<16xf32>,
          tpu.vector_store %arg11[%swap3A_1087], %broadcast_in_dim3A_18 {add = true, strides = array<i32>} : memref<4096xf32, #tpu.memory_space<vmem>>, vector<16xf32>,
        } else {
        }
        %slice3A_285 = vector.extract_strided_slice %get3A_106 {offsets = [0], sizes = [1], strides = [1]} : vector<16xi32> to vector<1xi32>
        %squeeze3A_286 = vector.extract %slice3A_285[0] : i32 from vector<1xi32>
        %slice3A_287 = vector.extract_strided_slice %get3A_106 {offsets = [15], sizes = [1], strides = [1]} : vector<16xi32> to vector<1xi32>
        %squeeze3A_288 = vector.extract %slice3A_287[0] : i32 from vector<1xi32>
        %ne3A = arith.cmpi ne, %squeeze3A_286, %squeeze3A_288 : i32
        %convert_element_type3A_289 = arith.extui %ne3A : i1 to i32
        %cond3A_290 = arith.constant 0 : i32
        %cond3A_291 = arith.cmpi ne, %convert_element_type3A_289, %cond3A_290 : i32
        scf.if %cond3A_291 {
          %slice3A_1080 = vector.extract_strided_slice %get3A_106 {offsets = [0], sizes = [1], strides = [1]} : vector<16xi32> to vector<1xi32>
          %squeeze3A_1081 = vector.extract %slice3A_1080[0] : i32 from vector<1xi32>
          %mul3A_1082 = arith.constant 16 : i32
          %mul3A_1083 = arith.muli %squeeze3A_1081, %mul3A_1082 : i32
          %swap3A = arith.index_cast %mul3A_1083 : i32 to index
          %swap3A_1084 = tpu.vector_load %arg9[%swap3A] {strides = array<i32>} : memref<4096xf32, #tpu.memory_space<vmem>>, vector<16xf32>,
          tpu.vector_store %arg9[%swap3A], %exp3A {add = true, strides = array<i32>} : memref<4096xf32, #tpu.memory_space<vmem>>, vector<16xf32>,
          %swap3A_1085 = arith.index_cast %mul3A_1083 : i32 to index
          %swap3A_1086 = tpu.vector_load %arg10[%swap3A_1085] {strides = array<i32>} : memref<4096xf32, #tpu.memory_space<vmem>>, vector<16xf32>,
          tpu.vector_store %arg10[%swap3A_1085], %mul3A_234 {add = true, strides = array<i32>} : memref<4096xf32, #tpu.memory_space<vmem>>, vector<16xf32>,
          %swap3A_1087 = arith.index_cast %mul3A_1083 : i32 to index
          %swap3A_1088 = tpu.vector_load %arg11[%swap3A_1087] {strides = array<i32>} : memref<4096xf32, #tpu.memory_space<vmem>>, vector<16xf32>,
          tpu.vector_store %arg11[%swap3A_1087], %broadcast_in_dim3A_16 {add = true, strides = array<i32>} : memref<4096xf32, #tpu.memory_space<vmem>>, vector<16xf32>,
          %slice3A_1089 = vector.extract_strided_slice %get3A_106 {offsets = [1], sizes = [1], strides = [1]} : vector<16xi32> to vector<1xi32>
          %squeeze3A_1090 = vector.extract %slice3A_1089[0] : i32 from vector<1xi32>
          %mul3A_1091 = arith.constant 16 : i32
          %mul3A_1092 = arith.muli %squeeze3A_1090, %mul3A_1091 : i32
          %swap3A_1093 = arith.index_cast %mul3A_1092 : i32 to index
          %swap3A_1094 = tpu.vector_load %arg9[%swap3A_1093] {strides = array<i32>} : memref<4096xf32, #tpu.memory_space<vmem>>, vector<16xf32>,
          tpu.vector_store %arg9[%swap3A_1093], %exp3A_205 {add = true, strides = array<i32>} : memref<4096xf32, #tpu.memory_space<vmem>>, vector<16xf32>,
          %swap3A_1095 = arith.index_cast %mul3A_1092 : i32 to index
          %swap3A_1096 = tpu.vector_load %arg10[%swap3A_1095] {strides = array<i32>} : memref<4096xf32, #tpu.memory_space<vmem>>, vector<16xf32>,
          tpu.vector_store %arg10[%swap3A_1095], %mul3A_235 {add = true, strides = array<i32>} : memref<4096xf32, #tpu.memory_space<vmem>>, vector<16xf32>,
          %swap3A_1097 = arith.index_cast %mul3A_1092 : i32 to index
          %swap3A_1098 = tpu.vector_load %arg11[%swap3A_1097] {strides = array<i32>} : memref<4096xf32, #tpu.memory_space<vmem>>, vector<16xf32>,
          tpu.vector_store %arg11[%swap3A_1097], %broadcast_in_dim3A_16 {add = true, strides = array<i32>} : memref<4096xf32, #tpu.memory_space<vmem>>, vector<16xf32>,
          %slice3A_1099 = vector.extract_strided_slice %get3A_106 {offsets = [2], sizes = [1], strides = [1]} : vector<16xi32> to vector<1xi32>
          %squeeze3A_1100 = vector.extract %slice3A_1099[0] : i32 from vector<1xi32>
          %mul3A_1101 = arith.constant 16 : i32
          %mul3A_1102 = arith.muli %squeeze3A_1100, %mul3A_1101 : i32
          %swap3A_1103 = arith.index_cast %mul3A_1102 : i32 to index
          %swap3A_1104 = tpu.vector_load %arg9[%swap3A_1103] {strides = array<i32>} : memref<4096xf32, #tpu.memory_space<vmem>>, vector<16xf32>,
          tpu.vector_store %arg9[%swap3A_1103], %exp3A_207 {add = true, strides = array<i32>} : memref<4096xf32, #tpu.memory_space<vmem>>, vector<16xf32>,
          %swap3A_1105 = arith.index_cast %mul3A_1102 : i32 to index
          %swap3A_1106 = tpu.vector_load %arg10[%swap3A_1105] {strides = array<i32>} : memref<4096xf32, #tpu.memory_space<vmem>>, vector<16xf32>,
          tpu.vector_store %arg10[%swap3A_1105], %mul3A_236 {add = true, strides = array<i32>} : memref<4096xf32, #tpu.memory_space<vmem>>, vector<16xf32>,
          %swap3A_1107 = arith.index_cast %mul3A_1102 : i32 to index
          %swap3A_1108 = tpu.vector_load %arg11[%swap3A_1107] {strides = array<i32>} : memref<4096xf32, #tpu.memory_space<vmem>>, vector<16xf32>,
          tpu.vector_store %arg11[%swap3A_1107], %broadcast_in_dim3A_16 {add = true, strides = array<i32>} : memref<4096xf32, #tpu.memory_space<vmem>>, vector<16xf32>,
          %slice3A_1109 = vector.extract_strided_slice %get3A_106 {offsets = [3], sizes = [1], strides = [1]} : vector<16xi32> to vector<1xi32>
          %squeeze3A_1110 = vector.extract %slice3A_1109[0] : i32 from vector<1xi32>
          %mul3A_1111 = arith.constant 16 : i32
          %mul3A_1112 = arith.muli %squeeze3A_1110, %mul3A_1111 : i32
          %swap3A_1113 = arith.index_cast %mul3A_1112 : i32 to index
          %swap3A_1114 = tpu.vector_load %arg9[%swap3A_1113] {strides = array<i32>} : memref<4096xf32, #tpu.memory_space<vmem>>, vector<16xf32>,
          tpu.vector_store %arg9[%swap3A_1113], %exp3A_209 {add = true, strides = array<i32>} : memref<4096xf32, #tpu.memory_space<vmem>>, vector<16xf32>,
          %swap3A_1115 = arith.index_cast %mul3A_1112 : i32 to index
          %swap3A_1116 = tpu.vector_load %arg10[%swap3A_1115] {strides = array<i32>} : memref<4096xf32, #tpu.memory_space<vmem>>, vector<16xf32>,
          tpu.vector_store %arg10[%swap3A_1115], %mul3A_237 {add = true, strides = array<i32>} : memref<4096xf32, #tpu.memory_space<vmem>>, vector<16xf32>,
          %swap3A_1117 = arith.index_cast %mul3A_1112 : i32 to index
          %swap3A_1118 = tpu.vector_load %arg11[%swap3A_1117] {strides = array<i32>} : memref<4096xf32, #tpu.memory_space<vmem>>, vector<16xf32>,
          tpu.vector_store %arg11[%swap3A_1117], %broadcast_in_dim3A_16 {add = true, strides = array<i32>} : memref<4096xf32, #tpu.memory_space<vmem>>, vector<16xf32>,
          %slice3A_1119 = vector.extract_strided_slice %get3A_106 {offsets = [4], sizes = [1], strides = [1]} : vector<16xi32> to vector<1xi32>
          %squeeze3A_1120 = vector.extract %slice3A_1119[0] : i32 from vector<1xi32>
          %mul3A_1121 = arith.constant 16 : i32
          %mul3A_1122 = arith.muli %squeeze3A_1120, %mul3A_1121 : i32
          %swap3A_1123 = arith.index_cast %mul3A_1122 : i32 to index
          %swap3A_1124 = tpu.vector_load %arg9[%swap3A_1123] {strides = array<i32>} : memref<4096xf32, #tpu.memory_space<vmem>>, vector<16xf32>,
          tpu.vector_store %arg9[%swap3A_1123], %exp3A_211 {add = true, strides = array<i32>} : memref<4096xf32, #tpu.memory_space<vmem>>, vector<16xf32>,
          %swap3A_1125 = arith.index_cast %mul3A_1122 : i32 to index
          %swap3A_1126 = tpu.vector_load %arg10[%swap3A_1125] {strides = array<i32>} : memref<4096xf32, #tpu.memory_space<vmem>>, vector<16xf32>,
          tpu.vector_store %arg10[%swap3A_1125], %mul3A_238 {add = true, strides = array<i32>} : memref<4096xf32, #tpu.memory_space<vmem>>, vector<16xf32>,
          %swap3A_1127 = arith.index_cast %mul3A_1122 : i32 to index
          %swap3A_1128 = tpu.vector_load %arg11[%swap3A_1127] {strides = array<i32>} : memref<4096xf32, #tpu.memory_space<vmem>>, vector<16xf32>,
          tpu.vector_store %arg11[%swap3A_1127], %broadcast_in_dim3A_16 {add = true, strides = array<i32>} : memref<4096xf32, #tpu.memory_space<vmem>>, vector<16xf32>,
          %slice3A_1129 = vector.extract_strided_slice %get3A_106 {offsets = [5], sizes = [1], strides = [1]} : vector<16xi32> to vector<1xi32>
          %squeeze3A_1130 = vector.extract %slice3A_1129[0] : i32 from vector<1xi32>
          %mul3A_1131 = arith.constant 16 : i32
          %mul3A_1132 = arith.muli %squeeze3A_1130, %mul3A_1131 : i32
          %swap3A_1133 = arith.index_cast %mul3A_1132 : i32 to index
          %swap3A_1134 = tpu.vector_load %arg9[%swap3A_1133] {strides = array<i32>} : memref<4096xf32, #tpu.memory_space<vmem>>, vector<16xf32>,
          tpu.vector_store %arg9[%swap3A_1133], %exp3A_213 {add = true, strides = array<i32>} : memref<4096xf32, #tpu.memory_space<vmem>>, vector<16xf32>,
          %swap3A_1135 = arith.index_cast %mul3A_1132 : i32 to index
          %swap3A_1136 = tpu.vector_load %arg10[%swap3A_1135] {strides = array<i32>} : memref<4096xf32, #tpu.memory_space<vmem>>, vector<16xf32>,
          tpu.vector_store %arg10[%swap3A_1135], %mul3A_239 {add = true, strides = array<i32>} : memref<4096xf32, #tpu.memory_space<vmem>>, vector<16xf32>,
          %swap3A_1137 = arith.index_cast %mul3A_1132 : i32 to index
          %swap3A_1138 = tpu.vector_load %arg11[%swap3A_1137] {strides = array<i32>} : memref<4096xf32, #tpu.memory_space<vmem>>, vector<16xf32>,
          tpu.vector_store %arg11[%swap3A_1137], %broadcast_in_dim3A_16 {add = true, strides = array<i32>} : memref<4096xf32, #tpu.memory_space<vmem>>, vector<16xf32>,
          %slice3A_1139 = vector.extract_strided_slice %get3A_106 {offsets = [6], sizes = [1], strides = [1]} : vector<16xi32> to vector<1xi32>
          %squeeze3A_1140 = vector.extract %slice3A_1139[0] : i32 from vector<1xi32>
          %mul3A_1141 = arith.constant 16 : i32
          %mul3A_1142 = arith.muli %squeeze3A_1140, %mul3A_1141 : i32
          %swap3A_1143 = arith.index_cast %mul3A_1142 : i32 to index
          %swap3A_1144 = tpu.vector_load %arg9[%swap3A_1143] {strides = array<i32>} : memref<4096xf32, #tpu.memory_space<vmem>>, vector<16xf32>,
          tpu.vector_store %arg9[%swap3A_1143], %exp3A_215 {add = true, strides = array<i32>} : memref<4096xf32, #tpu.memory_space<vmem>>, vector<16xf32>,
          %swap3A_1145 = arith.index_cast %mul3A_1142 : i32 to index
          %swap3A_1146 = tpu.vector_load %arg10[%swap3A_1145] {strides = array<i32>} : memref<4096xf32, #tpu.memory_space<vmem>>, vector<16xf32>,
          tpu.vector_store %arg10[%swap3A_1145], %mul3A_240 {add = true, strides = array<i32>} : memref<4096xf32, #tpu.memory_space<vmem>>, vector<16xf32>,
          %swap3A_1147 = arith.index_cast %mul3A_1142 : i32 to index
          %swap3A_1148 = tpu.vector_load %arg11[%swap3A_1147] {strides = array<i32>} : memref<4096xf32, #tpu.memory_space<vmem>>, vector<16xf32>,
          tpu.vector_store %arg11[%swap3A_1147], %broadcast_in_dim3A_16 {add = true, strides = array<i32>} : memref<4096xf32, #tpu.memory_space<vmem>>, vector<16xf32>,
          %slice3A_1149 = vector.extract_strided_slice %get3A_106 {offsets = [7], sizes = [1], strides = [1]} : vector<16xi32> to vector<1xi32>
          %squeeze3A_1150 = vector.extract %slice3A_1149[0] : i32 from vector<1xi32>
          %mul3A_1151 = arith.constant 16 : i32
          %mul3A_1152 = arith.muli %squeeze3A_1150, %mul3A_1151 : i32
          %swap3A_1153 = arith.index_cast %mul3A_1152 : i32 to index
          %swap3A_1154 = tpu.vector_load %arg9[%swap3A_1153] {strides = array<i32>} : memref<4096xf32, #tpu.memory_space<vmem>>, vector<16xf32>,
          tpu.vector_store %arg9[%swap3A_1153], %exp3A_217 {add = true, strides = array<i32>} : memref<4096xf32, #tpu.memory_space<vmem>>, vector<16xf32>,
          %swap3A_1155 = arith.index_cast %mul3A_1152 : i32 to index
          %swap3A_1156 = tpu.vector_load %arg10[%swap3A_1155] {strides = array<i32>} : memref<4096xf32, #tpu.memory_space<vmem>>, vector<16xf32>,
          tpu.vector_store %arg10[%swap3A_1155], %mul3A_241 {add = true, strides = array<i32>} : memref<4096xf32, #tpu.memory_space<vmem>>, vector<16xf32>,
          %swap3A_1157 = arith.index_cast %mul3A_1152 : i32 to index
          %swap3A_1158 = tpu.vector_load %arg11[%swap3A_1157] {strides = array<i32>} : memref<4096xf32, #tpu.memory_space<vmem>>, vector<16xf32>,
          tpu.vector_store %arg11[%swap3A_1157], %broadcast_in_dim3A_16 {add = true, strides = array<i32>} : memref<4096xf32, #tpu.memory_space<vmem>>, vector<16xf32>,
          %slice3A_1159 = vector.extract_strided_slice %get3A_106 {offsets = [8], sizes = [1], strides = [1]} : vector<16xi32> to vector<1xi32>
          %squeeze3A_1160 = vector.extract %slice3A_1159[0] : i32 from vector<1xi32>
          %mul3A_1161 = arith.constant 16 : i32
          %mul3A_1162 = arith.muli %squeeze3A_1160, %mul3A_1161 : i32
          %swap3A_1163 = arith.index_cast %mul3A_1162 : i32 to index
          %swap3A_1164 = tpu.vector_load %arg9[%swap3A_1163] {strides = array<i32>} : memref<4096xf32, #tpu.memory_space<vmem>>, vector<16xf32>,
          tpu.vector_store %arg9[%swap3A_1163], %exp3A_219 {add = true, strides = array<i32>} : memref<4096xf32, #tpu.memory_space<vmem>>, vector<16xf32>,
          %swap3A_1165 = arith.index_cast %mul3A_1162 : i32 to index
          %swap3A_1166 = tpu.vector_load %arg10[%swap3A_1165] {strides = array<i32>} : memref<4096xf32, #tpu.memory_space<vmem>>, vector<16xf32>,
          tpu.vector_store %arg10[%swap3A_1165], %mul3A_242 {add = true, strides = array<i32>} : memref<4096xf32, #tpu.memory_space<vmem>>, vector<16xf32>,
          %swap3A_1167 = arith.index_cast %mul3A_1162 : i32 to index
          %swap3A_1168 = tpu.vector_load %arg11[%swap3A_1167] {strides = array<i32>} : memref<4096xf32, #tpu.memory_space<vmem>>, vector<16xf32>,
          tpu.vector_store %arg11[%swap3A_1167], %broadcast_in_dim3A_16 {add = true, strides = array<i32>} : memref<4096xf32, #tpu.memory_space<vmem>>, vector<16xf32>,
          %slice3A_1169 = vector.extract_strided_slice %get3A_106 {offsets = [9], sizes = [1], strides = [1]} : vector<16xi32> to vector<1xi32>
          %squeeze3A_1170 = vector.extract %slice3A_1169[0] : i32 from vector<1xi32>
          %mul3A_1171 = arith.constant 16 : i32
          %mul3A_1172 = arith.muli %squeeze3A_1170, %mul3A_1171 : i32
          %swap3A_1173 = arith.index_cast %mul3A_1172 : i32 to index
          %swap3A_1174 = tpu.vector_load %arg9[%swap3A_1173] {strides = array<i32>} : memref<4096xf32, #tpu.memory_space<vmem>>, vector<16xf32>,
          tpu.vector_store %arg9[%swap3A_1173], %exp3A_221 {add = true, strides = array<i32>} : memref<4096xf32, #tpu.memory_space<vmem>>, vector<16xf32>,
          %swap3A_1175 = arith.index_cast %mul3A_1172 : i32 to index
          %swap3A_1176 = tpu.vector_load %arg10[%swap3A_1175] {strides = array<i32>} : memref<4096xf32, #tpu.memory_space<vmem>>, vector<16xf32>,
          tpu.vector_store %arg10[%swap3A_1175], %mul3A_243 {add = true, strides = array<i32>} : memref<4096xf32, #tpu.memory_space<vmem>>, vector<16xf32>,
          %swap3A_1177 = arith.index_cast %mul3A_1172 : i32 to index
          %swap3A_1178 = tpu.vector_load %arg11[%swap3A_1177] {strides = array<i32>} : memref<4096xf32, #tpu.memory_space<vmem>>, vector<16xf32>,
          tpu.vector_store %arg11[%swap3A_1177], %broadcast_in_dim3A_16 {add = true, strides = array<i32>} : memref<4096xf32, #tpu.memory_space<vmem>>, vector<16xf32>,
          %slice3A_1179 = vector.extract_strided_slice %get3A_106 {offsets = [10], sizes = [1], strides = [1]} : vector<16xi32> to vector<1xi32>
          %squeeze3A_1180 = vector.extract %slice3A_1179[0] : i32 from vector<1xi32>
          %mul3A_1181 = arith.constant 16 : i32
          %mul3A_1182 = arith.muli %squeeze3A_1180, %mul3A_1181 : i32
          %swap3A_1183 = arith.index_cast %mul3A_1182 : i32 to index
          %swap3A_1184 = tpu.vector_load %arg9[%swap3A_1183] {strides = array<i32>} : memref<4096xf32, #tpu.memory_space<vmem>>, vector<16xf32>,
          tpu.vector_store %arg9[%swap3A_1183], %exp3A_223 {add = true, strides = array<i32>} : memref<4096xf32, #tpu.memory_space<vmem>>, vector<16xf32>,
          %swap3A_1185 = arith.index_cast %mul3A_1182 : i32 to index
          %swap3A_1186 = tpu.vector_load %arg10[%swap3A_1185] {strides = array<i32>} : memref<4096xf32, #tpu.memory_space<vmem>>, vector<16xf32>,
          tpu.vector_store %arg10[%swap3A_1185], %mul3A_244 {add = true, strides = array<i32>} : memref<4096xf32, #tpu.memory_space<vmem>>, vector<16xf32>,
          %swap3A_1187 = arith.index_cast %mul3A_1182 : i32 to index
          %swap3A_1188 = tpu.vector_load %arg11[%swap3A_1187] {strides = array<i32>} : memref<4096xf32, #tpu.memory_space<vmem>>, vector<16xf32>,
          tpu.vector_store %arg11[%swap3A_1187], %broadcast_in_dim3A_16 {add = true, strides = array<i32>} : memref<4096xf32, #tpu.memory_space<vmem>>, vector<16xf32>,
          %slice3A_1189 = vector.extract_strided_slice %get3A_106 {offsets = [11], sizes = [1], strides = [1]} : vector<16xi32> to vector<1xi32>
          %squeeze3A_1190 = vector.extract %slice3A_1189[0] : i32 from vector<1xi32>
          %mul3A_1191 = arith.constant 16 : i32
          %mul3A_1192 = arith.muli %squeeze3A_1190, %mul3A_1191 : i32
          %swap3A_1193 = arith.index_cast %mul3A_1192 : i32 to index
          %swap3A_1194 = tpu.vector_load %arg9[%swap3A_1193] {strides = array<i32>} : memref<4096xf32, #tpu.memory_space<vmem>>, vector<16xf32>,
          tpu.vector_store %arg9[%swap3A_1193], %exp3A_225 {add = true, strides = array<i32>} : memref<4096xf32, #tpu.memory_space<vmem>>, vector<16xf32>,
          %swap3A_1195 = arith.index_cast %mul3A_1192 : i32 to index
          %swap3A_1196 = tpu.vector_load %arg10[%swap3A_1195] {strides = array<i32>} : memref<4096xf32, #tpu.memory_space<vmem>>, vector<16xf32>,
          tpu.vector_store %arg10[%swap3A_1195], %mul3A_245 {add = true, strides = array<i32>} : memref<4096xf32, #tpu.memory_space<vmem>>, vector<16xf32>,
          %swap3A_1197 = arith.index_cast %mul3A_1192 : i32 to index
          %swap3A_1198 = tpu.vector_load %arg11[%swap3A_1197] {strides = array<i32>} : memref<4096xf32, #tpu.memory_space<vmem>>, vector<16xf32>,
          tpu.vector_store %arg11[%swap3A_1197], %broadcast_in_dim3A_16 {add = true, strides = array<i32>} : memref<4096xf32, #tpu.memory_space<vmem>>, vector<16xf32>,
          %slice3A_1199 = vector.extract_strided_slice %get3A_106 {offsets = [12], sizes = [1], strides = [1]} : vector<16xi32> to vector<1xi32>
          %squeeze3A_1200 = vector.extract %slice3A_1199[0] : i32 from vector<1xi32>
          %mul3A_1201 = arith.constant 16 : i32
          %mul3A_1202 = arith.muli %squeeze3A_1200, %mul3A_1201 : i32
          %swap3A_1203 = arith.index_cast %mul3A_1202 : i32 to index
          %swap3A_1204 = tpu.vector_load %arg9[%swap3A_1203] {strides = array<i32>} : memref<4096xf32, #tpu.memory_space<vmem>>, vector<16xf32>,
          tpu.vector_store %arg9[%swap3A_1203], %exp3A_227 {add = true, strides = array<i32>} : memref<4096xf32, #tpu.memory_space<vmem>>, vector<16xf32>,
          %swap3A_1205 = arith.index_cast %mul3A_1202 : i32 to index
          %swap3A_1206 = tpu.vector_load %arg10[%swap3A_1205] {strides = array<i32>} : memref<4096xf32, #tpu.memory_space<vmem>>, vector<16xf32>,
          tpu.vector_store %arg10[%swap3A_1205], %mul3A_246 {add = true, strides = array<i32>} : memref<4096xf32, #tpu.memory_space<vmem>>, vector<16xf32>,
          %swap3A_1207 = arith.index_cast %mul3A_1202 : i32 to index
          %swap3A_1208 = tpu.vector_load %arg11[%swap3A_1207] {strides = array<i32>} : memref<4096xf32, #tpu.memory_space<vmem>>, vector<16xf32>,
          tpu.vector_store %arg11[%swap3A_1207], %broadcast_in_dim3A_16 {add = true, strides = array<i32>} : memref<4096xf32, #tpu.memory_space<vmem>>, vector<16xf32>,
          %slice3A_1209 = vector.extract_strided_slice %get3A_106 {offsets = [13], sizes = [1], strides = [1]} : vector<16xi32> to vector<1xi32>
          %squeeze3A_1210 = vector.extract %slice3A_1209[0] : i32 from vector<1xi32>
          %mul3A_1211 = arith.constant 16 : i32
          %mul3A_1212 = arith.muli %squeeze3A_1210, %mul3A_1211 : i32
          %swap3A_1213 = arith.index_cast %mul3A_1212 : i32 to index
          %swap3A_1214 = tpu.vector_load %arg9[%swap3A_1213] {strides = array<i32>} : memref<4096xf32, #tpu.memory_space<vmem>>, vector<16xf32>,
          tpu.vector_store %arg9[%swap3A_1213], %exp3A_229 {add = true, strides = array<i32>} : memref<4096xf32, #tpu.memory_space<vmem>>, vector<16xf32>,
          %swap3A_1215 = arith.index_cast %mul3A_1212 : i32 to index
          %swap3A_1216 = tpu.vector_load %arg10[%swap3A_1215] {strides = array<i32>} : memref<4096xf32, #tpu.memory_space<vmem>>, vector<16xf32>,
          tpu.vector_store %arg10[%swap3A_1215], %mul3A_247 {add = true, strides = array<i32>} : memref<4096xf32, #tpu.memory_space<vmem>>, vector<16xf32>,
          %swap3A_1217 = arith.index_cast %mul3A_1212 : i32 to index
          %swap3A_1218 = tpu.vector_load %arg11[%swap3A_1217] {strides = array<i32>} : memref<4096xf32, #tpu.memory_space<vmem>>, vector<16xf32>,
          tpu.vector_store %arg11[%swap3A_1217], %broadcast_in_dim3A_16 {add = true, strides = array<i32>} : memref<4096xf32, #tpu.memory_space<vmem>>, vector<16xf32>,
          %slice3A_1219 = vector.extract_strided_slice %get3A_106 {offsets = [14], sizes = [1], strides = [1]} : vector<16xi32> to vector<1xi32>
          %squeeze3A_1220 = vector.extract %slice3A_1219[0] : i32 from vector<1xi32>
          %mul3A_1221 = arith.constant 16 : i32
          %mul3A_1222 = arith.muli %squeeze3A_1220, %mul3A_1221 : i32
          %swap3A_1223 = arith.index_cast %mul3A_1222 : i32 to index
          %swap3A_1224 = tpu.vector_load %arg9[%swap3A_1223] {strides = array<i32>} : memref<4096xf32, #tpu.memory_space<vmem>>, vector<16xf32>,
          tpu.vector_store %arg9[%swap3A_1223], %exp3A_231 {add = true, strides = array<i32>} : memref<4096xf32, #tpu.memory_space<vmem>>, vector<16xf32>,
          %swap3A_1225 = arith.index_cast %mul3A_1222 : i32 to index
          %swap3A_1226 = tpu.vector_load %arg10[%swap3A_1225] {strides = array<i32>} : memref<4096xf32, #tpu.memory_space<vmem>>, vector<16xf32>,
          tpu.vector_store %arg10[%swap3A_1225], %mul3A_248 {add = true, strides = array<i32>} : memref<4096xf32, #tpu.memory_space<vmem>>, vector<16xf32>,
          %swap3A_1227 = arith.index_cast %mul3A_1222 : i32 to index
          %swap3A_1228 = tpu.vector_load %arg11[%swap3A_1227] {strides = array<i32>} : memref<4096xf32, #tpu.memory_space<vmem>>, vector<16xf32>,
          tpu.vector_store %arg11[%swap3A_1227], %broadcast_in_dim3A_16 {add = true, strides = array<i32>} : memref<4096xf32, #tpu.memory_space<vmem>>, vector<16xf32>,
          %slice3A_1229 = vector.extract_strided_slice %get3A_106 {offsets = [15], sizes = [1], strides = [1]} : vector<16xi32> to vector<1xi32>
          %squeeze3A_1230 = vector.extract %slice3A_1229[0] : i32 from vector<1xi32>
          %mul3A_1231 = arith.constant 16 : i32
          %mul3A_1232 = arith.muli %squeeze3A_1230, %mul3A_1231 : i32
          %swap3A_1233 = arith.index_cast %mul3A_1232 : i32 to index
          %swap3A_1234 = tpu.vector_load %arg9[%swap3A_1233] {strides = array<i32>} : memref<4096xf32, #tpu.memory_space<vmem>>, vector<16xf32>,
          tpu.vector_store %arg9[%swap3A_1233], %exp3A_233 {add = true, strides = array<i32>} : memref<4096xf32, #tpu.memory_space<vmem>>, vector<16xf32>,
          %swap3A_1235 = arith.index_cast %mul3A_1232 : i32 to index
          %swap3A_1236 = tpu.vector_load %arg10[%swap3A_1235] {strides = array<i32>} : memref<4096xf32, #tpu.memory_space<vmem>>, vector<16xf32>,
          tpu.vector_store %arg10[%swap3A_1235], %mul3A_249 {add = true, strides = array<i32>} : memref<4096xf32, #tpu.memory_space<vmem>>, vector<16xf32>,
          %swap3A_1237 = arith.index_cast %mul3A_1232 : i32 to index
          %swap3A_1238 = tpu.vector_load %arg11[%swap3A_1237] {strides = array<i32>} : memref<4096xf32, #tpu.memory_space<vmem>>, vector<16xf32>,
          tpu.vector_store %arg11[%swap3A_1237], %broadcast_in_dim3A_16 {add = true, strides = array<i32>} : memref<4096xf32, #tpu.memory_space<vmem>>, vector<16xf32>,
        } else {
        }
        %add3A_292 = arith.constant 16 : i32
        %add3A_293 = arith.addi %mul3A_99, %add3A_292 : i32
        %mul3A_294 = arith.constant 2000 : i32
        %mul3A_295 = arith.muli %rem3A_63, %mul3A_294 : i32
        %add3A_296 = arith.addi %mul3A_295, %add3A_293 : i32
        %get3A_297 = arith.index_cast %add3A_296 : i32 to index
        %get3A_298 = tpu.vector_load %arg7[%get3A_297] {strides = array<i32>} : memref<4000xi32, #tpu.memory_space<vmem>>, vector<16xi32>,
        %add3A_299 = arith.constant 0 : i32
        %add3A_300 = arith.addi %add3A_293, %add3A_299 : i32
        %get3A_301 = arith.index_cast %rem3A_63 : i32 to index
        %get3A_302 = arith.index_cast %add3A_300 : i32 to index
        %get3A_303 = arith.constant 0 : index
        %get3A_304 = tpu.vector_load %arg6[%get3A_301, %get3A_302, %get3A_303] {strides = array<i32>} : memref<2x2000x16xf32, #tpu.memory_space<vmem>>, vector<16xf32>,
        %add3A_305 = arith.constant 1 : i32
        %add3A_306 = arith.addi %add3A_293, %add3A_305 : i32
        %get3A_307 = arith.index_cast %rem3A_63 : i32 to index
        %get3A_308 = arith.index_cast %add3A_306 : i32 to index
        %get3A_309 = arith.constant 0 : index
        %get3A_310 = tpu.vector_load %arg6[%get3A_307, %get3A_308, %get3A_309] {strides = array<i32>} : memref<2x2000x16xf32, #tpu.memory_space<vmem>>, vector<16xf32>,
        %add3A_311 = arith.constant 2 : i32
        %add3A_312 = arith.addi %add3A_293, %add3A_311 : i32
        %get3A_313 = arith.index_cast %rem3A_63 : i32 to index
        %get3A_314 = arith.index_cast %add3A_312 : i32 to index
        %get3A_315 = arith.constant 0 : index
        %get3A_316 = tpu.vector_load %arg6[%get3A_313, %get3A_314, %get3A_315] {strides = array<i32>} : memref<2x2000x16xf32, #tpu.memory_space<vmem>>, vector<16xf32>,
        %add3A_317 = arith.constant 3 : i32
        %add3A_318 = arith.addi %add3A_293, %add3A_317 : i32
        %get3A_319 = arith.index_cast %rem3A_63 : i32 to index
        %get3A_320 = arith.index_cast %add3A_318 : i32 to index
        %get3A_321 = arith.constant 0 : index
        %get3A_322 = tpu.vector_load %arg6[%get3A_319, %get3A_320, %get3A_321] {strides = array<i32>} : memref<2x2000x16xf32, #tpu.memory_space<vmem>>, vector<16xf32>,
        %add3A_323 = arith.constant 4 : i32
        %add3A_324 = arith.addi %add3A_293, %add3A_323 : i32
        %get3A_325 = arith.index_cast %rem3A_63 : i32 to index
        %get3A_326 = arith.index_cast %add3A_324 : i32 to index
        %get3A_327 = arith.constant 0 : index
        %get3A_328 = tpu.vector_load %arg6[%get3A_325, %get3A_326, %get3A_327] {strides = array<i32>} : memref<2x2000x16xf32, #tpu.memory_space<vmem>>, vector<16xf32>,
        %add3A_329 = arith.constant 5 : i32
        %add3A_330 = arith.addi %add3A_293, %add3A_329 : i32
        %get3A_331 = arith.index_cast %rem3A_63 : i32 to index
        %get3A_332 = arith.index_cast %add3A_330 : i32 to index
        %get3A_333 = arith.constant 0 : index
        %get3A_334 = tpu.vector_load %arg6[%get3A_331, %get3A_332, %get3A_333] {strides = array<i32>} : memref<2x2000x16xf32, #tpu.memory_space<vmem>>, vector<16xf32>,
        %add3A_335 = arith.constant 6 : i32
        %add3A_336 = arith.addi %add3A_293, %add3A_335 : i32
        %get3A_337 = arith.index_cast %rem3A_63 : i32 to index
        %get3A_338 = arith.index_cast %add3A_336 : i32 to index
        %get3A_339 = arith.constant 0 : index
        %get3A_340 = tpu.vector_load %arg6[%get3A_337, %get3A_338, %get3A_339] {strides = array<i32>} : memref<2x2000x16xf32, #tpu.memory_space<vmem>>, vector<16xf32>,
        %add3A_341 = arith.constant 7 : i32
        %add3A_342 = arith.addi %add3A_293, %add3A_341 : i32
        %get3A_343 = arith.index_cast %rem3A_63 : i32 to index
        %get3A_344 = arith.index_cast %add3A_342 : i32 to index
        %get3A_345 = arith.constant 0 : index
        %get3A_346 = tpu.vector_load %arg6[%get3A_343, %get3A_344, %get3A_345] {strides = array<i32>} : memref<2x2000x16xf32, #tpu.memory_space<vmem>>, vector<16xf32>,
        %add3A_347 = arith.constant 8 : i32
        %add3A_348 = arith.addi %add3A_293, %add3A_347 : i32
        %get3A_349 = arith.index_cast %rem3A_63 : i32 to index
        %get3A_350 = arith.index_cast %add3A_348 : i32 to index
        %get3A_351 = arith.constant 0 : index
        %get3A_352 = tpu.vector_load %arg6[%get3A_349, %get3A_350, %get3A_351] {strides = array<i32>} : memref<2x2000x16xf32, #tpu.memory_space<vmem>>, vector<16xf32>,
        %add3A_353 = arith.constant 9 : i32
        %add3A_354 = arith.addi %add3A_293, %add3A_353 : i32
        %get3A_355 = arith.index_cast %rem3A_63 : i32 to index
        %get3A_356 = arith.index_cast %add3A_354 : i32 to index
        %get3A_357 = arith.constant 0 : index
        %get3A_358 = tpu.vector_load %arg6[%get3A_355, %get3A_356, %get3A_357] {strides = array<i32>} : memref<2x2000x16xf32, #tpu.memory_space<vmem>>, vector<16xf32>,
        %add3A_359 = arith.constant 10 : i32
        %add3A_360 = arith.addi %add3A_293, %add3A_359 : i32
        %get3A_361 = arith.index_cast %rem3A_63 : i32 to index
        %get3A_362 = arith.index_cast %add3A_360 : i32 to index
        %get3A_363 = arith.constant 0 : index
        %get3A_364 = tpu.vector_load %arg6[%get3A_361, %get3A_362, %get3A_363] {strides = array<i32>} : memref<2x2000x16xf32, #tpu.memory_space<vmem>>, vector<16xf32>,
        %add3A_365 = arith.constant 11 : i32
        %add3A_366 = arith.addi %add3A_293, %add3A_365 : i32
        %get3A_367 = arith.index_cast %rem3A_63 : i32 to index
        %get3A_368 = arith.index_cast %add3A_366 : i32 to index
        %get3A_369 = arith.constant 0 : index
        %get3A_370 = tpu.vector_load %arg6[%get3A_367, %get3A_368, %get3A_369] {strides = array<i32>} : memref<2x2000x16xf32, #tpu.memory_space<vmem>>, vector<16xf32>,
        %add3A_371 = arith.constant 12 : i32
        %add3A_372 = arith.addi %add3A_293, %add3A_371 : i32
        %get3A_373 = arith.index_cast %rem3A_63 : i32 to index
        %get3A_374 = arith.index_cast %add3A_372 : i32 to index
        %get3A_375 = arith.constant 0 : index
        %get3A_376 = tpu.vector_load %arg6[%get3A_373, %get3A_374, %get3A_375] {strides = array<i32>} : memref<2x2000x16xf32, #tpu.memory_space<vmem>>, vector<16xf32>,
        %add3A_377 = arith.constant 13 : i32
        %add3A_378 = arith.addi %add3A_293, %add3A_377 : i32
        %get3A_379 = arith.index_cast %rem3A_63 : i32 to index
        %get3A_380 = arith.index_cast %add3A_378 : i32 to index
        %get3A_381 = arith.constant 0 : index
        %get3A_382 = tpu.vector_load %arg6[%get3A_379, %get3A_380, %get3A_381] {strides = array<i32>} : memref<2x2000x16xf32, #tpu.memory_space<vmem>>, vector<16xf32>,
        %add3A_383 = arith.constant 14 : i32
        %add3A_384 = arith.addi %add3A_293, %add3A_383 : i32
        %get3A_385 = arith.index_cast %rem3A_63 : i32 to index
        %get3A_386 = arith.index_cast %add3A_384 : i32 to index
        %get3A_387 = arith.constant 0 : index
        %get3A_388 = tpu.vector_load %arg6[%get3A_385, %get3A_386, %get3A_387] {strides = array<i32>} : memref<2x2000x16xf32, #tpu.memory_space<vmem>>, vector<16xf32>,
        %add3A_389 = arith.constant 15 : i32
        %add3A_390 = arith.addi %add3A_293, %add3A_389 : i32
        %get3A_391 = arith.index_cast %rem3A_63 : i32 to index
        %get3A_392 = arith.index_cast %add3A_390 : i32 to index
        %get3A_393 = arith.constant 0 : index
        %get3A_394 = tpu.vector_load %arg6[%get3A_391, %get3A_392, %get3A_393] {strides = array<i32>} : memref<2x2000x16xf32, #tpu.memory_space<vmem>>, vector<16xf32>,
        %mul3A_395 = arith.mulf %get3A_304, %get3A_5 : vector<16xf32>
        %exp3A_396 = math.exp %mul3A_395 : vector<16xf32>
        %mul3A_397 = arith.mulf %get3A_310, %get3A_5 : vector<16xf32>
        %exp3A_398 = math.exp %mul3A_397 : vector<16xf32>
        %mul3A_399 = arith.mulf %get3A_316, %get3A_5 : vector<16xf32>
        %exp3A_400 = math.exp %mul3A_399 : vector<16xf32>
        %mul3A_401 = arith.mulf %get3A_322, %get3A_5 : vector<16xf32>
        %exp3A_402 = math.exp %mul3A_401 : vector<16xf32>
        %mul3A_403 = arith.mulf %get3A_328, %get3A_5 : vector<16xf32>
        %exp3A_404 = math.exp %mul3A_403 : vector<16xf32>
        %mul3A_405 = arith.mulf %get3A_334, %get3A_5 : vector<16xf32>
        %exp3A_406 = math.exp %mul3A_405 : vector<16xf32>
        %mul3A_407 = arith.mulf %get3A_340, %get3A_5 : vector<16xf32>
        %exp3A_408 = math.exp %mul3A_407 : vector<16xf32>
        %mul3A_409 = arith.mulf %get3A_346, %get3A_5 : vector<16xf32>
        %exp3A_410 = math.exp %mul3A_409 : vector<16xf32>
        %mul3A_411 = arith.mulf %get3A_352, %get3A_5 : vector<16xf32>
        %exp3A_412 = math.exp %mul3A_411 : vector<16xf32>
        %mul3A_413 = arith.mulf %get3A_358, %get3A_5 : vector<16xf32>
        %exp3A_414 = math.exp %mul3A_413 : vector<16xf32>
        %mul3A_415 = arith.mulf %get3A_364, %get3A_5 : vector<16xf32>
        %exp3A_416 = math.exp %mul3A_415 : vector<16xf32>
        %mul3A_417 = arith.mulf %get3A_370, %get3A_5 : vector<16xf32>
        %exp3A_418 = math.exp %mul3A_417 : vector<16xf32>
        %mul3A_419 = arith.mulf %get3A_376, %get3A_5 : vector<16xf32>
        %exp3A_420 = math.exp %mul3A_419 : vector<16xf32>
        %mul3A_421 = arith.mulf %get3A_382, %get3A_5 : vector<16xf32>
        %exp3A_422 = math.exp %mul3A_421 : vector<16xf32>
        %mul3A_423 = arith.mulf %get3A_388, %get3A_5 : vector<16xf32>
        %exp3A_424 = math.exp %mul3A_423 : vector<16xf32>
        %mul3A_425 = arith.mulf %get3A_394, %get3A_5 : vector<16xf32>
        %exp3A_426 = math.exp %mul3A_425 : vector<16xf32>
        %mul3A_427 = arith.mulf %get3A_304, %exp3A_396 : vector<16xf32>
        %mul3A_428 = arith.mulf %get3A_310, %exp3A_398 : vector<16xf32>
        %mul3A_429 = arith.mulf %get3A_316, %exp3A_400 : vector<16xf32>
        %mul3A_430 = arith.mulf %get3A_322, %exp3A_402 : vector<16xf32>
        %mul3A_431 = arith.mulf %get3A_328, %exp3A_404 : vector<16xf32>
        %mul3A_432 = arith.mulf %get3A_334, %exp3A_406 : vector<16xf32>
        %mul3A_433 = arith.mulf %get3A_340, %exp3A_408 : vector<16xf32>
        %mul3A_434 = arith.mulf %get3A_346, %exp3A_410 : vector<16xf32>
        %mul3A_435 = arith.mulf %get3A_352, %exp3A_412 : vector<16xf32>
        %mul3A_436 = arith.mulf %get3A_358, %exp3A_414 : vector<16xf32>
        %mul3A_437 = arith.mulf %get3A_364, %exp3A_416 : vector<16xf32>
        %mul3A_438 = arith.mulf %get3A_370, %exp3A_418 : vector<16xf32>
        %mul3A_439 = arith.mulf %get3A_376, %exp3A_420 : vector<16xf32>
        %mul3A_440 = arith.mulf %get3A_382, %exp3A_422 : vector<16xf32>
        %mul3A_441 = arith.mulf %get3A_388, %exp3A_424 : vector<16xf32>
        %mul3A_442 = arith.mulf %get3A_394, %exp3A_426 : vector<16xf32>
        %add3A_443 = arith.addf %exp3A_396, %exp3A_398 : vector<16xf32>
        %add3A_444 = arith.addf %exp3A_400, %exp3A_402 : vector<16xf32>
        %add3A_445 = arith.addf %exp3A_404, %exp3A_406 : vector<16xf32>
        %add3A_446 = arith.addf %exp3A_408, %exp3A_410 : vector<16xf32>
        %add3A_447 = arith.addf %exp3A_412, %exp3A_414 : vector<16xf32>
        %add3A_448 = arith.addf %exp3A_416, %exp3A_418 : vector<16xf32>
        %add3A_449 = arith.addf %exp3A_420, %exp3A_422 : vector<16xf32>
        %add3A_450 = arith.addf %exp3A_424, %exp3A_426 : vector<16xf32>
        %add3A_451 = arith.addf %mul3A_427, %mul3A_428 : vector<16xf32>
        %add3A_452 = arith.addf %mul3A_429, %mul3A_430 : vector<16xf32>
        %add3A_453 = arith.addf %mul3A_431, %mul3A_432 : vector<16xf32>
        %add3A_454 = arith.addf %mul3A_433, %mul3A_434 : vector<16xf32>
        %add3A_455 = arith.addf %mul3A_435, %mul3A_436 : vector<16xf32>
        %add3A_456 = arith.addf %mul3A_437, %mul3A_438 : vector<16xf32>
        %add3A_457 = arith.addf %mul3A_439, %mul3A_440 : vector<16xf32>
        %add3A_458 = arith.addf %mul3A_441, %mul3A_442 : vector<16xf32>
        %add3A_459 = arith.addf %add3A_443, %add3A_444 : vector<16xf32>
        %add3A_460 = arith.addf %add3A_445, %add3A_446 : vector<16xf32>
        %add3A_461 = arith.addf %add3A_447, %add3A_448 : vector<16xf32>
        %add3A_462 = arith.addf %add3A_449, %add3A_450 : vector<16xf32>
        %add3A_463 = arith.addf %add3A_451, %add3A_452 : vector<16xf32>
        %add3A_464 = arith.addf %add3A_453, %add3A_454 : vector<16xf32>
        %add3A_465 = arith.addf %add3A_455, %add3A_456 : vector<16xf32>
        %add3A_466 = arith.addf %add3A_457, %add3A_458 : vector<16xf32>
        %add3A_467 = arith.addf %add3A_459, %add3A_460 : vector<16xf32>
        %add3A_468 = arith.addf %add3A_461, %add3A_462 : vector<16xf32>
        %add3A_469 = arith.addf %add3A_463, %add3A_464 : vector<16xf32>
        %add3A_470 = arith.addf %add3A_465, %add3A_466 : vector<16xf32>
        %add3A_471 = arith.addf %add3A_467, %add3A_468 : vector<16xf32>
        %add3A_472 = arith.addf %add3A_469, %add3A_470 : vector<16xf32>
        %slice3A_473 = vector.extract_strided_slice %get3A_298 {offsets = [0], sizes = [1], strides = [1]} : vector<16xi32> to vector<1xi32>
        %squeeze3A_474 = vector.extract %slice3A_473[0] : i32 from vector<1xi32>
        %slice3A_475 = vector.extract_strided_slice %get3A_298 {offsets = [15], sizes = [1], strides = [1]} : vector<16xi32> to vector<1xi32>
        %squeeze3A_476 = vector.extract %slice3A_475[0] : i32 from vector<1xi32>
        %eq3A_477 = arith.cmpi eq, %squeeze3A_474, %squeeze3A_476 : i32
        %convert_element_type3A_478 = arith.extui %eq3A_477 : i1 to i32
        %cond3A_479 = arith.constant 0 : i32
        %cond3A_480 = arith.cmpi ne, %convert_element_type3A_478, %cond3A_479 : i32
        scf.if %cond3A_480 {
          %slice3A_1080 = vector.extract_strided_slice %get3A_298 {offsets = [0], sizes = [1], strides = [1]} : vector<16xi32> to vector<1xi32>
          %squeeze3A_1081 = vector.extract %slice3A_1080[0] : i32 from vector<1xi32>
          %mul3A_1082 = arith.constant 16 : i32
          %mul3A_1083 = arith.muli %squeeze3A_1081, %mul3A_1082 : i32
          %swap3A = arith.index_cast %mul3A_1083 : i32 to index
          %swap3A_1084 = tpu.vector_load %arg9[%swap3A] {strides = array<i32>} : memref<4096xf32, #tpu.memory_space<vmem>>, vector<16xf32>,
          tpu.vector_store %arg9[%swap3A], %add3A_471 {add = true, strides = array<i32>} : memref<4096xf32, #tpu.memory_space<vmem>>, vector<16xf32>,
          %swap3A_1085 = arith.index_cast %mul3A_1083 : i32 to index
          %swap3A_1086 = tpu.vector_load %arg10[%swap3A_1085] {strides = array<i32>} : memref<4096xf32, #tpu.memory_space<vmem>>, vector<16xf32>,
          tpu.vector_store %arg10[%swap3A_1085], %add3A_472 {add = true, strides = array<i32>} : memref<4096xf32, #tpu.memory_space<vmem>>, vector<16xf32>,
          %swap3A_1087 = arith.index_cast %mul3A_1083 : i32 to index
          %swap3A_1088 = tpu.vector_load %arg11[%swap3A_1087] {strides = array<i32>} : memref<4096xf32, #tpu.memory_space<vmem>>, vector<16xf32>,
          tpu.vector_store %arg11[%swap3A_1087], %broadcast_in_dim3A_18 {add = true, strides = array<i32>} : memref<4096xf32, #tpu.memory_space<vmem>>, vector<16xf32>,
        } else {
        }
        %slice3A_481 = vector.extract_strided_slice %get3A_298 {offsets = [0], sizes = [1], strides = [1]} : vector<16xi32> to vector<1xi32>
        %squeeze3A_482 = vector.extract %slice3A_481[0] : i32 from vector<1xi32>
        %slice3A_483 = vector.extract_strided_slice %get3A_298 {offsets = [15], sizes = [1], strides = [1]} : vector<16xi32> to vector<1xi32>
        %squeeze3A_484 = vector.extract %slice3A_483[0] : i32 from vector<1xi32>
        %ne3A_485 = arith.cmpi ne, %squeeze3A_482, %squeeze3A_484 : i32
        %convert_element_type3A_486 = arith.extui %ne3A_485 : i1 to i32
        %cond3A_487 = arith.constant 0 : i32
        %cond3A_488 = arith.cmpi ne, %convert_element_type3A_486, %cond3A_487 : i32
        scf.if %cond3A_488 {
          %slice3A_1080 = vector.extract_strided_slice %get3A_298 {offsets = [0], sizes = [1], strides = [1]} : vector<16xi32> to vector<1xi32>
          %squeeze3A_1081 = vector.extract %slice3A_1080[0] : i32 from vector<1xi32>
          %mul3A_1082 = arith.constant 16 : i32
          %mul3A_1083 = arith.muli %squeeze3A_1081, %mul3A_1082 : i32
          %swap3A = arith.index_cast %mul3A_1083 : i32 to index
          %swap3A_1084 = tpu.vector_load %arg9[%swap3A] {strides = array<i32>} : memref<4096xf32, #tpu.memory_space<vmem>>, vector<16xf32>,
          tpu.vector_store %arg9[%swap3A], %exp3A_396 {add = true, strides = array<i32>} : memref<4096xf32, #tpu.memory_space<vmem>>, vector<16xf32>,
          %swap3A_1085 = arith.index_cast %mul3A_1083 : i32 to index
          %swap3A_1086 = tpu.vector_load %arg10[%swap3A_1085] {strides = array<i32>} : memref<4096xf32, #tpu.memory_space<vmem>>, vector<16xf32>,
          tpu.vector_store %arg10[%swap3A_1085], %mul3A_427 {add = true, strides = array<i32>} : memref<4096xf32, #tpu.memory_space<vmem>>, vector<16xf32>,
          %swap3A_1087 = arith.index_cast %mul3A_1083 : i32 to index
          %swap3A_1088 = tpu.vector_load %arg11[%swap3A_1087] {strides = array<i32>} : memref<4096xf32, #tpu.memory_space<vmem>>, vector<16xf32>,
          tpu.vector_store %arg11[%swap3A_1087], %broadcast_in_dim3A_16 {add = true, strides = array<i32>} : memref<4096xf32, #tpu.memory_space<vmem>>, vector<16xf32>,
          %slice3A_1089 = vector.extract_strided_slice %get3A_298 {offsets = [1], sizes = [1], strides = [1]} : vector<16xi32> to vector<1xi32>
          %squeeze3A_1090 = vector.extract %slice3A_1089[0] : i32 from vector<1xi32>
          %mul3A_1091 = arith.constant 16 : i32
          %mul3A_1092 = arith.muli %squeeze3A_1090, %mul3A_1091 : i32
          %swap3A_1093 = arith.index_cast %mul3A_1092 : i32 to index
          %swap3A_1094 = tpu.vector_load %arg9[%swap3A_1093] {strides = array<i32>} : memref<4096xf32, #tpu.memory_space<vmem>>, vector<16xf32>,
          tpu.vector_store %arg9[%swap3A_1093], %exp3A_398 {add = true, strides = array<i32>} : memref<4096xf32, #tpu.memory_space<vmem>>, vector<16xf32>,
          %swap3A_1095 = arith.index_cast %mul3A_1092 : i32 to index
          %swap3A_1096 = tpu.vector_load %arg10[%swap3A_1095] {strides = array<i32>} : memref<4096xf32, #tpu.memory_space<vmem>>, vector<16xf32>,
          tpu.vector_store %arg10[%swap3A_1095], %mul3A_428 {add = true, strides = array<i32>} : memref<4096xf32, #tpu.memory_space<vmem>>, vector<16xf32>,
          %swap3A_1097 = arith.index_cast %mul3A_1092 : i32 to index
          %swap3A_1098 = tpu.vector_load %arg11[%swap3A_1097] {strides = array<i32>} : memref<4096xf32, #tpu.memory_space<vmem>>, vector<16xf32>,
          tpu.vector_store %arg11[%swap3A_1097], %broadcast_in_dim3A_16 {add = true, strides = array<i32>} : memref<4096xf32, #tpu.memory_space<vmem>>, vector<16xf32>,
          %slice3A_1099 = vector.extract_strided_slice %get3A_298 {offsets = [2], sizes = [1], strides = [1]} : vector<16xi32> to vector<1xi32>
          %squeeze3A_1100 = vector.extract %slice3A_1099[0] : i32 from vector<1xi32>
          %mul3A_1101 = arith.constant 16 : i32
          %mul3A_1102 = arith.muli %squeeze3A_1100, %mul3A_1101 : i32
          %swap3A_1103 = arith.index_cast %mul3A_1102 : i32 to index
          %swap3A_1104 = tpu.vector_load %arg9[%swap3A_1103] {strides = array<i32>} : memref<4096xf32, #tpu.memory_space<vmem>>, vector<16xf32>,
          tpu.vector_store %arg9[%swap3A_1103], %exp3A_400 {add = true, strides = array<i32>} : memref<4096xf32, #tpu.memory_space<vmem>>, vector<16xf32>,
          %swap3A_1105 = arith.index_cast %mul3A_1102 : i32 to index
          %swap3A_1106 = tpu.vector_load %arg10[%swap3A_1105] {strides = array<i32>} : memref<4096xf32, #tpu.memory_space<vmem>>, vector<16xf32>,
          tpu.vector_store %arg10[%swap3A_1105], %mul3A_429 {add = true, strides = array<i32>} : memref<4096xf32, #tpu.memory_space<vmem>>, vector<16xf32>,
          %swap3A_1107 = arith.index_cast %mul3A_1102 : i32 to index
          %swap3A_1108 = tpu.vector_load %arg11[%swap3A_1107] {strides = array<i32>} : memref<4096xf32, #tpu.memory_space<vmem>>, vector<16xf32>,
          tpu.vector_store %arg11[%swap3A_1107], %broadcast_in_dim3A_16 {add = true, strides = array<i32>} : memref<4096xf32, #tpu.memory_space<vmem>>, vector<16xf32>,
          %slice3A_1109 = vector.extract_strided_slice %get3A_298 {offsets = [3], sizes = [1], strides = [1]} : vector<16xi32> to vector<1xi32>
          %squeeze3A_1110 = vector.extract %slice3A_1109[0] : i32 from vector<1xi32>
          %mul3A_1111 = arith.constant 16 : i32
          %mul3A_1112 = arith.muli %squeeze3A_1110, %mul3A_1111 : i32
          %swap3A_1113 = arith.index_cast %mul3A_1112 : i32 to index
          %swap3A_1114 = tpu.vector_load %arg9[%swap3A_1113] {strides = array<i32>} : memref<4096xf32, #tpu.memory_space<vmem>>, vector<16xf32>,
          tpu.vector_store %arg9[%swap3A_1113], %exp3A_402 {add = true, strides = array<i32>} : memref<4096xf32, #tpu.memory_space<vmem>>, vector<16xf32>,
          %swap3A_1115 = arith.index_cast %mul3A_1112 : i32 to index
          %swap3A_1116 = tpu.vector_load %arg10[%swap3A_1115] {strides = array<i32>} : memref<4096xf32, #tpu.memory_space<vmem>>, vector<16xf32>,
          tpu.vector_store %arg10[%swap3A_1115], %mul3A_430 {add = true, strides = array<i32>} : memref<4096xf32, #tpu.memory_space<vmem>>, vector<16xf32>,
          %swap3A_1117 = arith.index_cast %mul3A_1112 : i32 to index
          %swap3A_1118 = tpu.vector_load %arg11[%swap3A_1117] {strides = array<i32>} : memref<4096xf32, #tpu.memory_space<vmem>>, vector<16xf32>,
          tpu.vector_store %arg11[%swap3A_1117], %broadcast_in_dim3A_16 {add = true, strides = array<i32>} : memref<4096xf32, #tpu.memory_space<vmem>>, vector<16xf32>,
          %slice3A_1119 = vector.extract_strided_slice %get3A_298 {offsets = [4], sizes = [1], strides = [1]} : vector<16xi32> to vector<1xi32>
          %squeeze3A_1120 = vector.extract %slice3A_1119[0] : i32 from vector<1xi32>
          %mul3A_1121 = arith.constant 16 : i32
          %mul3A_1122 = arith.muli %squeeze3A_1120, %mul3A_1121 : i32
          %swap3A_1123 = arith.index_cast %mul3A_1122 : i32 to index
          %swap3A_1124 = tpu.vector_load %arg9[%swap3A_1123] {strides = array<i32>} : memref<4096xf32, #tpu.memory_space<vmem>>, vector<16xf32>,
          tpu.vector_store %arg9[%swap3A_1123], %exp3A_404 {add = true, strides = array<i32>} : memref<4096xf32, #tpu.memory_space<vmem>>, vector<16xf32>,
          %swap3A_1125 = arith.index_cast %mul3A_1122 : i32 to index
          %swap3A_1126 = tpu.vector_load %arg10[%swap3A_1125] {strides = array<i32>} : memref<4096xf32, #tpu.memory_space<vmem>>, vector<16xf32>,
          tpu.vector_store %arg10[%swap3A_1125], %mul3A_431 {add = true, strides = array<i32>} : memref<4096xf32, #tpu.memory_space<vmem>>, vector<16xf32>,
          %swap3A_1127 = arith.index_cast %mul3A_1122 : i32 to index
          %swap3A_1128 = tpu.vector_load %arg11[%swap3A_1127] {strides = array<i32>} : memref<4096xf32, #tpu.memory_space<vmem>>, vector<16xf32>,
          tpu.vector_store %arg11[%swap3A_1127], %broadcast_in_dim3A_16 {add = true, strides = array<i32>} : memref<4096xf32, #tpu.memory_space<vmem>>, vector<16xf32>,
          %slice3A_1129 = vector.extract_strided_slice %get3A_298 {offsets = [5], sizes = [1], strides = [1]} : vector<16xi32> to vector<1xi32>
          %squeeze3A_1130 = vector.extract %slice3A_1129[0] : i32 from vector<1xi32>
          %mul3A_1131 = arith.constant 16 : i32
          %mul3A_1132 = arith.muli %squeeze3A_1130, %mul3A_1131 : i32
          %swap3A_1133 = arith.index_cast %mul3A_1132 : i32 to index
          %swap3A_1134 = tpu.vector_load %arg9[%swap3A_1133] {strides = array<i32>} : memref<4096xf32, #tpu.memory_space<vmem>>, vector<16xf32>,
          tpu.vector_store %arg9[%swap3A_1133], %exp3A_406 {add = true, strides = array<i32>} : memref<4096xf32, #tpu.memory_space<vmem>>, vector<16xf32>,
          %swap3A_1135 = arith.index_cast %mul3A_1132 : i32 to index
          %swap3A_1136 = tpu.vector_load %arg10[%swap3A_1135] {strides = array<i32>} : memref<4096xf32, #tpu.memory_space<vmem>>, vector<16xf32>,
          tpu.vector_store %arg10[%swap3A_1135], %mul3A_432 {add = true, strides = array<i32>} : memref<4096xf32, #tpu.memory_space<vmem>>, vector<16xf32>,
          %swap3A_1137 = arith.index_cast %mul3A_1132 : i32 to index
          %swap3A_1138 = tpu.vector_load %arg11[%swap3A_1137] {strides = array<i32>} : memref<4096xf32, #tpu.memory_space<vmem>>, vector<16xf32>,
          tpu.vector_store %arg11[%swap3A_1137], %broadcast_in_dim3A_16 {add = true, strides = array<i32>} : memref<4096xf32, #tpu.memory_space<vmem>>, vector<16xf32>,
          %slice3A_1139 = vector.extract_strided_slice %get3A_298 {offsets = [6], sizes = [1], strides = [1]} : vector<16xi32> to vector<1xi32>
          %squeeze3A_1140 = vector.extract %slice3A_1139[0] : i32 from vector<1xi32>
          %mul3A_1141 = arith.constant 16 : i32
          %mul3A_1142 = arith.muli %squeeze3A_1140, %mul3A_1141 : i32
          %swap3A_1143 = arith.index_cast %mul3A_1142 : i32 to index
          %swap3A_1144 = tpu.vector_load %arg9[%swap3A_1143] {strides = array<i32>} : memref<4096xf32, #tpu.memory_space<vmem>>, vector<16xf32>,
          tpu.vector_store %arg9[%swap3A_1143], %exp3A_408 {add = true, strides = array<i32>} : memref<4096xf32, #tpu.memory_space<vmem>>, vector<16xf32>,
          %swap3A_1145 = arith.index_cast %mul3A_1142 : i32 to index
          %swap3A_1146 = tpu.vector_load %arg10[%swap3A_1145] {strides = array<i32>} : memref<4096xf32, #tpu.memory_space<vmem>>, vector<16xf32>,
          tpu.vector_store %arg10[%swap3A_1145], %mul3A_433 {add = true, strides = array<i32>} : memref<4096xf32, #tpu.memory_space<vmem>>, vector<16xf32>,
          %swap3A_1147 = arith.index_cast %mul3A_1142 : i32 to index
          %swap3A_1148 = tpu.vector_load %arg11[%swap3A_1147] {strides = array<i32>} : memref<4096xf32, #tpu.memory_space<vmem>>, vector<16xf32>,
          tpu.vector_store %arg11[%swap3A_1147], %broadcast_in_dim3A_16 {add = true, strides = array<i32>} : memref<4096xf32, #tpu.memory_space<vmem>>, vector<16xf32>,
          %slice3A_1149 = vector.extract_strided_slice %get3A_298 {offsets = [7], sizes = [1], strides = [1]} : vector<16xi32> to vector<1xi32>
          %squeeze3A_1150 = vector.extract %slice3A_1149[0] : i32 from vector<1xi32>
          %mul3A_1151 = arith.constant 16 : i32
          %mul3A_1152 = arith.muli %squeeze3A_1150, %mul3A_1151 : i32
          %swap3A_1153 = arith.index_cast %mul3A_1152 : i32 to index
          %swap3A_1154 = tpu.vector_load %arg9[%swap3A_1153] {strides = array<i32>} : memref<4096xf32, #tpu.memory_space<vmem>>, vector<16xf32>,
          tpu.vector_store %arg9[%swap3A_1153], %exp3A_410 {add = true, strides = array<i32>} : memref<4096xf32, #tpu.memory_space<vmem>>, vector<16xf32>,
          %swap3A_1155 = arith.index_cast %mul3A_1152 : i32 to index
          %swap3A_1156 = tpu.vector_load %arg10[%swap3A_1155] {strides = array<i32>} : memref<4096xf32, #tpu.memory_space<vmem>>, vector<16xf32>,
          tpu.vector_store %arg10[%swap3A_1155], %mul3A_434 {add = true, strides = array<i32>} : memref<4096xf32, #tpu.memory_space<vmem>>, vector<16xf32>,
          %swap3A_1157 = arith.index_cast %mul3A_1152 : i32 to index
          %swap3A_1158 = tpu.vector_load %arg11[%swap3A_1157] {strides = array<i32>} : memref<4096xf32, #tpu.memory_space<vmem>>, vector<16xf32>,
          tpu.vector_store %arg11[%swap3A_1157], %broadcast_in_dim3A_16 {add = true, strides = array<i32>} : memref<4096xf32, #tpu.memory_space<vmem>>, vector<16xf32>,
          %slice3A_1159 = vector.extract_strided_slice %get3A_298 {offsets = [8], sizes = [1], strides = [1]} : vector<16xi32> to vector<1xi32>
          %squeeze3A_1160 = vector.extract %slice3A_1159[0] : i32 from vector<1xi32>
          %mul3A_1161 = arith.constant 16 : i32
          %mul3A_1162 = arith.muli %squeeze3A_1160, %mul3A_1161 : i32
          %swap3A_1163 = arith.index_cast %mul3A_1162 : i32 to index
          %swap3A_1164 = tpu.vector_load %arg9[%swap3A_1163] {strides = array<i32>} : memref<4096xf32, #tpu.memory_space<vmem>>, vector<16xf32>,
          tpu.vector_store %arg9[%swap3A_1163], %exp3A_412 {add = true, strides = array<i32>} : memref<4096xf32, #tpu.memory_space<vmem>>, vector<16xf32>,
          %swap3A_1165 = arith.index_cast %mul3A_1162 : i32 to index
          %swap3A_1166 = tpu.vector_load %arg10[%swap3A_1165] {strides = array<i32>} : memref<4096xf32, #tpu.memory_space<vmem>>, vector<16xf32>,
          tpu.vector_store %arg10[%swap3A_1165], %mul3A_435 {add = true, strides = array<i32>} : memref<4096xf32, #tpu.memory_space<vmem>>, vector<16xf32>,
          %swap3A_1167 = arith.index_cast %mul3A_1162 : i32 to index
          %swap3A_1168 = tpu.vector_load %arg11[%swap3A_1167] {strides = array<i32>} : memref<4096xf32, #tpu.memory_space<vmem>>, vector<16xf32>,
          tpu.vector_store %arg11[%swap3A_1167], %broadcast_in_dim3A_16 {add = true, strides = array<i32>} : memref<4096xf32, #tpu.memory_space<vmem>>, vector<16xf32>,
          %slice3A_1169 = vector.extract_strided_slice %get3A_298 {offsets = [9], sizes = [1], strides = [1]} : vector<16xi32> to vector<1xi32>
          %squeeze3A_1170 = vector.extract %slice3A_1169[0] : i32 from vector<1xi32>
          %mul3A_1171 = arith.constant 16 : i32
          %mul3A_1172 = arith.muli %squeeze3A_1170, %mul3A_1171 : i32
          %swap3A_1173 = arith.index_cast %mul3A_1172 : i32 to index
          %swap3A_1174 = tpu.vector_load %arg9[%swap3A_1173] {strides = array<i32>} : memref<4096xf32, #tpu.memory_space<vmem>>, vector<16xf32>,
          tpu.vector_store %arg9[%swap3A_1173], %exp3A_414 {add = true, strides = array<i32>} : memref<4096xf32, #tpu.memory_space<vmem>>, vector<16xf32>,
          %swap3A_1175 = arith.index_cast %mul3A_1172 : i32 to index
          %swap3A_1176 = tpu.vector_load %arg10[%swap3A_1175] {strides = array<i32>} : memref<4096xf32, #tpu.memory_space<vmem>>, vector<16xf32>,
          tpu.vector_store %arg10[%swap3A_1175], %mul3A_436 {add = true, strides = array<i32>} : memref<4096xf32, #tpu.memory_space<vmem>>, vector<16xf32>,
          %swap3A_1177 = arith.index_cast %mul3A_1172 : i32 to index
          %swap3A_1178 = tpu.vector_load %arg11[%swap3A_1177] {strides = array<i32>} : memref<4096xf32, #tpu.memory_space<vmem>>, vector<16xf32>,
          tpu.vector_store %arg11[%swap3A_1177], %broadcast_in_dim3A_16 {add = true, strides = array<i32>} : memref<4096xf32, #tpu.memory_space<vmem>>, vector<16xf32>,
          %slice3A_1179 = vector.extract_strided_slice %get3A_298 {offsets = [10], sizes = [1], strides = [1]} : vector<16xi32> to vector<1xi32>
          %squeeze3A_1180 = vector.extract %slice3A_1179[0] : i32 from vector<1xi32>
          %mul3A_1181 = arith.constant 16 : i32
          %mul3A_1182 = arith.muli %squeeze3A_1180, %mul3A_1181 : i32
          %swap3A_1183 = arith.index_cast %mul3A_1182 : i32 to index
          %swap3A_1184 = tpu.vector_load %arg9[%swap3A_1183] {strides = array<i32>} : memref<4096xf32, #tpu.memory_space<vmem>>, vector<16xf32>,
          tpu.vector_store %arg9[%swap3A_1183], %exp3A_416 {add = true, strides = array<i32>} : memref<4096xf32, #tpu.memory_space<vmem>>, vector<16xf32>,
          %swap3A_1185 = arith.index_cast %mul3A_1182 : i32 to index
          %swap3A_1186 = tpu.vector_load %arg10[%swap3A_1185] {strides = array<i32>} : memref<4096xf32, #tpu.memory_space<vmem>>, vector<16xf32>,
          tpu.vector_store %arg10[%swap3A_1185], %mul3A_437 {add = true, strides = array<i32>} : memref<4096xf32, #tpu.memory_space<vmem>>, vector<16xf32>,
          %swap3A_1187 = arith.index_cast %mul3A_1182 : i32 to index
          %swap3A_1188 = tpu.vector_load %arg11[%swap3A_1187] {strides = array<i32>} : memref<4096xf32, #tpu.memory_space<vmem>>, vector<16xf32>,
          tpu.vector_store %arg11[%swap3A_1187], %broadcast_in_dim3A_16 {add = true, strides = array<i32>} : memref<4096xf32, #tpu.memory_space<vmem>>, vector<16xf32>,
          %slice3A_1189 = vector.extract_strided_slice %get3A_298 {offsets = [11], sizes = [1], strides = [1]} : vector<16xi32> to vector<1xi32>
          %squeeze3A_1190 = vector.extract %slice3A_1189[0] : i32 from vector<1xi32>
          %mul3A_1191 = arith.constant 16 : i32
          %mul3A_1192 = arith.muli %squeeze3A_1190, %mul3A_1191 : i32
          %swap3A_1193 = arith.index_cast %mul3A_1192 : i32 to index
          %swap3A_1194 = tpu.vector_load %arg9[%swap3A_1193] {strides = array<i32>} : memref<4096xf32, #tpu.memory_space<vmem>>, vector<16xf32>,
          tpu.vector_store %arg9[%swap3A_1193], %exp3A_418 {add = true, strides = array<i32>} : memref<4096xf32, #tpu.memory_space<vmem>>, vector<16xf32>,
          %swap3A_1195 = arith.index_cast %mul3A_1192 : i32 to index
          %swap3A_1196 = tpu.vector_load %arg10[%swap3A_1195] {strides = array<i32>} : memref<4096xf32, #tpu.memory_space<vmem>>, vector<16xf32>,
          tpu.vector_store %arg10[%swap3A_1195], %mul3A_438 {add = true, strides = array<i32>} : memref<4096xf32, #tpu.memory_space<vmem>>, vector<16xf32>,
          %swap3A_1197 = arith.index_cast %mul3A_1192 : i32 to index
          %swap3A_1198 = tpu.vector_load %arg11[%swap3A_1197] {strides = array<i32>} : memref<4096xf32, #tpu.memory_space<vmem>>, vector<16xf32>,
          tpu.vector_store %arg11[%swap3A_1197], %broadcast_in_dim3A_16 {add = true, strides = array<i32>} : memref<4096xf32, #tpu.memory_space<vmem>>, vector<16xf32>,
          %slice3A_1199 = vector.extract_strided_slice %get3A_298 {offsets = [12], sizes = [1], strides = [1]} : vector<16xi32> to vector<1xi32>
          %squeeze3A_1200 = vector.extract %slice3A_1199[0] : i32 from vector<1xi32>
          %mul3A_1201 = arith.constant 16 : i32
          %mul3A_1202 = arith.muli %squeeze3A_1200, %mul3A_1201 : i32
          %swap3A_1203 = arith.index_cast %mul3A_1202 : i32 to index
          %swap3A_1204 = tpu.vector_load %arg9[%swap3A_1203] {strides = array<i32>} : memref<4096xf32, #tpu.memory_space<vmem>>, vector<16xf32>,
          tpu.vector_store %arg9[%swap3A_1203], %exp3A_420 {add = true, strides = array<i32>} : memref<4096xf32, #tpu.memory_space<vmem>>, vector<16xf32>,
          %swap3A_1205 = arith.index_cast %mul3A_1202 : i32 to index
          %swap3A_1206 = tpu.vector_load %arg10[%swap3A_1205] {strides = array<i32>} : memref<4096xf32, #tpu.memory_space<vmem>>, vector<16xf32>,
          tpu.vector_store %arg10[%swap3A_1205], %mul3A_439 {add = true, strides = array<i32>} : memref<4096xf32, #tpu.memory_space<vmem>>, vector<16xf32>,
          %swap3A_1207 = arith.index_cast %mul3A_1202 : i32 to index
          %swap3A_1208 = tpu.vector_load %arg11[%swap3A_1207] {strides = array<i32>} : memref<4096xf32, #tpu.memory_space<vmem>>, vector<16xf32>,
          tpu.vector_store %arg11[%swap3A_1207], %broadcast_in_dim3A_16 {add = true, strides = array<i32>} : memref<4096xf32, #tpu.memory_space<vmem>>, vector<16xf32>,
          %slice3A_1209 = vector.extract_strided_slice %get3A_298 {offsets = [13], sizes = [1], strides = [1]} : vector<16xi32> to vector<1xi32>
          %squeeze3A_1210 = vector.extract %slice3A_1209[0] : i32 from vector<1xi32>
          %mul3A_1211 = arith.constant 16 : i32
          %mul3A_1212 = arith.muli %squeeze3A_1210, %mul3A_1211 : i32
          %swap3A_1213 = arith.index_cast %mul3A_1212 : i32 to index
          %swap3A_1214 = tpu.vector_load %arg9[%swap3A_1213] {strides = array<i32>} : memref<4096xf32, #tpu.memory_space<vmem>>, vector<16xf32>,
          tpu.vector_store %arg9[%swap3A_1213], %exp3A_422 {add = true, strides = array<i32>} : memref<4096xf32, #tpu.memory_space<vmem>>, vector<16xf32>,
          %swap3A_1215 = arith.index_cast %mul3A_1212 : i32 to index
          %swap3A_1216 = tpu.vector_load %arg10[%swap3A_1215] {strides = array<i32>} : memref<4096xf32, #tpu.memory_space<vmem>>, vector<16xf32>,
          tpu.vector_store %arg10[%swap3A_1215], %mul3A_440 {add = true, strides = array<i32>} : memref<4096xf32, #tpu.memory_space<vmem>>, vector<16xf32>,
          %swap3A_1217 = arith.index_cast %mul3A_1212 : i32 to index
          %swap3A_1218 = tpu.vector_load %arg11[%swap3A_1217] {strides = array<i32>} : memref<4096xf32, #tpu.memory_space<vmem>>, vector<16xf32>,
          tpu.vector_store %arg11[%swap3A_1217], %broadcast_in_dim3A_16 {add = true, strides = array<i32>} : memref<4096xf32, #tpu.memory_space<vmem>>, vector<16xf32>,
          %slice3A_1219 = vector.extract_strided_slice %get3A_298 {offsets = [14], sizes = [1], strides = [1]} : vector<16xi32> to vector<1xi32>
          %squeeze3A_1220 = vector.extract %slice3A_1219[0] : i32 from vector<1xi32>
          %mul3A_1221 = arith.constant 16 : i32
          %mul3A_1222 = arith.muli %squeeze3A_1220, %mul3A_1221 : i32
          %swap3A_1223 = arith.index_cast %mul3A_1222 : i32 to index
          %swap3A_1224 = tpu.vector_load %arg9[%swap3A_1223] {strides = array<i32>} : memref<4096xf32, #tpu.memory_space<vmem>>, vector<16xf32>,
          tpu.vector_store %arg9[%swap3A_1223], %exp3A_424 {add = true, strides = array<i32>} : memref<4096xf32, #tpu.memory_space<vmem>>, vector<16xf32>,
          %swap3A_1225 = arith.index_cast %mul3A_1222 : i32 to index
          %swap3A_1226 = tpu.vector_load %arg10[%swap3A_1225] {strides = array<i32>} : memref<4096xf32, #tpu.memory_space<vmem>>, vector<16xf32>,
          tpu.vector_store %arg10[%swap3A_1225], %mul3A_441 {add = true, strides = array<i32>} : memref<4096xf32, #tpu.memory_space<vmem>>, vector<16xf32>,
          %swap3A_1227 = arith.index_cast %mul3A_1222 : i32 to index
          %swap3A_1228 = tpu.vector_load %arg11[%swap3A_1227] {strides = array<i32>} : memref<4096xf32, #tpu.memory_space<vmem>>, vector<16xf32>,
          tpu.vector_store %arg11[%swap3A_1227], %broadcast_in_dim3A_16 {add = true, strides = array<i32>} : memref<4096xf32, #tpu.memory_space<vmem>>, vector<16xf32>,
          %slice3A_1229 = vector.extract_strided_slice %get3A_298 {offsets = [15], sizes = [1], strides = [1]} : vector<16xi32> to vector<1xi32>
          %squeeze3A_1230 = vector.extract %slice3A_1229[0] : i32 from vector<1xi32>
          %mul3A_1231 = arith.constant 16 : i32
          %mul3A_1232 = arith.muli %squeeze3A_1230, %mul3A_1231 : i32
          %swap3A_1233 = arith.index_cast %mul3A_1232 : i32 to index
          %swap3A_1234 = tpu.vector_load %arg9[%swap3A_1233] {strides = array<i32>} : memref<4096xf32, #tpu.memory_space<vmem>>, vector<16xf32>,
          tpu.vector_store %arg9[%swap3A_1233], %exp3A_426 {add = true, strides = array<i32>} : memref<4096xf32, #tpu.memory_space<vmem>>, vector<16xf32>,
          %swap3A_1235 = arith.index_cast %mul3A_1232 : i32 to index
          %swap3A_1236 = tpu.vector_load %arg10[%swap3A_1235] {strides = array<i32>} : memref<4096xf32, #tpu.memory_space<vmem>>, vector<16xf32>,
          tpu.vector_store %arg10[%swap3A_1235], %mul3A_442 {add = true, strides = array<i32>} : memref<4096xf32, #tpu.memory_space<vmem>>, vector<16xf32>,
          %swap3A_1237 = arith.index_cast %mul3A_1232 : i32 to index
          %swap3A_1238 = tpu.vector_load %arg11[%swap3A_1237] {strides = array<i32>} : memref<4096xf32, #tpu.memory_space<vmem>>, vector<16xf32>,
          tpu.vector_store %arg11[%swap3A_1237], %broadcast_in_dim3A_16 {add = true, strides = array<i32>} : memref<4096xf32, #tpu.memory_space<vmem>>, vector<16xf32>,
        } else {
        }
        %add3A_489 = arith.constant 32 : i32
        %add3A_490 = arith.addi %mul3A_99, %add3A_489 : i32
        %mul3A_491 = arith.constant 2000 : i32
        %mul3A_492 = arith.muli %rem3A_63, %mul3A_491 : i32
        %add3A_493 = arith.addi %mul3A_492, %add3A_490 : i32
        %get3A_494 = arith.index_cast %add3A_493 : i32 to index
        %get3A_495 = tpu.vector_load %arg7[%get3A_494] {strides = array<i32>} : memref<4000xi32, #tpu.memory_space<vmem>>, vector<16xi32>,
        %add3A_496 = arith.constant 0 : i32
        %add3A_497 = arith.addi %add3A_490, %add3A_496 : i32
        %get3A_498 = arith.index_cast %rem3A_63 : i32 to index
        %get3A_499 = arith.index_cast %add3A_497 : i32 to index
        %get3A_500 = arith.constant 0 : index
        %get3A_501 = tpu.vector_load %arg6[%get3A_498, %get3A_499, %get3A_500] {strides = array<i32>} : memref<2x2000x16xf32, #tpu.memory_space<vmem>>, vector<16xf32>,
        %add3A_502 = arith.constant 1 : i32
        %add3A_503 = arith.addi %add3A_490, %add3A_502 : i32
        %get3A_504 = arith.index_cast %rem3A_63 : i32 to index
        %get3A_505 = arith.index_cast %add3A_503 : i32 to index
        %get3A_506 = arith.constant 0 : index
        %get3A_507 = tpu.vector_load %arg6[%get3A_504, %get3A_505, %get3A_506] {strides = array<i32>} : memref<2x2000x16xf32, #tpu.memory_space<vmem>>, vector<16xf32>,
        %add3A_508 = arith.constant 2 : i32
        %add3A_509 = arith.addi %add3A_490, %add3A_508 : i32
        %get3A_510 = arith.index_cast %rem3A_63 : i32 to index
        %get3A_511 = arith.index_cast %add3A_509 : i32 to index
        %get3A_512 = arith.constant 0 : index
        %get3A_513 = tpu.vector_load %arg6[%get3A_510, %get3A_511, %get3A_512] {strides = array<i32>} : memref<2x2000x16xf32, #tpu.memory_space<vmem>>, vector<16xf32>,
        %add3A_514 = arith.constant 3 : i32
        %add3A_515 = arith.addi %add3A_490, %add3A_514 : i32
        %get3A_516 = arith.index_cast %rem3A_63 : i32 to index
        %get3A_517 = arith.index_cast %add3A_515 : i32 to index
        %get3A_518 = arith.constant 0 : index
        %get3A_519 = tpu.vector_load %arg6[%get3A_516, %get3A_517, %get3A_518] {strides = array<i32>} : memref<2x2000x16xf32, #tpu.memory_space<vmem>>, vector<16xf32>,
        %add3A_520 = arith.constant 4 : i32
        %add3A_521 = arith.addi %add3A_490, %add3A_520 : i32
        %get3A_522 = arith.index_cast %rem3A_63 : i32 to index
        %get3A_523 = arith.index_cast %add3A_521 : i32 to index
        %get3A_524 = arith.constant 0 : index
        %get3A_525 = tpu.vector_load %arg6[%get3A_522, %get3A_523, %get3A_524] {strides = array<i32>} : memref<2x2000x16xf32, #tpu.memory_space<vmem>>, vector<16xf32>,
        %add3A_526 = arith.constant 5 : i32
        %add3A_527 = arith.addi %add3A_490, %add3A_526 : i32
        %get3A_528 = arith.index_cast %rem3A_63 : i32 to index
        %get3A_529 = arith.index_cast %add3A_527 : i32 to index
        %get3A_530 = arith.constant 0 : index
        %get3A_531 = tpu.vector_load %arg6[%get3A_528, %get3A_529, %get3A_530] {strides = array<i32>} : memref<2x2000x16xf32, #tpu.memory_space<vmem>>, vector<16xf32>,
        %add3A_532 = arith.constant 6 : i32
        %add3A_533 = arith.addi %add3A_490, %add3A_532 : i32
        %get3A_534 = arith.index_cast %rem3A_63 : i32 to index
        %get3A_535 = arith.index_cast %add3A_533 : i32 to index
        %get3A_536 = arith.constant 0 : index
        %get3A_537 = tpu.vector_load %arg6[%get3A_534, %get3A_535, %get3A_536] {strides = array<i32>} : memref<2x2000x16xf32, #tpu.memory_space<vmem>>, vector<16xf32>,
        %add3A_538 = arith.constant 7 : i32
        %add3A_539 = arith.addi %add3A_490, %add3A_538 : i32
        %get3A_540 = arith.index_cast %rem3A_63 : i32 to index
        %get3A_541 = arith.index_cast %add3A_539 : i32 to index
        %get3A_542 = arith.constant 0 : index
        %get3A_543 = tpu.vector_load %arg6[%get3A_540, %get3A_541, %get3A_542] {strides = array<i32>} : memref<2x2000x16xf32, #tpu.memory_space<vmem>>, vector<16xf32>,
        %add3A_544 = arith.constant 8 : i32
        %add3A_545 = arith.addi %add3A_490, %add3A_544 : i32
        %get3A_546 = arith.index_cast %rem3A_63 : i32 to index
        %get3A_547 = arith.index_cast %add3A_545 : i32 to index
        %get3A_548 = arith.constant 0 : index
        %get3A_549 = tpu.vector_load %arg6[%get3A_546, %get3A_547, %get3A_548] {strides = array<i32>} : memref<2x2000x16xf32, #tpu.memory_space<vmem>>, vector<16xf32>,
        %add3A_550 = arith.constant 9 : i32
        %add3A_551 = arith.addi %add3A_490, %add3A_550 : i32
        %get3A_552 = arith.index_cast %rem3A_63 : i32 to index
        %get3A_553 = arith.index_cast %add3A_551 : i32 to index
        %get3A_554 = arith.constant 0 : index
        %get3A_555 = tpu.vector_load %arg6[%get3A_552, %get3A_553, %get3A_554] {strides = array<i32>} : memref<2x2000x16xf32, #tpu.memory_space<vmem>>, vector<16xf32>,
        %add3A_556 = arith.constant 10 : i32
        %add3A_557 = arith.addi %add3A_490, %add3A_556 : i32
        %get3A_558 = arith.index_cast %rem3A_63 : i32 to index
        %get3A_559 = arith.index_cast %add3A_557 : i32 to index
        %get3A_560 = arith.constant 0 : index
        %get3A_561 = tpu.vector_load %arg6[%get3A_558, %get3A_559, %get3A_560] {strides = array<i32>} : memref<2x2000x16xf32, #tpu.memory_space<vmem>>, vector<16xf32>,
        %add3A_562 = arith.constant 11 : i32
        %add3A_563 = arith.addi %add3A_490, %add3A_562 : i32
        %get3A_564 = arith.index_cast %rem3A_63 : i32 to index
        %get3A_565 = arith.index_cast %add3A_563 : i32 to index
        %get3A_566 = arith.constant 0 : index
        %get3A_567 = tpu.vector_load %arg6[%get3A_564, %get3A_565, %get3A_566] {strides = array<i32>} : memref<2x2000x16xf32, #tpu.memory_space<vmem>>, vector<16xf32>,
        %add3A_568 = arith.constant 12 : i32
        %add3A_569 = arith.addi %add3A_490, %add3A_568 : i32
        %get3A_570 = arith.index_cast %rem3A_63 : i32 to index
        %get3A_571 = arith.index_cast %add3A_569 : i32 to index
        %get3A_572 = arith.constant 0 : index
        %get3A_573 = tpu.vector_load %arg6[%get3A_570, %get3A_571, %get3A_572] {strides = array<i32>} : memref<2x2000x16xf32, #tpu.memory_space<vmem>>, vector<16xf32>,
        %add3A_574 = arith.constant 13 : i32
        %add3A_575 = arith.addi %add3A_490, %add3A_574 : i32
        %get3A_576 = arith.index_cast %rem3A_63 : i32 to index
        %get3A_577 = arith.index_cast %add3A_575 : i32 to index
        %get3A_578 = arith.constant 0 : index
        %get3A_579 = tpu.vector_load %arg6[%get3A_576, %get3A_577, %get3A_578] {strides = array<i32>} : memref<2x2000x16xf32, #tpu.memory_space<vmem>>, vector<16xf32>,
        %add3A_580 = arith.constant 14 : i32
        %add3A_581 = arith.addi %add3A_490, %add3A_580 : i32
        %get3A_582 = arith.index_cast %rem3A_63 : i32 to index
        %get3A_583 = arith.index_cast %add3A_581 : i32 to index
        %get3A_584 = arith.constant 0 : index
        %get3A_585 = tpu.vector_load %arg6[%get3A_582, %get3A_583, %get3A_584] {strides = array<i32>} : memref<2x2000x16xf32, #tpu.memory_space<vmem>>, vector<16xf32>,
        %add3A_586 = arith.constant 15 : i32
        %add3A_587 = arith.addi %add3A_490, %add3A_586 : i32
        %get3A_588 = arith.index_cast %rem3A_63 : i32 to index
        %get3A_589 = arith.index_cast %add3A_587 : i32 to index
        %get3A_590 = arith.constant 0 : index
        %get3A_591 = tpu.vector_load %arg6[%get3A_588, %get3A_589, %get3A_590] {strides = array<i32>} : memref<2x2000x16xf32, #tpu.memory_space<vmem>>, vector<16xf32>,
        %mul3A_592 = arith.mulf %get3A_501, %get3A_5 : vector<16xf32>
        %exp3A_593 = math.exp %mul3A_592 : vector<16xf32>
        %mul3A_594 = arith.mulf %get3A_507, %get3A_5 : vector<16xf32>
        %exp3A_595 = math.exp %mul3A_594 : vector<16xf32>
        %mul3A_596 = arith.mulf %get3A_513, %get3A_5 : vector<16xf32>
        %exp3A_597 = math.exp %mul3A_596 : vector<16xf32>
        %mul3A_598 = arith.mulf %get3A_519, %get3A_5 : vector<16xf32>
        %exp3A_599 = math.exp %mul3A_598 : vector<16xf32>
        %mul3A_600 = arith.mulf %get3A_525, %get3A_5 : vector<16xf32>
        %exp3A_601 = math.exp %mul3A_600 : vector<16xf32>
        %mul3A_602 = arith.mulf %get3A_531, %get3A_5 : vector<16xf32>
        %exp3A_603 = math.exp %mul3A_602 : vector<16xf32>
        %mul3A_604 = arith.mulf %get3A_537, %get3A_5 : vector<16xf32>
        %exp3A_605 = math.exp %mul3A_604 : vector<16xf32>
        %mul3A_606 = arith.mulf %get3A_543, %get3A_5 : vector<16xf32>
        %exp3A_607 = math.exp %mul3A_606 : vector<16xf32>
        %mul3A_608 = arith.mulf %get3A_549, %get3A_5 : vector<16xf32>
        %exp3A_609 = math.exp %mul3A_608 : vector<16xf32>
        %mul3A_610 = arith.mulf %get3A_555, %get3A_5 : vector<16xf32>
        %exp3A_611 = math.exp %mul3A_610 : vector<16xf32>
        %mul3A_612 = arith.mulf %get3A_561, %get3A_5 : vector<16xf32>
        %exp3A_613 = math.exp %mul3A_612 : vector<16xf32>
        %mul3A_614 = arith.mulf %get3A_567, %get3A_5 : vector<16xf32>
        %exp3A_615 = math.exp %mul3A_614 : vector<16xf32>
        %mul3A_616 = arith.mulf %get3A_573, %get3A_5 : vector<16xf32>
        %exp3A_617 = math.exp %mul3A_616 : vector<16xf32>
        %mul3A_618 = arith.mulf %get3A_579, %get3A_5 : vector<16xf32>
        %exp3A_619 = math.exp %mul3A_618 : vector<16xf32>
        %mul3A_620 = arith.mulf %get3A_585, %get3A_5 : vector<16xf32>
        %exp3A_621 = math.exp %mul3A_620 : vector<16xf32>
        %mul3A_622 = arith.mulf %get3A_591, %get3A_5 : vector<16xf32>
        %exp3A_623 = math.exp %mul3A_622 : vector<16xf32>
        %mul3A_624 = arith.mulf %get3A_501, %exp3A_593 : vector<16xf32>
        %mul3A_625 = arith.mulf %get3A_507, %exp3A_595 : vector<16xf32>
        %mul3A_626 = arith.mulf %get3A_513, %exp3A_597 : vector<16xf32>
        %mul3A_627 = arith.mulf %get3A_519, %exp3A_599 : vector<16xf32>
        %mul3A_628 = arith.mulf %get3A_525, %exp3A_601 : vector<16xf32>
        %mul3A_629 = arith.mulf %get3A_531, %exp3A_603 : vector<16xf32>
        %mul3A_630 = arith.mulf %get3A_537, %exp3A_605 : vector<16xf32>
        %mul3A_631 = arith.mulf %get3A_543, %exp3A_607 : vector<16xf32>
        %mul3A_632 = arith.mulf %get3A_549, %exp3A_609 : vector<16xf32>
        %mul3A_633 = arith.mulf %get3A_555, %exp3A_611 : vector<16xf32>
        %mul3A_634 = arith.mulf %get3A_561, %exp3A_613 : vector<16xf32>
        %mul3A_635 = arith.mulf %get3A_567, %exp3A_615 : vector<16xf32>
        %mul3A_636 = arith.mulf %get3A_573, %exp3A_617 : vector<16xf32>
        %mul3A_637 = arith.mulf %get3A_579, %exp3A_619 : vector<16xf32>
        %mul3A_638 = arith.mulf %get3A_585, %exp3A_621 : vector<16xf32>
        %mul3A_639 = arith.mulf %get3A_591, %exp3A_623 : vector<16xf32>
        %add3A_640 = arith.addf %exp3A_593, %exp3A_595 : vector<16xf32>
        %add3A_641 = arith.addf %exp3A_597, %exp3A_599 : vector<16xf32>
        %add3A_642 = arith.addf %exp3A_601, %exp3A_603 : vector<16xf32>
        %add3A_643 = arith.addf %exp3A_605, %exp3A_607 : vector<16xf32>
        %add3A_644 = arith.addf %exp3A_609, %exp3A_611 : vector<16xf32>
        %add3A_645 = arith.addf %exp3A_613, %exp3A_615 : vector<16xf32>
        %add3A_646 = arith.addf %exp3A_617, %exp3A_619 : vector<16xf32>
        %add3A_647 = arith.addf %exp3A_621, %exp3A_623 : vector<16xf32>
        %add3A_648 = arith.addf %mul3A_624, %mul3A_625 : vector<16xf32>
        %add3A_649 = arith.addf %mul3A_626, %mul3A_627 : vector<16xf32>
        %add3A_650 = arith.addf %mul3A_628, %mul3A_629 : vector<16xf32>
        %add3A_651 = arith.addf %mul3A_630, %mul3A_631 : vector<16xf32>
        %add3A_652 = arith.addf %mul3A_632, %mul3A_633 : vector<16xf32>
        %add3A_653 = arith.addf %mul3A_634, %mul3A_635 : vector<16xf32>
        %add3A_654 = arith.addf %mul3A_636, %mul3A_637 : vector<16xf32>
        %add3A_655 = arith.addf %mul3A_638, %mul3A_639 : vector<16xf32>
        %add3A_656 = arith.addf %add3A_640, %add3A_641 : vector<16xf32>
        %add3A_657 = arith.addf %add3A_642, %add3A_643 : vector<16xf32>
        %add3A_658 = arith.addf %add3A_644, %add3A_645 : vector<16xf32>
        %add3A_659 = arith.addf %add3A_646, %add3A_647 : vector<16xf32>
        %add3A_660 = arith.addf %add3A_648, %add3A_649 : vector<16xf32>
        %add3A_661 = arith.addf %add3A_650, %add3A_651 : vector<16xf32>
        %add3A_662 = arith.addf %add3A_652, %add3A_653 : vector<16xf32>
        %add3A_663 = arith.addf %add3A_654, %add3A_655 : vector<16xf32>
        %add3A_664 = arith.addf %add3A_656, %add3A_657 : vector<16xf32>
        %add3A_665 = arith.addf %add3A_658, %add3A_659 : vector<16xf32>
        %add3A_666 = arith.addf %add3A_660, %add3A_661 : vector<16xf32>
        %add3A_667 = arith.addf %add3A_662, %add3A_663 : vector<16xf32>
        %add3A_668 = arith.addf %add3A_664, %add3A_665 : vector<16xf32>
        %add3A_669 = arith.addf %add3A_666, %add3A_667 : vector<16xf32>
        %slice3A_670 = vector.extract_strided_slice %get3A_495 {offsets = [0], sizes = [1], strides = [1]} : vector<16xi32> to vector<1xi32>
        %squeeze3A_671 = vector.extract %slice3A_670[0] : i32 from vector<1xi32>
        %slice3A_672 = vector.extract_strided_slice %get3A_495 {offsets = [15], sizes = [1], strides = [1]} : vector<16xi32> to vector<1xi32>
        %squeeze3A_673 = vector.extract %slice3A_672[0] : i32 from vector<1xi32>
        %eq3A_674 = arith.cmpi eq, %squeeze3A_671, %squeeze3A_673 : i32
        %convert_element_type3A_675 = arith.extui %eq3A_674 : i1 to i32
        %cond3A_676 = arith.constant 0 : i32
        %cond3A_677 = arith.cmpi ne, %convert_element_type3A_675, %cond3A_676 : i32
        scf.if %cond3A_677 {
          %slice3A_1080 = vector.extract_strided_slice %get3A_495 {offsets = [0], sizes = [1], strides = [1]} : vector<16xi32> to vector<1xi32>
          %squeeze3A_1081 = vector.extract %slice3A_1080[0] : i32 from vector<1xi32>
          %mul3A_1082 = arith.constant 16 : i32
          %mul3A_1083 = arith.muli %squeeze3A_1081, %mul3A_1082 : i32
          %swap3A = arith.index_cast %mul3A_1083 : i32 to index
          %swap3A_1084 = tpu.vector_load %arg9[%swap3A] {strides = array<i32>} : memref<4096xf32, #tpu.memory_space<vmem>>, vector<16xf32>,
          tpu.vector_store %arg9[%swap3A], %add3A_668 {add = true, strides = array<i32>} : memref<4096xf32, #tpu.memory_space<vmem>>, vector<16xf32>,
          %swap3A_1085 = arith.index_cast %mul3A_1083 : i32 to index
          %swap3A_1086 = tpu.vector_load %arg10[%swap3A_1085] {strides = array<i32>} : memref<4096xf32, #tpu.memory_space<vmem>>, vector<16xf32>,
          tpu.vector_store %arg10[%swap3A_1085], %add3A_669 {add = true, strides = array<i32>} : memref<4096xf32, #tpu.memory_space<vmem>>, vector<16xf32>,
          %swap3A_1087 = arith.index_cast %mul3A_1083 : i32 to index
          %swap3A_1088 = tpu.vector_load %arg11[%swap3A_1087] {strides = array<i32>} : memref<4096xf32, #tpu.memory_space<vmem>>, vector<16xf32>,
          tpu.vector_store %arg11[%swap3A_1087], %broadcast_in_dim3A_18 {add = true, strides = array<i32>} : memref<4096xf32, #tpu.memory_space<vmem>>, vector<16xf32>,
        } else {
        }
        %slice3A_678 = vector.extract_strided_slice %get3A_495 {offsets = [0], sizes = [1], strides = [1]} : vector<16xi32> to vector<1xi32>
        %squeeze3A_679 = vector.extract %slice3A_678[0] : i32 from vector<1xi32>
        %slice3A_680 = vector.extract_strided_slice %get3A_495 {offsets = [15], sizes = [1], strides = [1]} : vector<16xi32> to vector<1xi32>
        %squeeze3A_681 = vector.extract %slice3A_680[0] : i32 from vector<1xi32>
        %ne3A_682 = arith.cmpi ne, %squeeze3A_679, %squeeze3A_681 : i32
        %convert_element_type3A_683 = arith.extui %ne3A_682 : i1 to i32
        %cond3A_684 = arith.constant 0 : i32
        %cond3A_685 = arith.cmpi ne, %convert_element_type3A_683, %cond3A_684 : i32
        scf.if %cond3A_685 {
          %slice3A_1080 = vector.extract_strided_slice %get3A_495 {offsets = [0], sizes = [1], strides = [1]} : vector<16xi32> to vector<1xi32>
          %squeeze3A_1081 = vector.extract %slice3A_1080[0] : i32 from vector<1xi32>
          %mul3A_1082 = arith.constant 16 : i32
          %mul3A_1083 = arith.muli %squeeze3A_1081, %mul3A_1082 : i32
          %swap3A = arith.index_cast %mul3A_1083 : i32 to index
          %swap3A_1084 = tpu.vector_load %arg9[%swap3A] {strides = array<i32>} : memref<4096xf32, #tpu.memory_space<vmem>>, vector<16xf32>,
          tpu.vector_store %arg9[%swap3A], %exp3A_593 {add = true, strides = array<i32>} : memref<4096xf32, #tpu.memory_space<vmem>>, vector<16xf32>,
          %swap3A_1085 = arith.index_cast %mul3A_1083 : i32 to index
          %swap3A_1086 = tpu.vector_load %arg10[%swap3A_1085] {strides = array<i32>} : memref<4096xf32, #tpu.memory_space<vmem>>, vector<16xf32>,
          tpu.vector_store %arg10[%swap3A_1085], %mul3A_624 {add = true, strides = array<i32>} : memref<4096xf32, #tpu.memory_space<vmem>>, vector<16xf32>,
          %swap3A_1087 = arith.index_cast %mul3A_1083 : i32 to index
          %swap3A_1088 = tpu.vector_load %arg11[%swap3A_1087] {strides = array<i32>} : memref<4096xf32, #tpu.memory_space<vmem>>, vector<16xf32>,
          tpu.vector_store %arg11[%swap3A_1087], %broadcast_in_dim3A_16 {add = true, strides = array<i32>} : memref<4096xf32, #tpu.memory_space<vmem>>, vector<16xf32>,
          %slice3A_1089 = vector.extract_strided_slice %get3A_495 {offsets = [1], sizes = [1], strides = [1]} : vector<16xi32> to vector<1xi32>
          %squeeze3A_1090 = vector.extract %slice3A_1089[0] : i32 from vector<1xi32>
          %mul3A_1091 = arith.constant 16 : i32
          %mul3A_1092 = arith.muli %squeeze3A_1090, %mul3A_1091 : i32
          %swap3A_1093 = arith.index_cast %mul3A_1092 : i32 to index
          %swap3A_1094 = tpu.vector_load %arg9[%swap3A_1093] {strides = array<i32>} : memref<4096xf32, #tpu.memory_space<vmem>>, vector<16xf32>,
          tpu.vector_store %arg9[%swap3A_1093], %exp3A_595 {add = true, strides = array<i32>} : memref<4096xf32, #tpu.memory_space<vmem>>, vector<16xf32>,
          %swap3A_1095 = arith.index_cast %mul3A_1092 : i32 to index
          %swap3A_1096 = tpu.vector_load %arg10[%swap3A_1095] {strides = array<i32>} : memref<4096xf32, #tpu.memory_space<vmem>>, vector<16xf32>,
          tpu.vector_store %arg10[%swap3A_1095], %mul3A_625 {add = true, strides = array<i32>} : memref<4096xf32, #tpu.memory_space<vmem>>, vector<16xf32>,
          %swap3A_1097 = arith.index_cast %mul3A_1092 : i32 to index
          %swap3A_1098 = tpu.vector_load %arg11[%swap3A_1097] {strides = array<i32>} : memref<4096xf32, #tpu.memory_space<vmem>>, vector<16xf32>,
          tpu.vector_store %arg11[%swap3A_1097], %broadcast_in_dim3A_16 {add = true, strides = array<i32>} : memref<4096xf32, #tpu.memory_space<vmem>>, vector<16xf32>,
          %slice3A_1099 = vector.extract_strided_slice %get3A_495 {offsets = [2], sizes = [1], strides = [1]} : vector<16xi32> to vector<1xi32>
          %squeeze3A_1100 = vector.extract %slice3A_1099[0] : i32 from vector<1xi32>
          %mul3A_1101 = arith.constant 16 : i32
          %mul3A_1102 = arith.muli %squeeze3A_1100, %mul3A_1101 : i32
          %swap3A_1103 = arith.index_cast %mul3A_1102 : i32 to index
          %swap3A_1104 = tpu.vector_load %arg9[%swap3A_1103] {strides = array<i32>} : memref<4096xf32, #tpu.memory_space<vmem>>, vector<16xf32>,
          tpu.vector_store %arg9[%swap3A_1103], %exp3A_597 {add = true, strides = array<i32>} : memref<4096xf32, #tpu.memory_space<vmem>>, vector<16xf32>,
          %swap3A_1105 = arith.index_cast %mul3A_1102 : i32 to index
          %swap3A_1106 = tpu.vector_load %arg10[%swap3A_1105] {strides = array<i32>} : memref<4096xf32, #tpu.memory_space<vmem>>, vector<16xf32>,
          tpu.vector_store %arg10[%swap3A_1105], %mul3A_626 {add = true, strides = array<i32>} : memref<4096xf32, #tpu.memory_space<vmem>>, vector<16xf32>,
          %swap3A_1107 = arith.index_cast %mul3A_1102 : i32 to index
          %swap3A_1108 = tpu.vector_load %arg11[%swap3A_1107] {strides = array<i32>} : memref<4096xf32, #tpu.memory_space<vmem>>, vector<16xf32>,
          tpu.vector_store %arg11[%swap3A_1107], %broadcast_in_dim3A_16 {add = true, strides = array<i32>} : memref<4096xf32, #tpu.memory_space<vmem>>, vector<16xf32>,
          %slice3A_1109 = vector.extract_strided_slice %get3A_495 {offsets = [3], sizes = [1], strides = [1]} : vector<16xi32> to vector<1xi32>
          %squeeze3A_1110 = vector.extract %slice3A_1109[0] : i32 from vector<1xi32>
          %mul3A_1111 = arith.constant 16 : i32
          %mul3A_1112 = arith.muli %squeeze3A_1110, %mul3A_1111 : i32
          %swap3A_1113 = arith.index_cast %mul3A_1112 : i32 to index
          %swap3A_1114 = tpu.vector_load %arg9[%swap3A_1113] {strides = array<i32>} : memref<4096xf32, #tpu.memory_space<vmem>>, vector<16xf32>,
          tpu.vector_store %arg9[%swap3A_1113], %exp3A_599 {add = true, strides = array<i32>} : memref<4096xf32, #tpu.memory_space<vmem>>, vector<16xf32>,
          %swap3A_1115 = arith.index_cast %mul3A_1112 : i32 to index
          %swap3A_1116 = tpu.vector_load %arg10[%swap3A_1115] {strides = array<i32>} : memref<4096xf32, #tpu.memory_space<vmem>>, vector<16xf32>,
          tpu.vector_store %arg10[%swap3A_1115], %mul3A_627 {add = true, strides = array<i32>} : memref<4096xf32, #tpu.memory_space<vmem>>, vector<16xf32>,
          %swap3A_1117 = arith.index_cast %mul3A_1112 : i32 to index
          %swap3A_1118 = tpu.vector_load %arg11[%swap3A_1117] {strides = array<i32>} : memref<4096xf32, #tpu.memory_space<vmem>>, vector<16xf32>,
          tpu.vector_store %arg11[%swap3A_1117], %broadcast_in_dim3A_16 {add = true, strides = array<i32>} : memref<4096xf32, #tpu.memory_space<vmem>>, vector<16xf32>,
          %slice3A_1119 = vector.extract_strided_slice %get3A_495 {offsets = [4], sizes = [1], strides = [1]} : vector<16xi32> to vector<1xi32>
          %squeeze3A_1120 = vector.extract %slice3A_1119[0] : i32 from vector<1xi32>
          %mul3A_1121 = arith.constant 16 : i32
          %mul3A_1122 = arith.muli %squeeze3A_1120, %mul3A_1121 : i32
          %swap3A_1123 = arith.index_cast %mul3A_1122 : i32 to index
          %swap3A_1124 = tpu.vector_load %arg9[%swap3A_1123] {strides = array<i32>} : memref<4096xf32, #tpu.memory_space<vmem>>, vector<16xf32>,
          tpu.vector_store %arg9[%swap3A_1123], %exp3A_601 {add = true, strides = array<i32>} : memref<4096xf32, #tpu.memory_space<vmem>>, vector<16xf32>,
          %swap3A_1125 = arith.index_cast %mul3A_1122 : i32 to index
          %swap3A_1126 = tpu.vector_load %arg10[%swap3A_1125] {strides = array<i32>} : memref<4096xf32, #tpu.memory_space<vmem>>, vector<16xf32>,
          tpu.vector_store %arg10[%swap3A_1125], %mul3A_628 {add = true, strides = array<i32>} : memref<4096xf32, #tpu.memory_space<vmem>>, vector<16xf32>,
          %swap3A_1127 = arith.index_cast %mul3A_1122 : i32 to index
          %swap3A_1128 = tpu.vector_load %arg11[%swap3A_1127] {strides = array<i32>} : memref<4096xf32, #tpu.memory_space<vmem>>, vector<16xf32>,
          tpu.vector_store %arg11[%swap3A_1127], %broadcast_in_dim3A_16 {add = true, strides = array<i32>} : memref<4096xf32, #tpu.memory_space<vmem>>, vector<16xf32>,
          %slice3A_1129 = vector.extract_strided_slice %get3A_495 {offsets = [5], sizes = [1], strides = [1]} : vector<16xi32> to vector<1xi32>
          %squeeze3A_1130 = vector.extract %slice3A_1129[0] : i32 from vector<1xi32>
          %mul3A_1131 = arith.constant 16 : i32
          %mul3A_1132 = arith.muli %squeeze3A_1130, %mul3A_1131 : i32
          %swap3A_1133 = arith.index_cast %mul3A_1132 : i32 to index
          %swap3A_1134 = tpu.vector_load %arg9[%swap3A_1133] {strides = array<i32>} : memref<4096xf32, #tpu.memory_space<vmem>>, vector<16xf32>,
          tpu.vector_store %arg9[%swap3A_1133], %exp3A_603 {add = true, strides = array<i32>} : memref<4096xf32, #tpu.memory_space<vmem>>, vector<16xf32>,
          %swap3A_1135 = arith.index_cast %mul3A_1132 : i32 to index
          %swap3A_1136 = tpu.vector_load %arg10[%swap3A_1135] {strides = array<i32>} : memref<4096xf32, #tpu.memory_space<vmem>>, vector<16xf32>,
          tpu.vector_store %arg10[%swap3A_1135], %mul3A_629 {add = true, strides = array<i32>} : memref<4096xf32, #tpu.memory_space<vmem>>, vector<16xf32>,
          %swap3A_1137 = arith.index_cast %mul3A_1132 : i32 to index
          %swap3A_1138 = tpu.vector_load %arg11[%swap3A_1137] {strides = array<i32>} : memref<4096xf32, #tpu.memory_space<vmem>>, vector<16xf32>,
          tpu.vector_store %arg11[%swap3A_1137], %broadcast_in_dim3A_16 {add = true, strides = array<i32>} : memref<4096xf32, #tpu.memory_space<vmem>>, vector<16xf32>,
          %slice3A_1139 = vector.extract_strided_slice %get3A_495 {offsets = [6], sizes = [1], strides = [1]} : vector<16xi32> to vector<1xi32>
          %squeeze3A_1140 = vector.extract %slice3A_1139[0] : i32 from vector<1xi32>
          %mul3A_1141 = arith.constant 16 : i32
          %mul3A_1142 = arith.muli %squeeze3A_1140, %mul3A_1141 : i32
          %swap3A_1143 = arith.index_cast %mul3A_1142 : i32 to index
          %swap3A_1144 = tpu.vector_load %arg9[%swap3A_1143] {strides = array<i32>} : memref<4096xf32, #tpu.memory_space<vmem>>, vector<16xf32>,
          tpu.vector_store %arg9[%swap3A_1143], %exp3A_605 {add = true, strides = array<i32>} : memref<4096xf32, #tpu.memory_space<vmem>>, vector<16xf32>,
          %swap3A_1145 = arith.index_cast %mul3A_1142 : i32 to index
          %swap3A_1146 = tpu.vector_load %arg10[%swap3A_1145] {strides = array<i32>} : memref<4096xf32, #tpu.memory_space<vmem>>, vector<16xf32>,
          tpu.vector_store %arg10[%swap3A_1145], %mul3A_630 {add = true, strides = array<i32>} : memref<4096xf32, #tpu.memory_space<vmem>>, vector<16xf32>,
          %swap3A_1147 = arith.index_cast %mul3A_1142 : i32 to index
          %swap3A_1148 = tpu.vector_load %arg11[%swap3A_1147] {strides = array<i32>} : memref<4096xf32, #tpu.memory_space<vmem>>, vector<16xf32>,
          tpu.vector_store %arg11[%swap3A_1147], %broadcast_in_dim3A_16 {add = true, strides = array<i32>} : memref<4096xf32, #tpu.memory_space<vmem>>, vector<16xf32>,
          %slice3A_1149 = vector.extract_strided_slice %get3A_495 {offsets = [7], sizes = [1], strides = [1]} : vector<16xi32> to vector<1xi32>
          %squeeze3A_1150 = vector.extract %slice3A_1149[0] : i32 from vector<1xi32>
          %mul3A_1151 = arith.constant 16 : i32
          %mul3A_1152 = arith.muli %squeeze3A_1150, %mul3A_1151 : i32
          %swap3A_1153 = arith.index_cast %mul3A_1152 : i32 to index
          %swap3A_1154 = tpu.vector_load %arg9[%swap3A_1153] {strides = array<i32>} : memref<4096xf32, #tpu.memory_space<vmem>>, vector<16xf32>,
          tpu.vector_store %arg9[%swap3A_1153], %exp3A_607 {add = true, strides = array<i32>} : memref<4096xf32, #tpu.memory_space<vmem>>, vector<16xf32>,
          %swap3A_1155 = arith.index_cast %mul3A_1152 : i32 to index
          %swap3A_1156 = tpu.vector_load %arg10[%swap3A_1155] {strides = array<i32>} : memref<4096xf32, #tpu.memory_space<vmem>>, vector<16xf32>,
          tpu.vector_store %arg10[%swap3A_1155], %mul3A_631 {add = true, strides = array<i32>} : memref<4096xf32, #tpu.memory_space<vmem>>, vector<16xf32>,
          %swap3A_1157 = arith.index_cast %mul3A_1152 : i32 to index
          %swap3A_1158 = tpu.vector_load %arg11[%swap3A_1157] {strides = array<i32>} : memref<4096xf32, #tpu.memory_space<vmem>>, vector<16xf32>,
          tpu.vector_store %arg11[%swap3A_1157], %broadcast_in_dim3A_16 {add = true, strides = array<i32>} : memref<4096xf32, #tpu.memory_space<vmem>>, vector<16xf32>,
          %slice3A_1159 = vector.extract_strided_slice %get3A_495 {offsets = [8], sizes = [1], strides = [1]} : vector<16xi32> to vector<1xi32>
          %squeeze3A_1160 = vector.extract %slice3A_1159[0] : i32 from vector<1xi32>
          %mul3A_1161 = arith.constant 16 : i32
          %mul3A_1162 = arith.muli %squeeze3A_1160, %mul3A_1161 : i32
          %swap3A_1163 = arith.index_cast %mul3A_1162 : i32 to index
          %swap3A_1164 = tpu.vector_load %arg9[%swap3A_1163] {strides = array<i32>} : memref<4096xf32, #tpu.memory_space<vmem>>, vector<16xf32>,
          tpu.vector_store %arg9[%swap3A_1163], %exp3A_609 {add = true, strides = array<i32>} : memref<4096xf32, #tpu.memory_space<vmem>>, vector<16xf32>,
          %swap3A_1165 = arith.index_cast %mul3A_1162 : i32 to index
          %swap3A_1166 = tpu.vector_load %arg10[%swap3A_1165] {strides = array<i32>} : memref<4096xf32, #tpu.memory_space<vmem>>, vector<16xf32>,
          tpu.vector_store %arg10[%swap3A_1165], %mul3A_632 {add = true, strides = array<i32>} : memref<4096xf32, #tpu.memory_space<vmem>>, vector<16xf32>,
          %swap3A_1167 = arith.index_cast %mul3A_1162 : i32 to index
          %swap3A_1168 = tpu.vector_load %arg11[%swap3A_1167] {strides = array<i32>} : memref<4096xf32, #tpu.memory_space<vmem>>, vector<16xf32>,
          tpu.vector_store %arg11[%swap3A_1167], %broadcast_in_dim3A_16 {add = true, strides = array<i32>} : memref<4096xf32, #tpu.memory_space<vmem>>, vector<16xf32>,
          %slice3A_1169 = vector.extract_strided_slice %get3A_495 {offsets = [9], sizes = [1], strides = [1]} : vector<16xi32> to vector<1xi32>
          %squeeze3A_1170 = vector.extract %slice3A_1169[0] : i32 from vector<1xi32>
          %mul3A_1171 = arith.constant 16 : i32
          %mul3A_1172 = arith.muli %squeeze3A_1170, %mul3A_1171 : i32
          %swap3A_1173 = arith.index_cast %mul3A_1172 : i32 to index
          %swap3A_1174 = tpu.vector_load %arg9[%swap3A_1173] {strides = array<i32>} : memref<4096xf32, #tpu.memory_space<vmem>>, vector<16xf32>,
          tpu.vector_store %arg9[%swap3A_1173], %exp3A_611 {add = true, strides = array<i32>} : memref<4096xf32, #tpu.memory_space<vmem>>, vector<16xf32>,
          %swap3A_1175 = arith.index_cast %mul3A_1172 : i32 to index
          %swap3A_1176 = tpu.vector_load %arg10[%swap3A_1175] {strides = array<i32>} : memref<4096xf32, #tpu.memory_space<vmem>>, vector<16xf32>,
          tpu.vector_store %arg10[%swap3A_1175], %mul3A_633 {add = true, strides = array<i32>} : memref<4096xf32, #tpu.memory_space<vmem>>, vector<16xf32>,
          %swap3A_1177 = arith.index_cast %mul3A_1172 : i32 to index
          %swap3A_1178 = tpu.vector_load %arg11[%swap3A_1177] {strides = array<i32>} : memref<4096xf32, #tpu.memory_space<vmem>>, vector<16xf32>,
          tpu.vector_store %arg11[%swap3A_1177], %broadcast_in_dim3A_16 {add = true, strides = array<i32>} : memref<4096xf32, #tpu.memory_space<vmem>>, vector<16xf32>,
          %slice3A_1179 = vector.extract_strided_slice %get3A_495 {offsets = [10], sizes = [1], strides = [1]} : vector<16xi32> to vector<1xi32>
          %squeeze3A_1180 = vector.extract %slice3A_1179[0] : i32 from vector<1xi32>
          %mul3A_1181 = arith.constant 16 : i32
          %mul3A_1182 = arith.muli %squeeze3A_1180, %mul3A_1181 : i32
          %swap3A_1183 = arith.index_cast %mul3A_1182 : i32 to index
          %swap3A_1184 = tpu.vector_load %arg9[%swap3A_1183] {strides = array<i32>} : memref<4096xf32, #tpu.memory_space<vmem>>, vector<16xf32>,
          tpu.vector_store %arg9[%swap3A_1183], %exp3A_613 {add = true, strides = array<i32>} : memref<4096xf32, #tpu.memory_space<vmem>>, vector<16xf32>,
          %swap3A_1185 = arith.index_cast %mul3A_1182 : i32 to index
          %swap3A_1186 = tpu.vector_load %arg10[%swap3A_1185] {strides = array<i32>} : memref<4096xf32, #tpu.memory_space<vmem>>, vector<16xf32>,
          tpu.vector_store %arg10[%swap3A_1185], %mul3A_634 {add = true, strides = array<i32>} : memref<4096xf32, #tpu.memory_space<vmem>>, vector<16xf32>,
          %swap3A_1187 = arith.index_cast %mul3A_1182 : i32 to index
          %swap3A_1188 = tpu.vector_load %arg11[%swap3A_1187] {strides = array<i32>} : memref<4096xf32, #tpu.memory_space<vmem>>, vector<16xf32>,
          tpu.vector_store %arg11[%swap3A_1187], %broadcast_in_dim3A_16 {add = true, strides = array<i32>} : memref<4096xf32, #tpu.memory_space<vmem>>, vector<16xf32>,
          %slice3A_1189 = vector.extract_strided_slice %get3A_495 {offsets = [11], sizes = [1], strides = [1]} : vector<16xi32> to vector<1xi32>
          %squeeze3A_1190 = vector.extract %slice3A_1189[0] : i32 from vector<1xi32>
          %mul3A_1191 = arith.constant 16 : i32
          %mul3A_1192 = arith.muli %squeeze3A_1190, %mul3A_1191 : i32
          %swap3A_1193 = arith.index_cast %mul3A_1192 : i32 to index
          %swap3A_1194 = tpu.vector_load %arg9[%swap3A_1193] {strides = array<i32>} : memref<4096xf32, #tpu.memory_space<vmem>>, vector<16xf32>,
          tpu.vector_store %arg9[%swap3A_1193], %exp3A_615 {add = true, strides = array<i32>} : memref<4096xf32, #tpu.memory_space<vmem>>, vector<16xf32>,
          %swap3A_1195 = arith.index_cast %mul3A_1192 : i32 to index
          %swap3A_1196 = tpu.vector_load %arg10[%swap3A_1195] {strides = array<i32>} : memref<4096xf32, #tpu.memory_space<vmem>>, vector<16xf32>,
          tpu.vector_store %arg10[%swap3A_1195], %mul3A_635 {add = true, strides = array<i32>} : memref<4096xf32, #tpu.memory_space<vmem>>, vector<16xf32>,
          %swap3A_1197 = arith.index_cast %mul3A_1192 : i32 to index
          %swap3A_1198 = tpu.vector_load %arg11[%swap3A_1197] {strides = array<i32>} : memref<4096xf32, #tpu.memory_space<vmem>>, vector<16xf32>,
          tpu.vector_store %arg11[%swap3A_1197], %broadcast_in_dim3A_16 {add = true, strides = array<i32>} : memref<4096xf32, #tpu.memory_space<vmem>>, vector<16xf32>,
          %slice3A_1199 = vector.extract_strided_slice %get3A_495 {offsets = [12], sizes = [1], strides = [1]} : vector<16xi32> to vector<1xi32>
          %squeeze3A_1200 = vector.extract %slice3A_1199[0] : i32 from vector<1xi32>
          %mul3A_1201 = arith.constant 16 : i32
          %mul3A_1202 = arith.muli %squeeze3A_1200, %mul3A_1201 : i32
          %swap3A_1203 = arith.index_cast %mul3A_1202 : i32 to index
          %swap3A_1204 = tpu.vector_load %arg9[%swap3A_1203] {strides = array<i32>} : memref<4096xf32, #tpu.memory_space<vmem>>, vector<16xf32>,
          tpu.vector_store %arg9[%swap3A_1203], %exp3A_617 {add = true, strides = array<i32>} : memref<4096xf32, #tpu.memory_space<vmem>>, vector<16xf32>,
          %swap3A_1205 = arith.index_cast %mul3A_1202 : i32 to index
          %swap3A_1206 = tpu.vector_load %arg10[%swap3A_1205] {strides = array<i32>} : memref<4096xf32, #tpu.memory_space<vmem>>, vector<16xf32>,
          tpu.vector_store %arg10[%swap3A_1205], %mul3A_636 {add = true, strides = array<i32>} : memref<4096xf32, #tpu.memory_space<vmem>>, vector<16xf32>,
          %swap3A_1207 = arith.index_cast %mul3A_1202 : i32 to index
          %swap3A_1208 = tpu.vector_load %arg11[%swap3A_1207] {strides = array<i32>} : memref<4096xf32, #tpu.memory_space<vmem>>, vector<16xf32>,
          tpu.vector_store %arg11[%swap3A_1207], %broadcast_in_dim3A_16 {add = true, strides = array<i32>} : memref<4096xf32, #tpu.memory_space<vmem>>, vector<16xf32>,
          %slice3A_1209 = vector.extract_strided_slice %get3A_495 {offsets = [13], sizes = [1], strides = [1]} : vector<16xi32> to vector<1xi32>
          %squeeze3A_1210 = vector.extract %slice3A_1209[0] : i32 from vector<1xi32>
          %mul3A_1211 = arith.constant 16 : i32
          %mul3A_1212 = arith.muli %squeeze3A_1210, %mul3A_1211 : i32
          %swap3A_1213 = arith.index_cast %mul3A_1212 : i32 to index
          %swap3A_1214 = tpu.vector_load %arg9[%swap3A_1213] {strides = array<i32>} : memref<4096xf32, #tpu.memory_space<vmem>>, vector<16xf32>,
          tpu.vector_store %arg9[%swap3A_1213], %exp3A_619 {add = true, strides = array<i32>} : memref<4096xf32, #tpu.memory_space<vmem>>, vector<16xf32>,
          %swap3A_1215 = arith.index_cast %mul3A_1212 : i32 to index
          %swap3A_1216 = tpu.vector_load %arg10[%swap3A_1215] {strides = array<i32>} : memref<4096xf32, #tpu.memory_space<vmem>>, vector<16xf32>,
          tpu.vector_store %arg10[%swap3A_1215], %mul3A_637 {add = true, strides = array<i32>} : memref<4096xf32, #tpu.memory_space<vmem>>, vector<16xf32>,
          %swap3A_1217 = arith.index_cast %mul3A_1212 : i32 to index
          %swap3A_1218 = tpu.vector_load %arg11[%swap3A_1217] {strides = array<i32>} : memref<4096xf32, #tpu.memory_space<vmem>>, vector<16xf32>,
          tpu.vector_store %arg11[%swap3A_1217], %broadcast_in_dim3A_16 {add = true, strides = array<i32>} : memref<4096xf32, #tpu.memory_space<vmem>>, vector<16xf32>,
          %slice3A_1219 = vector.extract_strided_slice %get3A_495 {offsets = [14], sizes = [1], strides = [1]} : vector<16xi32> to vector<1xi32>
          %squeeze3A_1220 = vector.extract %slice3A_1219[0] : i32 from vector<1xi32>
          %mul3A_1221 = arith.constant 16 : i32
          %mul3A_1222 = arith.muli %squeeze3A_1220, %mul3A_1221 : i32
          %swap3A_1223 = arith.index_cast %mul3A_1222 : i32 to index
          %swap3A_1224 = tpu.vector_load %arg9[%swap3A_1223] {strides = array<i32>} : memref<4096xf32, #tpu.memory_space<vmem>>, vector<16xf32>,
          tpu.vector_store %arg9[%swap3A_1223], %exp3A_621 {add = true, strides = array<i32>} : memref<4096xf32, #tpu.memory_space<vmem>>, vector<16xf32>,
          %swap3A_1225 = arith.index_cast %mul3A_1222 : i32 to index
          %swap3A_1226 = tpu.vector_load %arg10[%swap3A_1225] {strides = array<i32>} : memref<4096xf32, #tpu.memory_space<vmem>>, vector<16xf32>,
          tpu.vector_store %arg10[%swap3A_1225], %mul3A_638 {add = true, strides = array<i32>} : memref<4096xf32, #tpu.memory_space<vmem>>, vector<16xf32>,
          %swap3A_1227 = arith.index_cast %mul3A_1222 : i32 to index
          %swap3A_1228 = tpu.vector_load %arg11[%swap3A_1227] {strides = array<i32>} : memref<4096xf32, #tpu.memory_space<vmem>>, vector<16xf32>,
          tpu.vector_store %arg11[%swap3A_1227], %broadcast_in_dim3A_16 {add = true, strides = array<i32>} : memref<4096xf32, #tpu.memory_space<vmem>>, vector<16xf32>,
          %slice3A_1229 = vector.extract_strided_slice %get3A_495 {offsets = [15], sizes = [1], strides = [1]} : vector<16xi32> to vector<1xi32>
          %squeeze3A_1230 = vector.extract %slice3A_1229[0] : i32 from vector<1xi32>
          %mul3A_1231 = arith.constant 16 : i32
          %mul3A_1232 = arith.muli %squeeze3A_1230, %mul3A_1231 : i32
          %swap3A_1233 = arith.index_cast %mul3A_1232 : i32 to index
          %swap3A_1234 = tpu.vector_load %arg9[%swap3A_1233] {strides = array<i32>} : memref<4096xf32, #tpu.memory_space<vmem>>, vector<16xf32>,
          tpu.vector_store %arg9[%swap3A_1233], %exp3A_623 {add = true, strides = array<i32>} : memref<4096xf32, #tpu.memory_space<vmem>>, vector<16xf32>,
          %swap3A_1235 = arith.index_cast %mul3A_1232 : i32 to index
          %swap3A_1236 = tpu.vector_load %arg10[%swap3A_1235] {strides = array<i32>} : memref<4096xf32, #tpu.memory_space<vmem>>, vector<16xf32>,
          tpu.vector_store %arg10[%swap3A_1235], %mul3A_639 {add = true, strides = array<i32>} : memref<4096xf32, #tpu.memory_space<vmem>>, vector<16xf32>,
          %swap3A_1237 = arith.index_cast %mul3A_1232 : i32 to index
          %swap3A_1238 = tpu.vector_load %arg11[%swap3A_1237] {strides = array<i32>} : memref<4096xf32, #tpu.memory_space<vmem>>, vector<16xf32>,
          tpu.vector_store %arg11[%swap3A_1237], %broadcast_in_dim3A_16 {add = true, strides = array<i32>} : memref<4096xf32, #tpu.memory_space<vmem>>, vector<16xf32>,
        } else {
        }
        %add3A_686 = arith.constant 48 : i32
        %add3A_687 = arith.addi %mul3A_99, %add3A_686 : i32
        %mul3A_688 = arith.constant 2000 : i32
        %mul3A_689 = arith.muli %rem3A_63, %mul3A_688 : i32
        %add3A_690 = arith.addi %mul3A_689, %add3A_687 : i32
        %get3A_691 = arith.index_cast %add3A_690 : i32 to index
        %get3A_692 = tpu.vector_load %arg7[%get3A_691] {strides = array<i32>} : memref<4000xi32, #tpu.memory_space<vmem>>, vector<16xi32>,
        %add3A_693 = arith.constant 0 : i32
        %add3A_694 = arith.addi %add3A_687, %add3A_693 : i32
        %get3A_695 = arith.index_cast %rem3A_63 : i32 to index
        %get3A_696 = arith.index_cast %add3A_694 : i32 to index
        %get3A_697 = arith.constant 0 : index
        %get3A_698 = tpu.vector_load %arg6[%get3A_695, %get3A_696, %get3A_697] {strides = array<i32>} : memref<2x2000x16xf32, #tpu.memory_space<vmem>>, vector<16xf32>,
        %add3A_699 = arith.constant 1 : i32
        %add3A_700 = arith.addi %add3A_687, %add3A_699 : i32
        %get3A_701 = arith.index_cast %rem3A_63 : i32 to index
        %get3A_702 = arith.index_cast %add3A_700 : i32 to index
        %get3A_703 = arith.constant 0 : index
        %get3A_704 = tpu.vector_load %arg6[%get3A_701, %get3A_702, %get3A_703] {strides = array<i32>} : memref<2x2000x16xf32, #tpu.memory_space<vmem>>, vector<16xf32>,
        %add3A_705 = arith.constant 2 : i32
        %add3A_706 = arith.addi %add3A_687, %add3A_705 : i32
        %get3A_707 = arith.index_cast %rem3A_63 : i32 to index
        %get3A_708 = arith.index_cast %add3A_706 : i32 to index
        %get3A_709 = arith.constant 0 : index
        %get3A_710 = tpu.vector_load %arg6[%get3A_707, %get3A_708, %get3A_709] {strides = array<i32>} : memref<2x2000x16xf32, #tpu.memory_space<vmem>>, vector<16xf32>,
        %add3A_711 = arith.constant 3 : i32
        %add3A_712 = arith.addi %add3A_687, %add3A_711 : i32
        %get3A_713 = arith.index_cast %rem3A_63 : i32 to index
        %get3A_714 = arith.index_cast %add3A_712 : i32 to index
        %get3A_715 = arith.constant 0 : index
        %get3A_716 = tpu.vector_load %arg6[%get3A_713, %get3A_714, %get3A_715] {strides = array<i32>} : memref<2x2000x16xf32, #tpu.memory_space<vmem>>, vector<16xf32>,
        %add3A_717 = arith.constant 4 : i32
        %add3A_718 = arith.addi %add3A_687, %add3A_717 : i32
        %get3A_719 = arith.index_cast %rem3A_63 : i32 to index
        %get3A_720 = arith.index_cast %add3A_718 : i32 to index
        %get3A_721 = arith.constant 0 : index
        %get3A_722 = tpu.vector_load %arg6[%get3A_719, %get3A_720, %get3A_721] {strides = array<i32>} : memref<2x2000x16xf32, #tpu.memory_space<vmem>>, vector<16xf32>,
        %add3A_723 = arith.constant 5 : i32
        %add3A_724 = arith.addi %add3A_687, %add3A_723 : i32
        %get3A_725 = arith.index_cast %rem3A_63 : i32 to index
        %get3A_726 = arith.index_cast %add3A_724 : i32 to index
        %get3A_727 = arith.constant 0 : index
        %get3A_728 = tpu.vector_load %arg6[%get3A_725, %get3A_726, %get3A_727] {strides = array<i32>} : memref<2x2000x16xf32, #tpu.memory_space<vmem>>, vector<16xf32>,
        %add3A_729 = arith.constant 6 : i32
        %add3A_730 = arith.addi %add3A_687, %add3A_729 : i32
        %get3A_731 = arith.index_cast %rem3A_63 : i32 to index
        %get3A_732 = arith.index_cast %add3A_730 : i32 to index
        %get3A_733 = arith.constant 0 : index
        %get3A_734 = tpu.vector_load %arg6[%get3A_731, %get3A_732, %get3A_733] {strides = array<i32>} : memref<2x2000x16xf32, #tpu.memory_space<vmem>>, vector<16xf32>,
        %add3A_735 = arith.constant 7 : i32
        %add3A_736 = arith.addi %add3A_687, %add3A_735 : i32
        %get3A_737 = arith.index_cast %rem3A_63 : i32 to index
        %get3A_738 = arith.index_cast %add3A_736 : i32 to index
        %get3A_739 = arith.constant 0 : index
        %get3A_740 = tpu.vector_load %arg6[%get3A_737, %get3A_738, %get3A_739] {strides = array<i32>} : memref<2x2000x16xf32, #tpu.memory_space<vmem>>, vector<16xf32>,
        %add3A_741 = arith.constant 8 : i32
        %add3A_742 = arith.addi %add3A_687, %add3A_741 : i32
        %get3A_743 = arith.index_cast %rem3A_63 : i32 to index
        %get3A_744 = arith.index_cast %add3A_742 : i32 to index
        %get3A_745 = arith.constant 0 : index
        %get3A_746 = tpu.vector_load %arg6[%get3A_743, %get3A_744, %get3A_745] {strides = array<i32>} : memref<2x2000x16xf32, #tpu.memory_space<vmem>>, vector<16xf32>,
        %add3A_747 = arith.constant 9 : i32
        %add3A_748 = arith.addi %add3A_687, %add3A_747 : i32
        %get3A_749 = arith.index_cast %rem3A_63 : i32 to index
        %get3A_750 = arith.index_cast %add3A_748 : i32 to index
        %get3A_751 = arith.constant 0 : index
        %get3A_752 = tpu.vector_load %arg6[%get3A_749, %get3A_750, %get3A_751] {strides = array<i32>} : memref<2x2000x16xf32, #tpu.memory_space<vmem>>, vector<16xf32>,
        %add3A_753 = arith.constant 10 : i32
        %add3A_754 = arith.addi %add3A_687, %add3A_753 : i32
        %get3A_755 = arith.index_cast %rem3A_63 : i32 to index
        %get3A_756 = arith.index_cast %add3A_754 : i32 to index
        %get3A_757 = arith.constant 0 : index
        %get3A_758 = tpu.vector_load %arg6[%get3A_755, %get3A_756, %get3A_757] {strides = array<i32>} : memref<2x2000x16xf32, #tpu.memory_space<vmem>>, vector<16xf32>,
        %add3A_759 = arith.constant 11 : i32
        %add3A_760 = arith.addi %add3A_687, %add3A_759 : i32
        %get3A_761 = arith.index_cast %rem3A_63 : i32 to index
        %get3A_762 = arith.index_cast %add3A_760 : i32 to index
        %get3A_763 = arith.constant 0 : index
        %get3A_764 = tpu.vector_load %arg6[%get3A_761, %get3A_762, %get3A_763] {strides = array<i32>} : memref<2x2000x16xf32, #tpu.memory_space<vmem>>, vector<16xf32>,
        %add3A_765 = arith.constant 12 : i32
        %add3A_766 = arith.addi %add3A_687, %add3A_765 : i32
        %get3A_767 = arith.index_cast %rem3A_63 : i32 to index
        %get3A_768 = arith.index_cast %add3A_766 : i32 to index
        %get3A_769 = arith.constant 0 : index
        %get3A_770 = tpu.vector_load %arg6[%get3A_767, %get3A_768, %get3A_769] {strides = array<i32>} : memref<2x2000x16xf32, #tpu.memory_space<vmem>>, vector<16xf32>,
        %add3A_771 = arith.constant 13 : i32
        %add3A_772 = arith.addi %add3A_687, %add3A_771 : i32
        %get3A_773 = arith.index_cast %rem3A_63 : i32 to index
        %get3A_774 = arith.index_cast %add3A_772 : i32 to index
        %get3A_775 = arith.constant 0 : index
        %get3A_776 = tpu.vector_load %arg6[%get3A_773, %get3A_774, %get3A_775] {strides = array<i32>} : memref<2x2000x16xf32, #tpu.memory_space<vmem>>, vector<16xf32>,
        %add3A_777 = arith.constant 14 : i32
        %add3A_778 = arith.addi %add3A_687, %add3A_777 : i32
        %get3A_779 = arith.index_cast %rem3A_63 : i32 to index
        %get3A_780 = arith.index_cast %add3A_778 : i32 to index
        %get3A_781 = arith.constant 0 : index
        %get3A_782 = tpu.vector_load %arg6[%get3A_779, %get3A_780, %get3A_781] {strides = array<i32>} : memref<2x2000x16xf32, #tpu.memory_space<vmem>>, vector<16xf32>,
        %add3A_783 = arith.constant 15 : i32
        %add3A_784 = arith.addi %add3A_687, %add3A_783 : i32
        %get3A_785 = arith.index_cast %rem3A_63 : i32 to index
        %get3A_786 = arith.index_cast %add3A_784 : i32 to index
        %get3A_787 = arith.constant 0 : index
        %get3A_788 = tpu.vector_load %arg6[%get3A_785, %get3A_786, %get3A_787] {strides = array<i32>} : memref<2x2000x16xf32, #tpu.memory_space<vmem>>, vector<16xf32>,
        %mul3A_789 = arith.mulf %get3A_698, %get3A_5 : vector<16xf32>
        %exp3A_790 = math.exp %mul3A_789 : vector<16xf32>
        %mul3A_791 = arith.mulf %get3A_704, %get3A_5 : vector<16xf32>
        %exp3A_792 = math.exp %mul3A_791 : vector<16xf32>
        %mul3A_793 = arith.mulf %get3A_710, %get3A_5 : vector<16xf32>
        %exp3A_794 = math.exp %mul3A_793 : vector<16xf32>
        %mul3A_795 = arith.mulf %get3A_716, %get3A_5 : vector<16xf32>
        %exp3A_796 = math.exp %mul3A_795 : vector<16xf32>
        %mul3A_797 = arith.mulf %get3A_722, %get3A_5 : vector<16xf32>
        %exp3A_798 = math.exp %mul3A_797 : vector<16xf32>
        %mul3A_799 = arith.mulf %get3A_728, %get3A_5 : vector<16xf32>
        %exp3A_800 = math.exp %mul3A_799 : vector<16xf32>
        %mul3A_801 = arith.mulf %get3A_734, %get3A_5 : vector<16xf32>
        %exp3A_802 = math.exp %mul3A_801 : vector<16xf32>
        %mul3A_803 = arith.mulf %get3A_740, %get3A_5 : vector<16xf32>
        %exp3A_804 = math.exp %mul3A_803 : vector<16xf32>
        %mul3A_805 = arith.mulf %get3A_746, %get3A_5 : vector<16xf32>
        %exp3A_806 = math.exp %mul3A_805 : vector<16xf32>
        %mul3A_807 = arith.mulf %get3A_752, %get3A_5 : vector<16xf32>
        %exp3A_808 = math.exp %mul3A_807 : vector<16xf32>
        %mul3A_809 = arith.mulf %get3A_758, %get3A_5 : vector<16xf32>
        %exp3A_810 = math.exp %mul3A_809 : vector<16xf32>
        %mul3A_811 = arith.mulf %get3A_764, %get3A_5 : vector<16xf32>
        %exp3A_812 = math.exp %mul3A_811 : vector<16xf32>
        %mul3A_813 = arith.mulf %get3A_770, %get3A_5 : vector<16xf32>
        %exp3A_814 = math.exp %mul3A_813 : vector<16xf32>
        %mul3A_815 = arith.mulf %get3A_776, %get3A_5 : vector<16xf32>
        %exp3A_816 = math.exp %mul3A_815 : vector<16xf32>
        %mul3A_817 = arith.mulf %get3A_782, %get3A_5 : vector<16xf32>
        %exp3A_818 = math.exp %mul3A_817 : vector<16xf32>
        %mul3A_819 = arith.mulf %get3A_788, %get3A_5 : vector<16xf32>
        %exp3A_820 = math.exp %mul3A_819 : vector<16xf32>
        %mul3A_821 = arith.mulf %get3A_698, %exp3A_790 : vector<16xf32>
        %mul3A_822 = arith.mulf %get3A_704, %exp3A_792 : vector<16xf32>
        %mul3A_823 = arith.mulf %get3A_710, %exp3A_794 : vector<16xf32>
        %mul3A_824 = arith.mulf %get3A_716, %exp3A_796 : vector<16xf32>
        %mul3A_825 = arith.mulf %get3A_722, %exp3A_798 : vector<16xf32>
        %mul3A_826 = arith.mulf %get3A_728, %exp3A_800 : vector<16xf32>
        %mul3A_827 = arith.mulf %get3A_734, %exp3A_802 : vector<16xf32>
        %mul3A_828 = arith.mulf %get3A_740, %exp3A_804 : vector<16xf32>
        %mul3A_829 = arith.mulf %get3A_746, %exp3A_806 : vector<16xf32>
        %mul3A_830 = arith.mulf %get3A_752, %exp3A_808 : vector<16xf32>
        %mul3A_831 = arith.mulf %get3A_758, %exp3A_810 : vector<16xf32>
        %mul3A_832 = arith.mulf %get3A_764, %exp3A_812 : vector<16xf32>
        %mul3A_833 = arith.mulf %get3A_770, %exp3A_814 : vector<16xf32>
        %mul3A_834 = arith.mulf %get3A_776, %exp3A_816 : vector<16xf32>
        %mul3A_835 = arith.mulf %get3A_782, %exp3A_818 : vector<16xf32>
        %mul3A_836 = arith.mulf %get3A_788, %exp3A_820 : vector<16xf32>
        %add3A_837 = arith.addf %exp3A_790, %exp3A_792 : vector<16xf32>
        %add3A_838 = arith.addf %exp3A_794, %exp3A_796 : vector<16xf32>
        %add3A_839 = arith.addf %exp3A_798, %exp3A_800 : vector<16xf32>
        %add3A_840 = arith.addf %exp3A_802, %exp3A_804 : vector<16xf32>
        %add3A_841 = arith.addf %exp3A_806, %exp3A_808 : vector<16xf32>
        %add3A_842 = arith.addf %exp3A_810, %exp3A_812 : vector<16xf32>
        %add3A_843 = arith.addf %exp3A_814, %exp3A_816 : vector<16xf32>
        %add3A_844 = arith.addf %exp3A_818, %exp3A_820 : vector<16xf32>
        %add3A_845 = arith.addf %mul3A_821, %mul3A_822 : vector<16xf32>
        %add3A_846 = arith.addf %mul3A_823, %mul3A_824 : vector<16xf32>
        %add3A_847 = arith.addf %mul3A_825, %mul3A_826 : vector<16xf32>
        %add3A_848 = arith.addf %mul3A_827, %mul3A_828 : vector<16xf32>
        %add3A_849 = arith.addf %mul3A_829, %mul3A_830 : vector<16xf32>
        %add3A_850 = arith.addf %mul3A_831, %mul3A_832 : vector<16xf32>
        %add3A_851 = arith.addf %mul3A_833, %mul3A_834 : vector<16xf32>
        %add3A_852 = arith.addf %mul3A_835, %mul3A_836 : vector<16xf32>
        %add3A_853 = arith.addf %add3A_837, %add3A_838 : vector<16xf32>
        %add3A_854 = arith.addf %add3A_839, %add3A_840 : vector<16xf32>
        %add3A_855 = arith.addf %add3A_841, %add3A_842 : vector<16xf32>
        %add3A_856 = arith.addf %add3A_843, %add3A_844 : vector<16xf32>
        %add3A_857 = arith.addf %add3A_845, %add3A_846 : vector<16xf32>
        %add3A_858 = arith.addf %add3A_847, %add3A_848 : vector<16xf32>
        %add3A_859 = arith.addf %add3A_849, %add3A_850 : vector<16xf32>
        %add3A_860 = arith.addf %add3A_851, %add3A_852 : vector<16xf32>
        %add3A_861 = arith.addf %add3A_853, %add3A_854 : vector<16xf32>
        %add3A_862 = arith.addf %add3A_855, %add3A_856 : vector<16xf32>
        %add3A_863 = arith.addf %add3A_857, %add3A_858 : vector<16xf32>
        %add3A_864 = arith.addf %add3A_859, %add3A_860 : vector<16xf32>
        %add3A_865 = arith.addf %add3A_861, %add3A_862 : vector<16xf32>
        %add3A_866 = arith.addf %add3A_863, %add3A_864 : vector<16xf32>
        %slice3A_867 = vector.extract_strided_slice %get3A_692 {offsets = [0], sizes = [1], strides = [1]} : vector<16xi32> to vector<1xi32>
        %squeeze3A_868 = vector.extract %slice3A_867[0] : i32 from vector<1xi32>
        %slice3A_869 = vector.extract_strided_slice %get3A_692 {offsets = [15], sizes = [1], strides = [1]} : vector<16xi32> to vector<1xi32>
        %squeeze3A_870 = vector.extract %slice3A_869[0] : i32 from vector<1xi32>
        %eq3A_871 = arith.cmpi eq, %squeeze3A_868, %squeeze3A_870 : i32
        %convert_element_type3A_872 = arith.extui %eq3A_871 : i1 to i32
        %cond3A_873 = arith.constant 0 : i32
        %cond3A_874 = arith.cmpi ne, %convert_element_type3A_872, %cond3A_873 : i32
        scf.if %cond3A_874 {
          %slice3A_1080 = vector.extract_strided_slice %get3A_692 {offsets = [0], sizes = [1], strides = [1]} : vector<16xi32> to vector<1xi32>
          %squeeze3A_1081 = vector.extract %slice3A_1080[0] : i32 from vector<1xi32>
          %mul3A_1082 = arith.constant 16 : i32
          %mul3A_1083 = arith.muli %squeeze3A_1081, %mul3A_1082 : i32
          %swap3A = arith.index_cast %mul3A_1083 : i32 to index
          %swap3A_1084 = tpu.vector_load %arg9[%swap3A] {strides = array<i32>} : memref<4096xf32, #tpu.memory_space<vmem>>, vector<16xf32>,
          tpu.vector_store %arg9[%swap3A], %add3A_865 {add = true, strides = array<i32>} : memref<4096xf32, #tpu.memory_space<vmem>>, vector<16xf32>,
          %swap3A_1085 = arith.index_cast %mul3A_1083 : i32 to index
          %swap3A_1086 = tpu.vector_load %arg10[%swap3A_1085] {strides = array<i32>} : memref<4096xf32, #tpu.memory_space<vmem>>, vector<16xf32>,
          tpu.vector_store %arg10[%swap3A_1085], %add3A_866 {add = true, strides = array<i32>} : memref<4096xf32, #tpu.memory_space<vmem>>, vector<16xf32>,
          %swap3A_1087 = arith.index_cast %mul3A_1083 : i32 to index
          %swap3A_1088 = tpu.vector_load %arg11[%swap3A_1087] {strides = array<i32>} : memref<4096xf32, #tpu.memory_space<vmem>>, vector<16xf32>,
          tpu.vector_store %arg11[%swap3A_1087], %broadcast_in_dim3A_18 {add = true, strides = array<i32>} : memref<4096xf32, #tpu.memory_space<vmem>>, vector<16xf32>,
        } else {
        }
        %slice3A_875 = vector.extract_strided_slice %get3A_692 {offsets = [0], sizes = [1], strides = [1]} : vector<16xi32> to vector<1xi32>
        %squeeze3A_876 = vector.extract %slice3A_875[0] : i32 from vector<1xi32>
        %slice3A_877 = vector.extract_strided_slice %get3A_692 {offsets = [15], sizes = [1], strides = [1]} : vector<16xi32> to vector<1xi32>
        %squeeze3A_878 = vector.extract %slice3A_877[0] : i32 from vector<1xi32>
        %ne3A_879 = arith.cmpi ne, %squeeze3A_876, %squeeze3A_878 : i32
        %convert_element_type3A_880 = arith.extui %ne3A_879 : i1 to i32
        %cond3A_881 = arith.constant 0 : i32
        %cond3A_882 = arith.cmpi ne, %convert_element_type3A_880, %cond3A_881 : i32
        scf.if %cond3A_882 {
          %slice3A_1080 = vector.extract_strided_slice %get3A_692 {offsets = [0], sizes = [1], strides = [1]} : vector<16xi32> to vector<1xi32>
          %squeeze3A_1081 = vector.extract %slice3A_1080[0] : i32 from vector<1xi32>
          %mul3A_1082 = arith.constant 16 : i32
          %mul3A_1083 = arith.muli %squeeze3A_1081, %mul3A_1082 : i32
          %swap3A = arith.index_cast %mul3A_1083 : i32 to index
          %swap3A_1084 = tpu.vector_load %arg9[%swap3A] {strides = array<i32>} : memref<4096xf32, #tpu.memory_space<vmem>>, vector<16xf32>,
          tpu.vector_store %arg9[%swap3A], %exp3A_790 {add = true, strides = array<i32>} : memref<4096xf32, #tpu.memory_space<vmem>>, vector<16xf32>,
          %swap3A_1085 = arith.index_cast %mul3A_1083 : i32 to index
          %swap3A_1086 = tpu.vector_load %arg10[%swap3A_1085] {strides = array<i32>} : memref<4096xf32, #tpu.memory_space<vmem>>, vector<16xf32>,
          tpu.vector_store %arg10[%swap3A_1085], %mul3A_821 {add = true, strides = array<i32>} : memref<4096xf32, #tpu.memory_space<vmem>>, vector<16xf32>,
          %swap3A_1087 = arith.index_cast %mul3A_1083 : i32 to index
          %swap3A_1088 = tpu.vector_load %arg11[%swap3A_1087] {strides = array<i32>} : memref<4096xf32, #tpu.memory_space<vmem>>, vector<16xf32>,
          tpu.vector_store %arg11[%swap3A_1087], %broadcast_in_dim3A_16 {add = true, strides = array<i32>} : memref<4096xf32, #tpu.memory_space<vmem>>, vector<16xf32>,
          %slice3A_1089 = vector.extract_strided_slice %get3A_692 {offsets = [1], sizes = [1], strides = [1]} : vector<16xi32> to vector<1xi32>
          %squeeze3A_1090 = vector.extract %slice3A_1089[0] : i32 from vector<1xi32>
          %mul3A_1091 = arith.constant 16 : i32
          %mul3A_1092 = arith.muli %squeeze3A_1090, %mul3A_1091 : i32
          %swap3A_1093 = arith.index_cast %mul3A_1092 : i32 to index
          %swap3A_1094 = tpu.vector_load %arg9[%swap3A_1093] {strides = array<i32>} : memref<4096xf32, #tpu.memory_space<vmem>>, vector<16xf32>,
          tpu.vector_store %arg9[%swap3A_1093], %exp3A_792 {add = true, strides = array<i32>} : memref<4096xf32, #tpu.memory_space<vmem>>, vector<16xf32>,
          %swap3A_1095 = arith.index_cast %mul3A_1092 : i32 to index
          %swap3A_1096 = tpu.vector_load %arg10[%swap3A_1095] {strides = array<i32>} : memref<4096xf32, #tpu.memory_space<vmem>>, vector<16xf32>,
          tpu.vector_store %arg10[%swap3A_1095], %mul3A_822 {add = true, strides = array<i32>} : memref<4096xf32, #tpu.memory_space<vmem>>, vector<16xf32>,
          %swap3A_1097 = arith.index_cast %mul3A_1092 : i32 to index
          %swap3A_1098 = tpu.vector_load %arg11[%swap3A_1097] {strides = array<i32>} : memref<4096xf32, #tpu.memory_space<vmem>>, vector<16xf32>,
          tpu.vector_store %arg11[%swap3A_1097], %broadcast_in_dim3A_16 {add = true, strides = array<i32>} : memref<4096xf32, #tpu.memory_space<vmem>>, vector<16xf32>,
          %slice3A_1099 = vector.extract_strided_slice %get3A_692 {offsets = [2], sizes = [1], strides = [1]} : vector<16xi32> to vector<1xi32>
          %squeeze3A_1100 = vector.extract %slice3A_1099[0] : i32 from vector<1xi32>
          %mul3A_1101 = arith.constant 16 : i32
          %mul3A_1102 = arith.muli %squeeze3A_1100, %mul3A_1101 : i32
          %swap3A_1103 = arith.index_cast %mul3A_1102 : i32 to index
          %swap3A_1104 = tpu.vector_load %arg9[%swap3A_1103] {strides = array<i32>} : memref<4096xf32, #tpu.memory_space<vmem>>, vector<16xf32>,
          tpu.vector_store %arg9[%swap3A_1103], %exp3A_794 {add = true, strides = array<i32>} : memref<4096xf32, #tpu.memory_space<vmem>>, vector<16xf32>,
          %swap3A_1105 = arith.index_cast %mul3A_1102 : i32 to index
          %swap3A_1106 = tpu.vector_load %arg10[%swap3A_1105] {strides = array<i32>} : memref<4096xf32, #tpu.memory_space<vmem>>, vector<16xf32>,
          tpu.vector_store %arg10[%swap3A_1105], %mul3A_823 {add = true, strides = array<i32>} : memref<4096xf32, #tpu.memory_space<vmem>>, vector<16xf32>,
          %swap3A_1107 = arith.index_cast %mul3A_1102 : i32 to index
          %swap3A_1108 = tpu.vector_load %arg11[%swap3A_1107] {strides = array<i32>} : memref<4096xf32, #tpu.memory_space<vmem>>, vector<16xf32>,
          tpu.vector_store %arg11[%swap3A_1107], %broadcast_in_dim3A_16 {add = true, strides = array<i32>} : memref<4096xf32, #tpu.memory_space<vmem>>, vector<16xf32>,
          %slice3A_1109 = vector.extract_strided_slice %get3A_692 {offsets = [3], sizes = [1], strides = [1]} : vector<16xi32> to vector<1xi32>
          %squeeze3A_1110 = vector.extract %slice3A_1109[0] : i32 from vector<1xi32>
          %mul3A_1111 = arith.constant 16 : i32
          %mul3A_1112 = arith.muli %squeeze3A_1110, %mul3A_1111 : i32
          %swap3A_1113 = arith.index_cast %mul3A_1112 : i32 to index
          %swap3A_1114 = tpu.vector_load %arg9[%swap3A_1113] {strides = array<i32>} : memref<4096xf32, #tpu.memory_space<vmem>>, vector<16xf32>,
          tpu.vector_store %arg9[%swap3A_1113], %exp3A_796 {add = true, strides = array<i32>} : memref<4096xf32, #tpu.memory_space<vmem>>, vector<16xf32>,
          %swap3A_1115 = arith.index_cast %mul3A_1112 : i32 to index
          %swap3A_1116 = tpu.vector_load %arg10[%swap3A_1115] {strides = array<i32>} : memref<4096xf32, #tpu.memory_space<vmem>>, vector<16xf32>,
          tpu.vector_store %arg10[%swap3A_1115], %mul3A_824 {add = true, strides = array<i32>} : memref<4096xf32, #tpu.memory_space<vmem>>, vector<16xf32>,
          %swap3A_1117 = arith.index_cast %mul3A_1112 : i32 to index
          %swap3A_1118 = tpu.vector_load %arg11[%swap3A_1117] {strides = array<i32>} : memref<4096xf32, #tpu.memory_space<vmem>>, vector<16xf32>,
          tpu.vector_store %arg11[%swap3A_1117], %broadcast_in_dim3A_16 {add = true, strides = array<i32>} : memref<4096xf32, #tpu.memory_space<vmem>>, vector<16xf32>,
          %slice3A_1119 = vector.extract_strided_slice %get3A_692 {offsets = [4], sizes = [1], strides = [1]} : vector<16xi32> to vector<1xi32>
          %squeeze3A_1120 = vector.extract %slice3A_1119[0] : i32 from vector<1xi32>
          %mul3A_1121 = arith.constant 16 : i32
          %mul3A_1122 = arith.muli %squeeze3A_1120, %mul3A_1121 : i32
          %swap3A_1123 = arith.index_cast %mul3A_1122 : i32 to index
          %swap3A_1124 = tpu.vector_load %arg9[%swap3A_1123] {strides = array<i32>} : memref<4096xf32, #tpu.memory_space<vmem>>, vector<16xf32>,
          tpu.vector_store %arg9[%swap3A_1123], %exp3A_798 {add = true, strides = array<i32>} : memref<4096xf32, #tpu.memory_space<vmem>>, vector<16xf32>,
          %swap3A_1125 = arith.index_cast %mul3A_1122 : i32 to index
          %swap3A_1126 = tpu.vector_load %arg10[%swap3A_1125] {strides = array<i32>} : memref<4096xf32, #tpu.memory_space<vmem>>, vector<16xf32>,
          tpu.vector_store %arg10[%swap3A_1125], %mul3A_825 {add = true, strides = array<i32>} : memref<4096xf32, #tpu.memory_space<vmem>>, vector<16xf32>,
          %swap3A_1127 = arith.index_cast %mul3A_1122 : i32 to index
          %swap3A_1128 = tpu.vector_load %arg11[%swap3A_1127] {strides = array<i32>} : memref<4096xf32, #tpu.memory_space<vmem>>, vector<16xf32>,
          tpu.vector_store %arg11[%swap3A_1127], %broadcast_in_dim3A_16 {add = true, strides = array<i32>} : memref<4096xf32, #tpu.memory_space<vmem>>, vector<16xf32>,
          %slice3A_1129 = vector.extract_strided_slice %get3A_692 {offsets = [5], sizes = [1], strides = [1]} : vector<16xi32> to vector<1xi32>
          %squeeze3A_1130 = vector.extract %slice3A_1129[0] : i32 from vector<1xi32>
          %mul3A_1131 = arith.constant 16 : i32
          %mul3A_1132 = arith.muli %squeeze3A_1130, %mul3A_1131 : i32
          %swap3A_1133 = arith.index_cast %mul3A_1132 : i32 to index
          %swap3A_1134 = tpu.vector_load %arg9[%swap3A_1133] {strides = array<i32>} : memref<4096xf32, #tpu.memory_space<vmem>>, vector<16xf32>,
          tpu.vector_store %arg9[%swap3A_1133], %exp3A_800 {add = true, strides = array<i32>} : memref<4096xf32, #tpu.memory_space<vmem>>, vector<16xf32>,
          %swap3A_1135 = arith.index_cast %mul3A_1132 : i32 to index
          %swap3A_1136 = tpu.vector_load %arg10[%swap3A_1135] {strides = array<i32>} : memref<4096xf32, #tpu.memory_space<vmem>>, vector<16xf32>,
          tpu.vector_store %arg10[%swap3A_1135], %mul3A_826 {add = true, strides = array<i32>} : memref<4096xf32, #tpu.memory_space<vmem>>, vector<16xf32>,
          %swap3A_1137 = arith.index_cast %mul3A_1132 : i32 to index
          %swap3A_1138 = tpu.vector_load %arg11[%swap3A_1137] {strides = array<i32>} : memref<4096xf32, #tpu.memory_space<vmem>>, vector<16xf32>,
          tpu.vector_store %arg11[%swap3A_1137], %broadcast_in_dim3A_16 {add = true, strides = array<i32>} : memref<4096xf32, #tpu.memory_space<vmem>>, vector<16xf32>,
          %slice3A_1139 = vector.extract_strided_slice %get3A_692 {offsets = [6], sizes = [1], strides = [1]} : vector<16xi32> to vector<1xi32>
          %squeeze3A_1140 = vector.extract %slice3A_1139[0] : i32 from vector<1xi32>
          %mul3A_1141 = arith.constant 16 : i32
          %mul3A_1142 = arith.muli %squeeze3A_1140, %mul3A_1141 : i32
          %swap3A_1143 = arith.index_cast %mul3A_1142 : i32 to index
          %swap3A_1144 = tpu.vector_load %arg9[%swap3A_1143] {strides = array<i32>} : memref<4096xf32, #tpu.memory_space<vmem>>, vector<16xf32>,
          tpu.vector_store %arg9[%swap3A_1143], %exp3A_802 {add = true, strides = array<i32>} : memref<4096xf32, #tpu.memory_space<vmem>>, vector<16xf32>,
          %swap3A_1145 = arith.index_cast %mul3A_1142 : i32 to index
          %swap3A_1146 = tpu.vector_load %arg10[%swap3A_1145] {strides = array<i32>} : memref<4096xf32, #tpu.memory_space<vmem>>, vector<16xf32>,
          tpu.vector_store %arg10[%swap3A_1145], %mul3A_827 {add = true, strides = array<i32>} : memref<4096xf32, #tpu.memory_space<vmem>>, vector<16xf32>,
          %swap3A_1147 = arith.index_cast %mul3A_1142 : i32 to index
          %swap3A_1148 = tpu.vector_load %arg11[%swap3A_1147] {strides = array<i32>} : memref<4096xf32, #tpu.memory_space<vmem>>, vector<16xf32>,
          tpu.vector_store %arg11[%swap3A_1147], %broadcast_in_dim3A_16 {add = true, strides = array<i32>} : memref<4096xf32, #tpu.memory_space<vmem>>, vector<16xf32>,
          %slice3A_1149 = vector.extract_strided_slice %get3A_692 {offsets = [7], sizes = [1], strides = [1]} : vector<16xi32> to vector<1xi32>
          %squeeze3A_1150 = vector.extract %slice3A_1149[0] : i32 from vector<1xi32>
          %mul3A_1151 = arith.constant 16 : i32
          %mul3A_1152 = arith.muli %squeeze3A_1150, %mul3A_1151 : i32
          %swap3A_1153 = arith.index_cast %mul3A_1152 : i32 to index
          %swap3A_1154 = tpu.vector_load %arg9[%swap3A_1153] {strides = array<i32>} : memref<4096xf32, #tpu.memory_space<vmem>>, vector<16xf32>,
          tpu.vector_store %arg9[%swap3A_1153], %exp3A_804 {add = true, strides = array<i32>} : memref<4096xf32, #tpu.memory_space<vmem>>, vector<16xf32>,
          %swap3A_1155 = arith.index_cast %mul3A_1152 : i32 to index
          %swap3A_1156 = tpu.vector_load %arg10[%swap3A_1155] {strides = array<i32>} : memref<4096xf32, #tpu.memory_space<vmem>>, vector<16xf32>,
          tpu.vector_store %arg10[%swap3A_1155], %mul3A_828 {add = true, strides = array<i32>} : memref<4096xf32, #tpu.memory_space<vmem>>, vector<16xf32>,
          %swap3A_1157 = arith.index_cast %mul3A_1152 : i32 to index
          %swap3A_1158 = tpu.vector_load %arg11[%swap3A_1157] {strides = array<i32>} : memref<4096xf32, #tpu.memory_space<vmem>>, vector<16xf32>,
          tpu.vector_store %arg11[%swap3A_1157], %broadcast_in_dim3A_16 {add = true, strides = array<i32>} : memref<4096xf32, #tpu.memory_space<vmem>>, vector<16xf32>,
          %slice3A_1159 = vector.extract_strided_slice %get3A_692 {offsets = [8], sizes = [1], strides = [1]} : vector<16xi32> to vector<1xi32>
          %squeeze3A_1160 = vector.extract %slice3A_1159[0] : i32 from vector<1xi32>
          %mul3A_1161 = arith.constant 16 : i32
          %mul3A_1162 = arith.muli %squeeze3A_1160, %mul3A_1161 : i32
          %swap3A_1163 = arith.index_cast %mul3A_1162 : i32 to index
          %swap3A_1164 = tpu.vector_load %arg9[%swap3A_1163] {strides = array<i32>} : memref<4096xf32, #tpu.memory_space<vmem>>, vector<16xf32>,
          tpu.vector_store %arg9[%swap3A_1163], %exp3A_806 {add = true, strides = array<i32>} : memref<4096xf32, #tpu.memory_space<vmem>>, vector<16xf32>,
          %swap3A_1165 = arith.index_cast %mul3A_1162 : i32 to index
          %swap3A_1166 = tpu.vector_load %arg10[%swap3A_1165] {strides = array<i32>} : memref<4096xf32, #tpu.memory_space<vmem>>, vector<16xf32>,
          tpu.vector_store %arg10[%swap3A_1165], %mul3A_829 {add = true, strides = array<i32>} : memref<4096xf32, #tpu.memory_space<vmem>>, vector<16xf32>,
          %swap3A_1167 = arith.index_cast %mul3A_1162 : i32 to index
          %swap3A_1168 = tpu.vector_load %arg11[%swap3A_1167] {strides = array<i32>} : memref<4096xf32, #tpu.memory_space<vmem>>, vector<16xf32>,
          tpu.vector_store %arg11[%swap3A_1167], %broadcast_in_dim3A_16 {add = true, strides = array<i32>} : memref<4096xf32, #tpu.memory_space<vmem>>, vector<16xf32>,
          %slice3A_1169 = vector.extract_strided_slice %get3A_692 {offsets = [9], sizes = [1], strides = [1]} : vector<16xi32> to vector<1xi32>
          %squeeze3A_1170 = vector.extract %slice3A_1169[0] : i32 from vector<1xi32>
          %mul3A_1171 = arith.constant 16 : i32
          %mul3A_1172 = arith.muli %squeeze3A_1170, %mul3A_1171 : i32
          %swap3A_1173 = arith.index_cast %mul3A_1172 : i32 to index
          %swap3A_1174 = tpu.vector_load %arg9[%swap3A_1173] {strides = array<i32>} : memref<4096xf32, #tpu.memory_space<vmem>>, vector<16xf32>,
          tpu.vector_store %arg9[%swap3A_1173], %exp3A_808 {add = true, strides = array<i32>} : memref<4096xf32, #tpu.memory_space<vmem>>, vector<16xf32>,
          %swap3A_1175 = arith.index_cast %mul3A_1172 : i32 to index
          %swap3A_1176 = tpu.vector_load %arg10[%swap3A_1175] {strides = array<i32>} : memref<4096xf32, #tpu.memory_space<vmem>>, vector<16xf32>,
          tpu.vector_store %arg10[%swap3A_1175], %mul3A_830 {add = true, strides = array<i32>} : memref<4096xf32, #tpu.memory_space<vmem>>, vector<16xf32>,
          %swap3A_1177 = arith.index_cast %mul3A_1172 : i32 to index
          %swap3A_1178 = tpu.vector_load %arg11[%swap3A_1177] {strides = array<i32>} : memref<4096xf32, #tpu.memory_space<vmem>>, vector<16xf32>,
          tpu.vector_store %arg11[%swap3A_1177], %broadcast_in_dim3A_16 {add = true, strides = array<i32>} : memref<4096xf32, #tpu.memory_space<vmem>>, vector<16xf32>,
          %slice3A_1179 = vector.extract_strided_slice %get3A_692 {offsets = [10], sizes = [1], strides = [1]} : vector<16xi32> to vector<1xi32>
          %squeeze3A_1180 = vector.extract %slice3A_1179[0] : i32 from vector<1xi32>
          %mul3A_1181 = arith.constant 16 : i32
          %mul3A_1182 = arith.muli %squeeze3A_1180, %mul3A_1181 : i32
          %swap3A_1183 = arith.index_cast %mul3A_1182 : i32 to index
          %swap3A_1184 = tpu.vector_load %arg9[%swap3A_1183] {strides = array<i32>} : memref<4096xf32, #tpu.memory_space<vmem>>, vector<16xf32>,
          tpu.vector_store %arg9[%swap3A_1183], %exp3A_810 {add = true, strides = array<i32>} : memref<4096xf32, #tpu.memory_space<vmem>>, vector<16xf32>,
          %swap3A_1185 = arith.index_cast %mul3A_1182 : i32 to index
          %swap3A_1186 = tpu.vector_load %arg10[%swap3A_1185] {strides = array<i32>} : memref<4096xf32, #tpu.memory_space<vmem>>, vector<16xf32>,
          tpu.vector_store %arg10[%swap3A_1185], %mul3A_831 {add = true, strides = array<i32>} : memref<4096xf32, #tpu.memory_space<vmem>>, vector<16xf32>,
          %swap3A_1187 = arith.index_cast %mul3A_1182 : i32 to index
          %swap3A_1188 = tpu.vector_load %arg11[%swap3A_1187] {strides = array<i32>} : memref<4096xf32, #tpu.memory_space<vmem>>, vector<16xf32>,
          tpu.vector_store %arg11[%swap3A_1187], %broadcast_in_dim3A_16 {add = true, strides = array<i32>} : memref<4096xf32, #tpu.memory_space<vmem>>, vector<16xf32>,
          %slice3A_1189 = vector.extract_strided_slice %get3A_692 {offsets = [11], sizes = [1], strides = [1]} : vector<16xi32> to vector<1xi32>
          %squeeze3A_1190 = vector.extract %slice3A_1189[0] : i32 from vector<1xi32>
          %mul3A_1191 = arith.constant 16 : i32
          %mul3A_1192 = arith.muli %squeeze3A_1190, %mul3A_1191 : i32
          %swap3A_1193 = arith.index_cast %mul3A_1192 : i32 to index
          %swap3A_1194 = tpu.vector_load %arg9[%swap3A_1193] {strides = array<i32>} : memref<4096xf32, #tpu.memory_space<vmem>>, vector<16xf32>,
          tpu.vector_store %arg9[%swap3A_1193], %exp3A_812 {add = true, strides = array<i32>} : memref<4096xf32, #tpu.memory_space<vmem>>, vector<16xf32>,
          %swap3A_1195 = arith.index_cast %mul3A_1192 : i32 to index
          %swap3A_1196 = tpu.vector_load %arg10[%swap3A_1195] {strides = array<i32>} : memref<4096xf32, #tpu.memory_space<vmem>>, vector<16xf32>,
          tpu.vector_store %arg10[%swap3A_1195], %mul3A_832 {add = true, strides = array<i32>} : memref<4096xf32, #tpu.memory_space<vmem>>, vector<16xf32>,
          %swap3A_1197 = arith.index_cast %mul3A_1192 : i32 to index
          %swap3A_1198 = tpu.vector_load %arg11[%swap3A_1197] {strides = array<i32>} : memref<4096xf32, #tpu.memory_space<vmem>>, vector<16xf32>,
          tpu.vector_store %arg11[%swap3A_1197], %broadcast_in_dim3A_16 {add = true, strides = array<i32>} : memref<4096xf32, #tpu.memory_space<vmem>>, vector<16xf32>,
          %slice3A_1199 = vector.extract_strided_slice %get3A_692 {offsets = [12], sizes = [1], strides = [1]} : vector<16xi32> to vector<1xi32>
          %squeeze3A_1200 = vector.extract %slice3A_1199[0] : i32 from vector<1xi32>
          %mul3A_1201 = arith.constant 16 : i32
          %mul3A_1202 = arith.muli %squeeze3A_1200, %mul3A_1201 : i32
          %swap3A_1203 = arith.index_cast %mul3A_1202 : i32 to index
          %swap3A_1204 = tpu.vector_load %arg9[%swap3A_1203] {strides = array<i32>} : memref<4096xf32, #tpu.memory_space<vmem>>, vector<16xf32>,
          tpu.vector_store %arg9[%swap3A_1203], %exp3A_814 {add = true, strides = array<i32>} : memref<4096xf32, #tpu.memory_space<vmem>>, vector<16xf32>,
          %swap3A_1205 = arith.index_cast %mul3A_1202 : i32 to index
          %swap3A_1206 = tpu.vector_load %arg10[%swap3A_1205] {strides = array<i32>} : memref<4096xf32, #tpu.memory_space<vmem>>, vector<16xf32>,
          tpu.vector_store %arg10[%swap3A_1205], %mul3A_833 {add = true, strides = array<i32>} : memref<4096xf32, #tpu.memory_space<vmem>>, vector<16xf32>,
          %swap3A_1207 = arith.index_cast %mul3A_1202 : i32 to index
          %swap3A_1208 = tpu.vector_load %arg11[%swap3A_1207] {strides = array<i32>} : memref<4096xf32, #tpu.memory_space<vmem>>, vector<16xf32>,
          tpu.vector_store %arg11[%swap3A_1207], %broadcast_in_dim3A_16 {add = true, strides = array<i32>} : memref<4096xf32, #tpu.memory_space<vmem>>, vector<16xf32>,
          %slice3A_1209 = vector.extract_strided_slice %get3A_692 {offsets = [13], sizes = [1], strides = [1]} : vector<16xi32> to vector<1xi32>
          %squeeze3A_1210 = vector.extract %slice3A_1209[0] : i32 from vector<1xi32>
          %mul3A_1211 = arith.constant 16 : i32
          %mul3A_1212 = arith.muli %squeeze3A_1210, %mul3A_1211 : i32
          %swap3A_1213 = arith.index_cast %mul3A_1212 : i32 to index
          %swap3A_1214 = tpu.vector_load %arg9[%swap3A_1213] {strides = array<i32>} : memref<4096xf32, #tpu.memory_space<vmem>>, vector<16xf32>,
          tpu.vector_store %arg9[%swap3A_1213], %exp3A_816 {add = true, strides = array<i32>} : memref<4096xf32, #tpu.memory_space<vmem>>, vector<16xf32>,
          %swap3A_1215 = arith.index_cast %mul3A_1212 : i32 to index
          %swap3A_1216 = tpu.vector_load %arg10[%swap3A_1215] {strides = array<i32>} : memref<4096xf32, #tpu.memory_space<vmem>>, vector<16xf32>,
          tpu.vector_store %arg10[%swap3A_1215], %mul3A_834 {add = true, strides = array<i32>} : memref<4096xf32, #tpu.memory_space<vmem>>, vector<16xf32>,
          %swap3A_1217 = arith.index_cast %mul3A_1212 : i32 to index
          %swap3A_1218 = tpu.vector_load %arg11[%swap3A_1217] {strides = array<i32>} : memref<4096xf32, #tpu.memory_space<vmem>>, vector<16xf32>,
          tpu.vector_store %arg11[%swap3A_1217], %broadcast_in_dim3A_16 {add = true, strides = array<i32>} : memref<4096xf32, #tpu.memory_space<vmem>>, vector<16xf32>,
          %slice3A_1219 = vector.extract_strided_slice %get3A_692 {offsets = [14], sizes = [1], strides = [1]} : vector<16xi32> to vector<1xi32>
          %squeeze3A_1220 = vector.extract %slice3A_1219[0] : i32 from vector<1xi32>
          %mul3A_1221 = arith.constant 16 : i32
          %mul3A_1222 = arith.muli %squeeze3A_1220, %mul3A_1221 : i32
          %swap3A_1223 = arith.index_cast %mul3A_1222 : i32 to index
          %swap3A_1224 = tpu.vector_load %arg9[%swap3A_1223] {strides = array<i32>} : memref<4096xf32, #tpu.memory_space<vmem>>, vector<16xf32>,
          tpu.vector_store %arg9[%swap3A_1223], %exp3A_818 {add = true, strides = array<i32>} : memref<4096xf32, #tpu.memory_space<vmem>>, vector<16xf32>,
          %swap3A_1225 = arith.index_cast %mul3A_1222 : i32 to index
          %swap3A_1226 = tpu.vector_load %arg10[%swap3A_1225] {strides = array<i32>} : memref<4096xf32, #tpu.memory_space<vmem>>, vector<16xf32>,
          tpu.vector_store %arg10[%swap3A_1225], %mul3A_835 {add = true, strides = array<i32>} : memref<4096xf32, #tpu.memory_space<vmem>>, vector<16xf32>,
          %swap3A_1227 = arith.index_cast %mul3A_1222 : i32 to index
          %swap3A_1228 = tpu.vector_load %arg11[%swap3A_1227] {strides = array<i32>} : memref<4096xf32, #tpu.memory_space<vmem>>, vector<16xf32>,
          tpu.vector_store %arg11[%swap3A_1227], %broadcast_in_dim3A_16 {add = true, strides = array<i32>} : memref<4096xf32, #tpu.memory_space<vmem>>, vector<16xf32>,
          %slice3A_1229 = vector.extract_strided_slice %get3A_692 {offsets = [15], sizes = [1], strides = [1]} : vector<16xi32> to vector<1xi32>
          %squeeze3A_1230 = vector.extract %slice3A_1229[0] : i32 from vector<1xi32>
          %mul3A_1231 = arith.constant 16 : i32
          %mul3A_1232 = arith.muli %squeeze3A_1230, %mul3A_1231 : i32
          %swap3A_1233 = arith.index_cast %mul3A_1232 : i32 to index
          %swap3A_1234 = tpu.vector_load %arg9[%swap3A_1233] {strides = array<i32>} : memref<4096xf32, #tpu.memory_space<vmem>>, vector<16xf32>,
          tpu.vector_store %arg9[%swap3A_1233], %exp3A_820 {add = true, strides = array<i32>} : memref<4096xf32, #tpu.memory_space<vmem>>, vector<16xf32>,
          %swap3A_1235 = arith.index_cast %mul3A_1232 : i32 to index
          %swap3A_1236 = tpu.vector_load %arg10[%swap3A_1235] {strides = array<i32>} : memref<4096xf32, #tpu.memory_space<vmem>>, vector<16xf32>,
          tpu.vector_store %arg10[%swap3A_1235], %mul3A_836 {add = true, strides = array<i32>} : memref<4096xf32, #tpu.memory_space<vmem>>, vector<16xf32>,
          %swap3A_1237 = arith.index_cast %mul3A_1232 : i32 to index
          %swap3A_1238 = tpu.vector_load %arg11[%swap3A_1237] {strides = array<i32>} : memref<4096xf32, #tpu.memory_space<vmem>>, vector<16xf32>,
          tpu.vector_store %arg11[%swap3A_1237], %broadcast_in_dim3A_16 {add = true, strides = array<i32>} : memref<4096xf32, #tpu.memory_space<vmem>>, vector<16xf32>,
        } else {
        }
        %add3A_883 = arith.constant 64 : i32
        %add3A_884 = arith.addi %mul3A_99, %add3A_883 : i32
        %mul3A_885 = arith.constant 2000 : i32
        %mul3A_886 = arith.muli %rem3A_63, %mul3A_885 : i32
        %add3A_887 = arith.addi %mul3A_886, %add3A_884 : i32
        %get3A_888 = arith.index_cast %add3A_887 : i32 to index
        %get3A_889 = tpu.vector_load %arg7[%get3A_888] {strides = array<i32>} : memref<4000xi32, #tpu.memory_space<vmem>>, vector<16xi32>,
        %add3A_890 = arith.constant 0 : i32
        %add3A_891 = arith.addi %add3A_884, %add3A_890 : i32
        %get3A_892 = arith.index_cast %rem3A_63 : i32 to index
        %get3A_893 = arith.index_cast %add3A_891 : i32 to index
        %get3A_894 = arith.constant 0 : index
        %get3A_895 = tpu.vector_load %arg6[%get3A_892, %get3A_893, %get3A_894] {strides = array<i32>} : memref<2x2000x16xf32, #tpu.memory_space<vmem>>, vector<16xf32>,
        %add3A_896 = arith.constant 1 : i32
        %add3A_897 = arith.addi %add3A_884, %add3A_896 : i32
        %get3A_898 = arith.index_cast %rem3A_63 : i32 to index
        %get3A_899 = arith.index_cast %add3A_897 : i32 to index
        %get3A_900 = arith.constant 0 : index
        %get3A_901 = tpu.vector_load %arg6[%get3A_898, %get3A_899, %get3A_900] {strides = array<i32>} : memref<2x2000x16xf32, #tpu.memory_space<vmem>>, vector<16xf32>,
        %add3A_902 = arith.constant 2 : i32
        %add3A_903 = arith.addi %add3A_884, %add3A_902 : i32
        %get3A_904 = arith.index_cast %rem3A_63 : i32 to index
        %get3A_905 = arith.index_cast %add3A_903 : i32 to index
        %get3A_906 = arith.constant 0 : index
        %get3A_907 = tpu.vector_load %arg6[%get3A_904, %get3A_905, %get3A_906] {strides = array<i32>} : memref<2x2000x16xf32, #tpu.memory_space<vmem>>, vector<16xf32>,
        %add3A_908 = arith.constant 3 : i32
        %add3A_909 = arith.addi %add3A_884, %add3A_908 : i32
        %get3A_910 = arith.index_cast %rem3A_63 : i32 to index
        %get3A_911 = arith.index_cast %add3A_909 : i32 to index
        %get3A_912 = arith.constant 0 : index
        %get3A_913 = tpu.vector_load %arg6[%get3A_910, %get3A_911, %get3A_912] {strides = array<i32>} : memref<2x2000x16xf32, #tpu.memory_space<vmem>>, vector<16xf32>,
        %add3A_914 = arith.constant 4 : i32
        %add3A_915 = arith.addi %add3A_884, %add3A_914 : i32
        %get3A_916 = arith.index_cast %rem3A_63 : i32 to index
        %get3A_917 = arith.index_cast %add3A_915 : i32 to index
        %get3A_918 = arith.constant 0 : index
        %get3A_919 = tpu.vector_load %arg6[%get3A_916, %get3A_917, %get3A_918] {strides = array<i32>} : memref<2x2000x16xf32, #tpu.memory_space<vmem>>, vector<16xf32>,
        %add3A_920 = arith.constant 5 : i32
        %add3A_921 = arith.addi %add3A_884, %add3A_920 : i32
        %get3A_922 = arith.index_cast %rem3A_63 : i32 to index
        %get3A_923 = arith.index_cast %add3A_921 : i32 to index
        %get3A_924 = arith.constant 0 : index
        %get3A_925 = tpu.vector_load %arg6[%get3A_922, %get3A_923, %get3A_924] {strides = array<i32>} : memref<2x2000x16xf32, #tpu.memory_space<vmem>>, vector<16xf32>,
        %add3A_926 = arith.constant 6 : i32
        %add3A_927 = arith.addi %add3A_884, %add3A_926 : i32
        %get3A_928 = arith.index_cast %rem3A_63 : i32 to index
        %get3A_929 = arith.index_cast %add3A_927 : i32 to index
        %get3A_930 = arith.constant 0 : index
        %get3A_931 = tpu.vector_load %arg6[%get3A_928, %get3A_929, %get3A_930] {strides = array<i32>} : memref<2x2000x16xf32, #tpu.memory_space<vmem>>, vector<16xf32>,
        %add3A_932 = arith.constant 7 : i32
        %add3A_933 = arith.addi %add3A_884, %add3A_932 : i32
        %get3A_934 = arith.index_cast %rem3A_63 : i32 to index
        %get3A_935 = arith.index_cast %add3A_933 : i32 to index
        %get3A_936 = arith.constant 0 : index
        %get3A_937 = tpu.vector_load %arg6[%get3A_934, %get3A_935, %get3A_936] {strides = array<i32>} : memref<2x2000x16xf32, #tpu.memory_space<vmem>>, vector<16xf32>,
        %add3A_938 = arith.constant 8 : i32
        %add3A_939 = arith.addi %add3A_884, %add3A_938 : i32
        %get3A_940 = arith.index_cast %rem3A_63 : i32 to index
        %get3A_941 = arith.index_cast %add3A_939 : i32 to index
        %get3A_942 = arith.constant 0 : index
        %get3A_943 = tpu.vector_load %arg6[%get3A_940, %get3A_941, %get3A_942] {strides = array<i32>} : memref<2x2000x16xf32, #tpu.memory_space<vmem>>, vector<16xf32>,
        %add3A_944 = arith.constant 9 : i32
        %add3A_945 = arith.addi %add3A_884, %add3A_944 : i32
        %get3A_946 = arith.index_cast %rem3A_63 : i32 to index
        %get3A_947 = arith.index_cast %add3A_945 : i32 to index
        %get3A_948 = arith.constant 0 : index
        %get3A_949 = tpu.vector_load %arg6[%get3A_946, %get3A_947, %get3A_948] {strides = array<i32>} : memref<2x2000x16xf32, #tpu.memory_space<vmem>>, vector<16xf32>,
        %add3A_950 = arith.constant 10 : i32
        %add3A_951 = arith.addi %add3A_884, %add3A_950 : i32
        %get3A_952 = arith.index_cast %rem3A_63 : i32 to index
        %get3A_953 = arith.index_cast %add3A_951 : i32 to index
        %get3A_954 = arith.constant 0 : index
        %get3A_955 = tpu.vector_load %arg6[%get3A_952, %get3A_953, %get3A_954] {strides = array<i32>} : memref<2x2000x16xf32, #tpu.memory_space<vmem>>, vector<16xf32>,
        %add3A_956 = arith.constant 11 : i32
        %add3A_957 = arith.addi %add3A_884, %add3A_956 : i32
        %get3A_958 = arith.index_cast %rem3A_63 : i32 to index
        %get3A_959 = arith.index_cast %add3A_957 : i32 to index
        %get3A_960 = arith.constant 0 : index
        %get3A_961 = tpu.vector_load %arg6[%get3A_958, %get3A_959, %get3A_960] {strides = array<i32>} : memref<2x2000x16xf32, #tpu.memory_space<vmem>>, vector<16xf32>,
        %add3A_962 = arith.constant 12 : i32
        %add3A_963 = arith.addi %add3A_884, %add3A_962 : i32
        %get3A_964 = arith.index_cast %rem3A_63 : i32 to index
        %get3A_965 = arith.index_cast %add3A_963 : i32 to index
        %get3A_966 = arith.constant 0 : index
        %get3A_967 = tpu.vector_load %arg6[%get3A_964, %get3A_965, %get3A_966] {strides = array<i32>} : memref<2x2000x16xf32, #tpu.memory_space<vmem>>, vector<16xf32>,
        %add3A_968 = arith.constant 13 : i32
        %add3A_969 = arith.addi %add3A_884, %add3A_968 : i32
        %get3A_970 = arith.index_cast %rem3A_63 : i32 to index
        %get3A_971 = arith.index_cast %add3A_969 : i32 to index
        %get3A_972 = arith.constant 0 : index
        %get3A_973 = tpu.vector_load %arg6[%get3A_970, %get3A_971, %get3A_972] {strides = array<i32>} : memref<2x2000x16xf32, #tpu.memory_space<vmem>>, vector<16xf32>,
        %add3A_974 = arith.constant 14 : i32
        %add3A_975 = arith.addi %add3A_884, %add3A_974 : i32
        %get3A_976 = arith.index_cast %rem3A_63 : i32 to index
        %get3A_977 = arith.index_cast %add3A_975 : i32 to index
        %get3A_978 = arith.constant 0 : index
        %get3A_979 = tpu.vector_load %arg6[%get3A_976, %get3A_977, %get3A_978] {strides = array<i32>} : memref<2x2000x16xf32, #tpu.memory_space<vmem>>, vector<16xf32>,
        %add3A_980 = arith.constant 15 : i32
        %add3A_981 = arith.addi %add3A_884, %add3A_980 : i32
        %get3A_982 = arith.index_cast %rem3A_63 : i32 to index
        %get3A_983 = arith.index_cast %add3A_981 : i32 to index
        %get3A_984 = arith.constant 0 : index
        %get3A_985 = tpu.vector_load %arg6[%get3A_982, %get3A_983, %get3A_984] {strides = array<i32>} : memref<2x2000x16xf32, #tpu.memory_space<vmem>>, vector<16xf32>,
        %mul3A_986 = arith.mulf %get3A_895, %get3A_5 : vector<16xf32>
        %exp3A_987 = math.exp %mul3A_986 : vector<16xf32>
        %mul3A_988 = arith.mulf %get3A_901, %get3A_5 : vector<16xf32>
        %exp3A_989 = math.exp %mul3A_988 : vector<16xf32>
        %mul3A_990 = arith.mulf %get3A_907, %get3A_5 : vector<16xf32>
        %exp3A_991 = math.exp %mul3A_990 : vector<16xf32>
        %mul3A_992 = arith.mulf %get3A_913, %get3A_5 : vector<16xf32>
        %exp3A_993 = math.exp %mul3A_992 : vector<16xf32>
        %mul3A_994 = arith.mulf %get3A_919, %get3A_5 : vector<16xf32>
        %exp3A_995 = math.exp %mul3A_994 : vector<16xf32>
        %mul3A_996 = arith.mulf %get3A_925, %get3A_5 : vector<16xf32>
        %exp3A_997 = math.exp %mul3A_996 : vector<16xf32>
        %mul3A_998 = arith.mulf %get3A_931, %get3A_5 : vector<16xf32>
        %exp3A_999 = math.exp %mul3A_998 : vector<16xf32>
        %mul3A_1000 = arith.mulf %get3A_937, %get3A_5 : vector<16xf32>
        %exp3A_1001 = math.exp %mul3A_1000 : vector<16xf32>
        %mul3A_1002 = arith.mulf %get3A_943, %get3A_5 : vector<16xf32>
        %exp3A_1003 = math.exp %mul3A_1002 : vector<16xf32>
        %mul3A_1004 = arith.mulf %get3A_949, %get3A_5 : vector<16xf32>
        %exp3A_1005 = math.exp %mul3A_1004 : vector<16xf32>
        %mul3A_1006 = arith.mulf %get3A_955, %get3A_5 : vector<16xf32>
        %exp3A_1007 = math.exp %mul3A_1006 : vector<16xf32>
        %mul3A_1008 = arith.mulf %get3A_961, %get3A_5 : vector<16xf32>
        %exp3A_1009 = math.exp %mul3A_1008 : vector<16xf32>
        %mul3A_1010 = arith.mulf %get3A_967, %get3A_5 : vector<16xf32>
        %exp3A_1011 = math.exp %mul3A_1010 : vector<16xf32>
        %mul3A_1012 = arith.mulf %get3A_973, %get3A_5 : vector<16xf32>
        %exp3A_1013 = math.exp %mul3A_1012 : vector<16xf32>
        %mul3A_1014 = arith.mulf %get3A_979, %get3A_5 : vector<16xf32>
        %exp3A_1015 = math.exp %mul3A_1014 : vector<16xf32>
        %mul3A_1016 = arith.mulf %get3A_985, %get3A_5 : vector<16xf32>
        %exp3A_1017 = math.exp %mul3A_1016 : vector<16xf32>
        %mul3A_1018 = arith.mulf %get3A_895, %exp3A_987 : vector<16xf32>
        %mul3A_1019 = arith.mulf %get3A_901, %exp3A_989 : vector<16xf32>
        %mul3A_1020 = arith.mulf %get3A_907, %exp3A_991 : vector<16xf32>
        %mul3A_1021 = arith.mulf %get3A_913, %exp3A_993 : vector<16xf32>
        %mul3A_1022 = arith.mulf %get3A_919, %exp3A_995 : vector<16xf32>
        %mul3A_1023 = arith.mulf %get3A_925, %exp3A_997 : vector<16xf32>
        %mul3A_1024 = arith.mulf %get3A_931, %exp3A_999 : vector<16xf32>
        %mul3A_1025 = arith.mulf %get3A_937, %exp3A_1001 : vector<16xf32>
        %mul3A_1026 = arith.mulf %get3A_943, %exp3A_1003 : vector<16xf32>
        %mul3A_1027 = arith.mulf %get3A_949, %exp3A_1005 : vector<16xf32>
        %mul3A_1028 = arith.mulf %get3A_955, %exp3A_1007 : vector<16xf32>
        %mul3A_1029 = arith.mulf %get3A_961, %exp3A_1009 : vector<16xf32>
        %mul3A_1030 = arith.mulf %get3A_967, %exp3A_1011 : vector<16xf32>
        %mul3A_1031 = arith.mulf %get3A_973, %exp3A_1013 : vector<16xf32>
        %mul3A_1032 = arith.mulf %get3A_979, %exp3A_1015 : vector<16xf32>
        %mul3A_1033 = arith.mulf %get3A_985, %exp3A_1017 : vector<16xf32>
        %add3A_1034 = arith.addf %exp3A_987, %exp3A_989 : vector<16xf32>
        %add3A_1035 = arith.addf %exp3A_991, %exp3A_993 : vector<16xf32>
        %add3A_1036 = arith.addf %exp3A_995, %exp3A_997 : vector<16xf32>
        %add3A_1037 = arith.addf %exp3A_999, %exp3A_1001 : vector<16xf32>
        %add3A_1038 = arith.addf %exp3A_1003, %exp3A_1005 : vector<16xf32>
        %add3A_1039 = arith.addf %exp3A_1007, %exp3A_1009 : vector<16xf32>
        %add3A_1040 = arith.addf %exp3A_1011, %exp3A_1013 : vector<16xf32>
        %add3A_1041 = arith.addf %exp3A_1015, %exp3A_1017 : vector<16xf32>
        %add3A_1042 = arith.addf %mul3A_1018, %mul3A_1019 : vector<16xf32>
        %add3A_1043 = arith.addf %mul3A_1020, %mul3A_1021 : vector<16xf32>
        %add3A_1044 = arith.addf %mul3A_1022, %mul3A_1023 : vector<16xf32>
        %add3A_1045 = arith.addf %mul3A_1024, %mul3A_1025 : vector<16xf32>
        %add3A_1046 = arith.addf %mul3A_1026, %mul3A_1027 : vector<16xf32>
        %add3A_1047 = arith.addf %mul3A_1028, %mul3A_1029 : vector<16xf32>
        %add3A_1048 = arith.addf %mul3A_1030, %mul3A_1031 : vector<16xf32>
        %add3A_1049 = arith.addf %mul3A_1032, %mul3A_1033 : vector<16xf32>
        %add3A_1050 = arith.addf %add3A_1034, %add3A_1035 : vector<16xf32>
        %add3A_1051 = arith.addf %add3A_1036, %add3A_1037 : vector<16xf32>
        %add3A_1052 = arith.addf %add3A_1038, %add3A_1039 : vector<16xf32>
        %add3A_1053 = arith.addf %add3A_1040, %add3A_1041 : vector<16xf32>
        %add3A_1054 = arith.addf %add3A_1042, %add3A_1043 : vector<16xf32>
        %add3A_1055 = arith.addf %add3A_1044, %add3A_1045 : vector<16xf32>
        %add3A_1056 = arith.addf %add3A_1046, %add3A_1047 : vector<16xf32>
        %add3A_1057 = arith.addf %add3A_1048, %add3A_1049 : vector<16xf32>
        %add3A_1058 = arith.addf %add3A_1050, %add3A_1051 : vector<16xf32>
        %add3A_1059 = arith.addf %add3A_1052, %add3A_1053 : vector<16xf32>
        %add3A_1060 = arith.addf %add3A_1054, %add3A_1055 : vector<16xf32>
        %add3A_1061 = arith.addf %add3A_1056, %add3A_1057 : vector<16xf32>
        %add3A_1062 = arith.addf %add3A_1058, %add3A_1059 : vector<16xf32>
        %add3A_1063 = arith.addf %add3A_1060, %add3A_1061 : vector<16xf32>
        %slice3A_1064 = vector.extract_strided_slice %get3A_889 {offsets = [0], sizes = [1], strides = [1]} : vector<16xi32> to vector<1xi32>
        %squeeze3A_1065 = vector.extract %slice3A_1064[0] : i32 from vector<1xi32>
        %slice3A_1066 = vector.extract_strided_slice %get3A_889 {offsets = [15], sizes = [1], strides = [1]} : vector<16xi32> to vector<1xi32>
        %squeeze3A_1067 = vector.extract %slice3A_1066[0] : i32 from vector<1xi32>
        %eq3A_1068 = arith.cmpi eq, %squeeze3A_1065, %squeeze3A_1067 : i32
        %convert_element_type3A_1069 = arith.extui %eq3A_1068 : i1 to i32
        %cond3A_1070 = arith.constant 0 : i32
        %cond3A_1071 = arith.cmpi ne, %convert_element_type3A_1069, %cond3A_1070 : i32
        scf.if %cond3A_1071 {
          %slice3A_1080 = vector.extract_strided_slice %get3A_889 {offsets = [0], sizes = [1], strides = [1]} : vector<16xi32> to vector<1xi32>
          %squeeze3A_1081 = vector.extract %slice3A_1080[0] : i32 from vector<1xi32>
          %mul3A_1082 = arith.constant 16 : i32
          %mul3A_1083 = arith.muli %squeeze3A_1081, %mul3A_1082 : i32
          %swap3A = arith.index_cast %mul3A_1083 : i32 to index
          %swap3A_1084 = tpu.vector_load %arg9[%swap3A] {strides = array<i32>} : memref<4096xf32, #tpu.memory_space<vmem>>, vector<16xf32>,
          tpu.vector_store %arg9[%swap3A], %add3A_1062 {add = true, strides = array<i32>} : memref<4096xf32, #tpu.memory_space<vmem>>, vector<16xf32>,
          %swap3A_1085 = arith.index_cast %mul3A_1083 : i32 to index
          %swap3A_1086 = tpu.vector_load %arg10[%swap3A_1085] {strides = array<i32>} : memref<4096xf32, #tpu.memory_space<vmem>>, vector<16xf32>,
          tpu.vector_store %arg10[%swap3A_1085], %add3A_1063 {add = true, strides = array<i32>} : memref<4096xf32, #tpu.memory_space<vmem>>, vector<16xf32>,
          %swap3A_1087 = arith.index_cast %mul3A_1083 : i32 to index
          %swap3A_1088 = tpu.vector_load %arg11[%swap3A_1087] {strides = array<i32>} : memref<4096xf32, #tpu.memory_space<vmem>>, vector<16xf32>,
          tpu.vector_store %arg11[%swap3A_1087], %broadcast_in_dim3A_18 {add = true, strides = array<i32>} : memref<4096xf32, #tpu.memory_space<vmem>>, vector<16xf32>,
        } else {
        }
        %slice3A_1072 = vector.extract_strided_slice %get3A_889 {offsets = [0], sizes = [1], strides = [1]} : vector<16xi32> to vector<1xi32>
        %squeeze3A_1073 = vector.extract %slice3A_1072[0] : i32 from vector<1xi32>
        %slice3A_1074 = vector.extract_strided_slice %get3A_889 {offsets = [15], sizes = [1], strides = [1]} : vector<16xi32> to vector<1xi32>
        %squeeze3A_1075 = vector.extract %slice3A_1074[0] : i32 from vector<1xi32>
        %ne3A_1076 = arith.cmpi ne, %squeeze3A_1073, %squeeze3A_1075 : i32
        %convert_element_type3A_1077 = arith.extui %ne3A_1076 : i1 to i32
        %cond3A_1078 = arith.constant 0 : i32
        %cond3A_1079 = arith.cmpi ne, %convert_element_type3A_1077, %cond3A_1078 : i32
        scf.if %cond3A_1079 {
          %slice3A_1080 = vector.extract_strided_slice %get3A_889 {offsets = [0], sizes = [1], strides = [1]} : vector<16xi32> to vector<1xi32>
          %squeeze3A_1081 = vector.extract %slice3A_1080[0] : i32 from vector<1xi32>
          %mul3A_1082 = arith.constant 16 : i32
          %mul3A_1083 = arith.muli %squeeze3A_1081, %mul3A_1082 : i32
          %swap3A = arith.index_cast %mul3A_1083 : i32 to index
          %swap3A_1084 = tpu.vector_load %arg9[%swap3A] {strides = array<i32>} : memref<4096xf32, #tpu.memory_space<vmem>>, vector<16xf32>,
          tpu.vector_store %arg9[%swap3A], %exp3A_987 {add = true, strides = array<i32>} : memref<4096xf32, #tpu.memory_space<vmem>>, vector<16xf32>,
          %swap3A_1085 = arith.index_cast %mul3A_1083 : i32 to index
          %swap3A_1086 = tpu.vector_load %arg10[%swap3A_1085] {strides = array<i32>} : memref<4096xf32, #tpu.memory_space<vmem>>, vector<16xf32>,
          tpu.vector_store %arg10[%swap3A_1085], %mul3A_1018 {add = true, strides = array<i32>} : memref<4096xf32, #tpu.memory_space<vmem>>, vector<16xf32>,
          %swap3A_1087 = arith.index_cast %mul3A_1083 : i32 to index
          %swap3A_1088 = tpu.vector_load %arg11[%swap3A_1087] {strides = array<i32>} : memref<4096xf32, #tpu.memory_space<vmem>>, vector<16xf32>,
          tpu.vector_store %arg11[%swap3A_1087], %broadcast_in_dim3A_16 {add = true, strides = array<i32>} : memref<4096xf32, #tpu.memory_space<vmem>>, vector<16xf32>,
          %slice3A_1089 = vector.extract_strided_slice %get3A_889 {offsets = [1], sizes = [1], strides = [1]} : vector<16xi32> to vector<1xi32>
          %squeeze3A_1090 = vector.extract %slice3A_1089[0] : i32 from vector<1xi32>
          %mul3A_1091 = arith.constant 16 : i32
          %mul3A_1092 = arith.muli %squeeze3A_1090, %mul3A_1091 : i32
          %swap3A_1093 = arith.index_cast %mul3A_1092 : i32 to index
          %swap3A_1094 = tpu.vector_load %arg9[%swap3A_1093] {strides = array<i32>} : memref<4096xf32, #tpu.memory_space<vmem>>, vector<16xf32>,
          tpu.vector_store %arg9[%swap3A_1093], %exp3A_989 {add = true, strides = array<i32>} : memref<4096xf32, #tpu.memory_space<vmem>>, vector<16xf32>,
          %swap3A_1095 = arith.index_cast %mul3A_1092 : i32 to index
          %swap3A_1096 = tpu.vector_load %arg10[%swap3A_1095] {strides = array<i32>} : memref<4096xf32, #tpu.memory_space<vmem>>, vector<16xf32>,
          tpu.vector_store %arg10[%swap3A_1095], %mul3A_1019 {add = true, strides = array<i32>} : memref<4096xf32, #tpu.memory_space<vmem>>, vector<16xf32>,
          %swap3A_1097 = arith.index_cast %mul3A_1092 : i32 to index
          %swap3A_1098 = tpu.vector_load %arg11[%swap3A_1097] {strides = array<i32>} : memref<4096xf32, #tpu.memory_space<vmem>>, vector<16xf32>,
          tpu.vector_store %arg11[%swap3A_1097], %broadcast_in_dim3A_16 {add = true, strides = array<i32>} : memref<4096xf32, #tpu.memory_space<vmem>>, vector<16xf32>,
          %slice3A_1099 = vector.extract_strided_slice %get3A_889 {offsets = [2], sizes = [1], strides = [1]} : vector<16xi32> to vector<1xi32>
          %squeeze3A_1100 = vector.extract %slice3A_1099[0] : i32 from vector<1xi32>
          %mul3A_1101 = arith.constant 16 : i32
          %mul3A_1102 = arith.muli %squeeze3A_1100, %mul3A_1101 : i32
          %swap3A_1103 = arith.index_cast %mul3A_1102 : i32 to index
          %swap3A_1104 = tpu.vector_load %arg9[%swap3A_1103] {strides = array<i32>} : memref<4096xf32, #tpu.memory_space<vmem>>, vector<16xf32>,
          tpu.vector_store %arg9[%swap3A_1103], %exp3A_991 {add = true, strides = array<i32>} : memref<4096xf32, #tpu.memory_space<vmem>>, vector<16xf32>,
          %swap3A_1105 = arith.index_cast %mul3A_1102 : i32 to index
          %swap3A_1106 = tpu.vector_load %arg10[%swap3A_1105] {strides = array<i32>} : memref<4096xf32, #tpu.memory_space<vmem>>, vector<16xf32>,
          tpu.vector_store %arg10[%swap3A_1105], %mul3A_1020 {add = true, strides = array<i32>} : memref<4096xf32, #tpu.memory_space<vmem>>, vector<16xf32>,
          %swap3A_1107 = arith.index_cast %mul3A_1102 : i32 to index
          %swap3A_1108 = tpu.vector_load %arg11[%swap3A_1107] {strides = array<i32>} : memref<4096xf32, #tpu.memory_space<vmem>>, vector<16xf32>,
          tpu.vector_store %arg11[%swap3A_1107], %broadcast_in_dim3A_16 {add = true, strides = array<i32>} : memref<4096xf32, #tpu.memory_space<vmem>>, vector<16xf32>,
          %slice3A_1109 = vector.extract_strided_slice %get3A_889 {offsets = [3], sizes = [1], strides = [1]} : vector<16xi32> to vector<1xi32>
          %squeeze3A_1110 = vector.extract %slice3A_1109[0] : i32 from vector<1xi32>
          %mul3A_1111 = arith.constant 16 : i32
          %mul3A_1112 = arith.muli %squeeze3A_1110, %mul3A_1111 : i32
          %swap3A_1113 = arith.index_cast %mul3A_1112 : i32 to index
          %swap3A_1114 = tpu.vector_load %arg9[%swap3A_1113] {strides = array<i32>} : memref<4096xf32, #tpu.memory_space<vmem>>, vector<16xf32>,
          tpu.vector_store %arg9[%swap3A_1113], %exp3A_993 {add = true, strides = array<i32>} : memref<4096xf32, #tpu.memory_space<vmem>>, vector<16xf32>,
          %swap3A_1115 = arith.index_cast %mul3A_1112 : i32 to index
          %swap3A_1116 = tpu.vector_load %arg10[%swap3A_1115] {strides = array<i32>} : memref<4096xf32, #tpu.memory_space<vmem>>, vector<16xf32>,
          tpu.vector_store %arg10[%swap3A_1115], %mul3A_1021 {add = true, strides = array<i32>} : memref<4096xf32, #tpu.memory_space<vmem>>, vector<16xf32>,
          %swap3A_1117 = arith.index_cast %mul3A_1112 : i32 to index
          %swap3A_1118 = tpu.vector_load %arg11[%swap3A_1117] {strides = array<i32>} : memref<4096xf32, #tpu.memory_space<vmem>>, vector<16xf32>,
          tpu.vector_store %arg11[%swap3A_1117], %broadcast_in_dim3A_16 {add = true, strides = array<i32>} : memref<4096xf32, #tpu.memory_space<vmem>>, vector<16xf32>,
          %slice3A_1119 = vector.extract_strided_slice %get3A_889 {offsets = [4], sizes = [1], strides = [1]} : vector<16xi32> to vector<1xi32>
          %squeeze3A_1120 = vector.extract %slice3A_1119[0] : i32 from vector<1xi32>
          %mul3A_1121 = arith.constant 16 : i32
          %mul3A_1122 = arith.muli %squeeze3A_1120, %mul3A_1121 : i32
          %swap3A_1123 = arith.index_cast %mul3A_1122 : i32 to index
          %swap3A_1124 = tpu.vector_load %arg9[%swap3A_1123] {strides = array<i32>} : memref<4096xf32, #tpu.memory_space<vmem>>, vector<16xf32>,
          tpu.vector_store %arg9[%swap3A_1123], %exp3A_995 {add = true, strides = array<i32>} : memref<4096xf32, #tpu.memory_space<vmem>>, vector<16xf32>,
          %swap3A_1125 = arith.index_cast %mul3A_1122 : i32 to index
          %swap3A_1126 = tpu.vector_load %arg10[%swap3A_1125] {strides = array<i32>} : memref<4096xf32, #tpu.memory_space<vmem>>, vector<16xf32>,
          tpu.vector_store %arg10[%swap3A_1125], %mul3A_1022 {add = true, strides = array<i32>} : memref<4096xf32, #tpu.memory_space<vmem>>, vector<16xf32>,
          %swap3A_1127 = arith.index_cast %mul3A_1122 : i32 to index
          %swap3A_1128 = tpu.vector_load %arg11[%swap3A_1127] {strides = array<i32>} : memref<4096xf32, #tpu.memory_space<vmem>>, vector<16xf32>,
          tpu.vector_store %arg11[%swap3A_1127], %broadcast_in_dim3A_16 {add = true, strides = array<i32>} : memref<4096xf32, #tpu.memory_space<vmem>>, vector<16xf32>,
          %slice3A_1129 = vector.extract_strided_slice %get3A_889 {offsets = [5], sizes = [1], strides = [1]} : vector<16xi32> to vector<1xi32>
          %squeeze3A_1130 = vector.extract %slice3A_1129[0] : i32 from vector<1xi32>
          %mul3A_1131 = arith.constant 16 : i32
          %mul3A_1132 = arith.muli %squeeze3A_1130, %mul3A_1131 : i32
          %swap3A_1133 = arith.index_cast %mul3A_1132 : i32 to index
          %swap3A_1134 = tpu.vector_load %arg9[%swap3A_1133] {strides = array<i32>} : memref<4096xf32, #tpu.memory_space<vmem>>, vector<16xf32>,
          tpu.vector_store %arg9[%swap3A_1133], %exp3A_997 {add = true, strides = array<i32>} : memref<4096xf32, #tpu.memory_space<vmem>>, vector<16xf32>,
          %swap3A_1135 = arith.index_cast %mul3A_1132 : i32 to index
          %swap3A_1136 = tpu.vector_load %arg10[%swap3A_1135] {strides = array<i32>} : memref<4096xf32, #tpu.memory_space<vmem>>, vector<16xf32>,
          tpu.vector_store %arg10[%swap3A_1135], %mul3A_1023 {add = true, strides = array<i32>} : memref<4096xf32, #tpu.memory_space<vmem>>, vector<16xf32>,
          %swap3A_1137 = arith.index_cast %mul3A_1132 : i32 to index
          %swap3A_1138 = tpu.vector_load %arg11[%swap3A_1137] {strides = array<i32>} : memref<4096xf32, #tpu.memory_space<vmem>>, vector<16xf32>,
          tpu.vector_store %arg11[%swap3A_1137], %broadcast_in_dim3A_16 {add = true, strides = array<i32>} : memref<4096xf32, #tpu.memory_space<vmem>>, vector<16xf32>,
          %slice3A_1139 = vector.extract_strided_slice %get3A_889 {offsets = [6], sizes = [1], strides = [1]} : vector<16xi32> to vector<1xi32>
          %squeeze3A_1140 = vector.extract %slice3A_1139[0] : i32 from vector<1xi32>
          %mul3A_1141 = arith.constant 16 : i32
          %mul3A_1142 = arith.muli %squeeze3A_1140, %mul3A_1141 : i32
          %swap3A_1143 = arith.index_cast %mul3A_1142 : i32 to index
          %swap3A_1144 = tpu.vector_load %arg9[%swap3A_1143] {strides = array<i32>} : memref<4096xf32, #tpu.memory_space<vmem>>, vector<16xf32>,
          tpu.vector_store %arg9[%swap3A_1143], %exp3A_999 {add = true, strides = array<i32>} : memref<4096xf32, #tpu.memory_space<vmem>>, vector<16xf32>,
          %swap3A_1145 = arith.index_cast %mul3A_1142 : i32 to index
          %swap3A_1146 = tpu.vector_load %arg10[%swap3A_1145] {strides = array<i32>} : memref<4096xf32, #tpu.memory_space<vmem>>, vector<16xf32>,
          tpu.vector_store %arg10[%swap3A_1145], %mul3A_1024 {add = true, strides = array<i32>} : memref<4096xf32, #tpu.memory_space<vmem>>, vector<16xf32>,
          %swap3A_1147 = arith.index_cast %mul3A_1142 : i32 to index
          %swap3A_1148 = tpu.vector_load %arg11[%swap3A_1147] {strides = array<i32>} : memref<4096xf32, #tpu.memory_space<vmem>>, vector<16xf32>,
          tpu.vector_store %arg11[%swap3A_1147], %broadcast_in_dim3A_16 {add = true, strides = array<i32>} : memref<4096xf32, #tpu.memory_space<vmem>>, vector<16xf32>,
          %slice3A_1149 = vector.extract_strided_slice %get3A_889 {offsets = [7], sizes = [1], strides = [1]} : vector<16xi32> to vector<1xi32>
          %squeeze3A_1150 = vector.extract %slice3A_1149[0] : i32 from vector<1xi32>
          %mul3A_1151 = arith.constant 16 : i32
          %mul3A_1152 = arith.muli %squeeze3A_1150, %mul3A_1151 : i32
          %swap3A_1153 = arith.index_cast %mul3A_1152 : i32 to index
          %swap3A_1154 = tpu.vector_load %arg9[%swap3A_1153] {strides = array<i32>} : memref<4096xf32, #tpu.memory_space<vmem>>, vector<16xf32>,
          tpu.vector_store %arg9[%swap3A_1153], %exp3A_1001 {add = true, strides = array<i32>} : memref<4096xf32, #tpu.memory_space<vmem>>, vector<16xf32>,
          %swap3A_1155 = arith.index_cast %mul3A_1152 : i32 to index
          %swap3A_1156 = tpu.vector_load %arg10[%swap3A_1155] {strides = array<i32>} : memref<4096xf32, #tpu.memory_space<vmem>>, vector<16xf32>,
          tpu.vector_store %arg10[%swap3A_1155], %mul3A_1025 {add = true, strides = array<i32>} : memref<4096xf32, #tpu.memory_space<vmem>>, vector<16xf32>,
          %swap3A_1157 = arith.index_cast %mul3A_1152 : i32 to index
          %swap3A_1158 = tpu.vector_load %arg11[%swap3A_1157] {strides = array<i32>} : memref<4096xf32, #tpu.memory_space<vmem>>, vector<16xf32>,
          tpu.vector_store %arg11[%swap3A_1157], %broadcast_in_dim3A_16 {add = true, strides = array<i32>} : memref<4096xf32, #tpu.memory_space<vmem>>, vector<16xf32>,
          %slice3A_1159 = vector.extract_strided_slice %get3A_889 {offsets = [8], sizes = [1], strides = [1]} : vector<16xi32> to vector<1xi32>
          %squeeze3A_1160 = vector.extract %slice3A_1159[0] : i32 from vector<1xi32>
          %mul3A_1161 = arith.constant 16 : i32
          %mul3A_1162 = arith.muli %squeeze3A_1160, %mul3A_1161 : i32
          %swap3A_1163 = arith.index_cast %mul3A_1162 : i32 to index
          %swap3A_1164 = tpu.vector_load %arg9[%swap3A_1163] {strides = array<i32>} : memref<4096xf32, #tpu.memory_space<vmem>>, vector<16xf32>,
          tpu.vector_store %arg9[%swap3A_1163], %exp3A_1003 {add = true, strides = array<i32>} : memref<4096xf32, #tpu.memory_space<vmem>>, vector<16xf32>,
          %swap3A_1165 = arith.index_cast %mul3A_1162 : i32 to index
          %swap3A_1166 = tpu.vector_load %arg10[%swap3A_1165] {strides = array<i32>} : memref<4096xf32, #tpu.memory_space<vmem>>, vector<16xf32>,
          tpu.vector_store %arg10[%swap3A_1165], %mul3A_1026 {add = true, strides = array<i32>} : memref<4096xf32, #tpu.memory_space<vmem>>, vector<16xf32>,
          %swap3A_1167 = arith.index_cast %mul3A_1162 : i32 to index
          %swap3A_1168 = tpu.vector_load %arg11[%swap3A_1167] {strides = array<i32>} : memref<4096xf32, #tpu.memory_space<vmem>>, vector<16xf32>,
          tpu.vector_store %arg11[%swap3A_1167], %broadcast_in_dim3A_16 {add = true, strides = array<i32>} : memref<4096xf32, #tpu.memory_space<vmem>>, vector<16xf32>,
          %slice3A_1169 = vector.extract_strided_slice %get3A_889 {offsets = [9], sizes = [1], strides = [1]} : vector<16xi32> to vector<1xi32>
          %squeeze3A_1170 = vector.extract %slice3A_1169[0] : i32 from vector<1xi32>
          %mul3A_1171 = arith.constant 16 : i32
          %mul3A_1172 = arith.muli %squeeze3A_1170, %mul3A_1171 : i32
          %swap3A_1173 = arith.index_cast %mul3A_1172 : i32 to index
          %swap3A_1174 = tpu.vector_load %arg9[%swap3A_1173] {strides = array<i32>} : memref<4096xf32, #tpu.memory_space<vmem>>, vector<16xf32>,
          tpu.vector_store %arg9[%swap3A_1173], %exp3A_1005 {add = true, strides = array<i32>} : memref<4096xf32, #tpu.memory_space<vmem>>, vector<16xf32>,
          %swap3A_1175 = arith.index_cast %mul3A_1172 : i32 to index
          %swap3A_1176 = tpu.vector_load %arg10[%swap3A_1175] {strides = array<i32>} : memref<4096xf32, #tpu.memory_space<vmem>>, vector<16xf32>,
          tpu.vector_store %arg10[%swap3A_1175], %mul3A_1027 {add = true, strides = array<i32>} : memref<4096xf32, #tpu.memory_space<vmem>>, vector<16xf32>,
          %swap3A_1177 = arith.index_cast %mul3A_1172 : i32 to index
          %swap3A_1178 = tpu.vector_load %arg11[%swap3A_1177] {strides = array<i32>} : memref<4096xf32, #tpu.memory_space<vmem>>, vector<16xf32>,
          tpu.vector_store %arg11[%swap3A_1177], %broadcast_in_dim3A_16 {add = true, strides = array<i32>} : memref<4096xf32, #tpu.memory_space<vmem>>, vector<16xf32>,
          %slice3A_1179 = vector.extract_strided_slice %get3A_889 {offsets = [10], sizes = [1], strides = [1]} : vector<16xi32> to vector<1xi32>
          %squeeze3A_1180 = vector.extract %slice3A_1179[0] : i32 from vector<1xi32>
          %mul3A_1181 = arith.constant 16 : i32
          %mul3A_1182 = arith.muli %squeeze3A_1180, %mul3A_1181 : i32
          %swap3A_1183 = arith.index_cast %mul3A_1182 : i32 to index
          %swap3A_1184 = tpu.vector_load %arg9[%swap3A_1183] {strides = array<i32>} : memref<4096xf32, #tpu.memory_space<vmem>>, vector<16xf32>,
          tpu.vector_store %arg9[%swap3A_1183], %exp3A_1007 {add = true, strides = array<i32>} : memref<4096xf32, #tpu.memory_space<vmem>>, vector<16xf32>,
          %swap3A_1185 = arith.index_cast %mul3A_1182 : i32 to index
          %swap3A_1186 = tpu.vector_load %arg10[%swap3A_1185] {strides = array<i32>} : memref<4096xf32, #tpu.memory_space<vmem>>, vector<16xf32>,
          tpu.vector_store %arg10[%swap3A_1185], %mul3A_1028 {add = true, strides = array<i32>} : memref<4096xf32, #tpu.memory_space<vmem>>, vector<16xf32>,
          %swap3A_1187 = arith.index_cast %mul3A_1182 : i32 to index
          %swap3A_1188 = tpu.vector_load %arg11[%swap3A_1187] {strides = array<i32>} : memref<4096xf32, #tpu.memory_space<vmem>>, vector<16xf32>,
          tpu.vector_store %arg11[%swap3A_1187], %broadcast_in_dim3A_16 {add = true, strides = array<i32>} : memref<4096xf32, #tpu.memory_space<vmem>>, vector<16xf32>,
          %slice3A_1189 = vector.extract_strided_slice %get3A_889 {offsets = [11], sizes = [1], strides = [1]} : vector<16xi32> to vector<1xi32>
          %squeeze3A_1190 = vector.extract %slice3A_1189[0] : i32 from vector<1xi32>
          %mul3A_1191 = arith.constant 16 : i32
          %mul3A_1192 = arith.muli %squeeze3A_1190, %mul3A_1191 : i32
          %swap3A_1193 = arith.index_cast %mul3A_1192 : i32 to index
          %swap3A_1194 = tpu.vector_load %arg9[%swap3A_1193] {strides = array<i32>} : memref<4096xf32, #tpu.memory_space<vmem>>, vector<16xf32>,
          tpu.vector_store %arg9[%swap3A_1193], %exp3A_1009 {add = true, strides = array<i32>} : memref<4096xf32, #tpu.memory_space<vmem>>, vector<16xf32>,
          %swap3A_1195 = arith.index_cast %mul3A_1192 : i32 to index
          %swap3A_1196 = tpu.vector_load %arg10[%swap3A_1195] {strides = array<i32>} : memref<4096xf32, #tpu.memory_space<vmem>>, vector<16xf32>,
          tpu.vector_store %arg10[%swap3A_1195], %mul3A_1029 {add = true, strides = array<i32>} : memref<4096xf32, #tpu.memory_space<vmem>>, vector<16xf32>,
          %swap3A_1197 = arith.index_cast %mul3A_1192 : i32 to index
          %swap3A_1198 = tpu.vector_load %arg11[%swap3A_1197] {strides = array<i32>} : memref<4096xf32, #tpu.memory_space<vmem>>, vector<16xf32>,
          tpu.vector_store %arg11[%swap3A_1197], %broadcast_in_dim3A_16 {add = true, strides = array<i32>} : memref<4096xf32, #tpu.memory_space<vmem>>, vector<16xf32>,
          %slice3A_1199 = vector.extract_strided_slice %get3A_889 {offsets = [12], sizes = [1], strides = [1]} : vector<16xi32> to vector<1xi32>
          %squeeze3A_1200 = vector.extract %slice3A_1199[0] : i32 from vector<1xi32>
          %mul3A_1201 = arith.constant 16 : i32
          %mul3A_1202 = arith.muli %squeeze3A_1200, %mul3A_1201 : i32
          %swap3A_1203 = arith.index_cast %mul3A_1202 : i32 to index
          %swap3A_1204 = tpu.vector_load %arg9[%swap3A_1203] {strides = array<i32>} : memref<4096xf32, #tpu.memory_space<vmem>>, vector<16xf32>,
          tpu.vector_store %arg9[%swap3A_1203], %exp3A_1011 {add = true, strides = array<i32>} : memref<4096xf32, #tpu.memory_space<vmem>>, vector<16xf32>,
          %swap3A_1205 = arith.index_cast %mul3A_1202 : i32 to index
          %swap3A_1206 = tpu.vector_load %arg10[%swap3A_1205] {strides = array<i32>} : memref<4096xf32, #tpu.memory_space<vmem>>, vector<16xf32>,
          tpu.vector_store %arg10[%swap3A_1205], %mul3A_1030 {add = true, strides = array<i32>} : memref<4096xf32, #tpu.memory_space<vmem>>, vector<16xf32>,
          %swap3A_1207 = arith.index_cast %mul3A_1202 : i32 to index
          %swap3A_1208 = tpu.vector_load %arg11[%swap3A_1207] {strides = array<i32>} : memref<4096xf32, #tpu.memory_space<vmem>>, vector<16xf32>,
          tpu.vector_store %arg11[%swap3A_1207], %broadcast_in_dim3A_16 {add = true, strides = array<i32>} : memref<4096xf32, #tpu.memory_space<vmem>>, vector<16xf32>,
          %slice3A_1209 = vector.extract_strided_slice %get3A_889 {offsets = [13], sizes = [1], strides = [1]} : vector<16xi32> to vector<1xi32>
          %squeeze3A_1210 = vector.extract %slice3A_1209[0] : i32 from vector<1xi32>
          %mul3A_1211 = arith.constant 16 : i32
          %mul3A_1212 = arith.muli %squeeze3A_1210, %mul3A_1211 : i32
          %swap3A_1213 = arith.index_cast %mul3A_1212 : i32 to index
          %swap3A_1214 = tpu.vector_load %arg9[%swap3A_1213] {strides = array<i32>} : memref<4096xf32, #tpu.memory_space<vmem>>, vector<16xf32>,
          tpu.vector_store %arg9[%swap3A_1213], %exp3A_1013 {add = true, strides = array<i32>} : memref<4096xf32, #tpu.memory_space<vmem>>, vector<16xf32>,
          %swap3A_1215 = arith.index_cast %mul3A_1212 : i32 to index
          %swap3A_1216 = tpu.vector_load %arg10[%swap3A_1215] {strides = array<i32>} : memref<4096xf32, #tpu.memory_space<vmem>>, vector<16xf32>,
          tpu.vector_store %arg10[%swap3A_1215], %mul3A_1031 {add = true, strides = array<i32>} : memref<4096xf32, #tpu.memory_space<vmem>>, vector<16xf32>,
          %swap3A_1217 = arith.index_cast %mul3A_1212 : i32 to index
          %swap3A_1218 = tpu.vector_load %arg11[%swap3A_1217] {strides = array<i32>} : memref<4096xf32, #tpu.memory_space<vmem>>, vector<16xf32>,
          tpu.vector_store %arg11[%swap3A_1217], %broadcast_in_dim3A_16 {add = true, strides = array<i32>} : memref<4096xf32, #tpu.memory_space<vmem>>, vector<16xf32>,
          %slice3A_1219 = vector.extract_strided_slice %get3A_889 {offsets = [14], sizes = [1], strides = [1]} : vector<16xi32> to vector<1xi32>
          %squeeze3A_1220 = vector.extract %slice3A_1219[0] : i32 from vector<1xi32>
          %mul3A_1221 = arith.constant 16 : i32
          %mul3A_1222 = arith.muli %squeeze3A_1220, %mul3A_1221 : i32
          %swap3A_1223 = arith.index_cast %mul3A_1222 : i32 to index
          %swap3A_1224 = tpu.vector_load %arg9[%swap3A_1223] {strides = array<i32>} : memref<4096xf32, #tpu.memory_space<vmem>>, vector<16xf32>,
          tpu.vector_store %arg9[%swap3A_1223], %exp3A_1015 {add = true, strides = array<i32>} : memref<4096xf32, #tpu.memory_space<vmem>>, vector<16xf32>,
          %swap3A_1225 = arith.index_cast %mul3A_1222 : i32 to index
          %swap3A_1226 = tpu.vector_load %arg10[%swap3A_1225] {strides = array<i32>} : memref<4096xf32, #tpu.memory_space<vmem>>, vector<16xf32>,
          tpu.vector_store %arg10[%swap3A_1225], %mul3A_1032 {add = true, strides = array<i32>} : memref<4096xf32, #tpu.memory_space<vmem>>, vector<16xf32>,
          %swap3A_1227 = arith.index_cast %mul3A_1222 : i32 to index
          %swap3A_1228 = tpu.vector_load %arg11[%swap3A_1227] {strides = array<i32>} : memref<4096xf32, #tpu.memory_space<vmem>>, vector<16xf32>,
          tpu.vector_store %arg11[%swap3A_1227], %broadcast_in_dim3A_16 {add = true, strides = array<i32>} : memref<4096xf32, #tpu.memory_space<vmem>>, vector<16xf32>,
          %slice3A_1229 = vector.extract_strided_slice %get3A_889 {offsets = [15], sizes = [1], strides = [1]} : vector<16xi32> to vector<1xi32>
          %squeeze3A_1230 = vector.extract %slice3A_1229[0] : i32 from vector<1xi32>
          %mul3A_1231 = arith.constant 16 : i32
          %mul3A_1232 = arith.muli %squeeze3A_1230, %mul3A_1231 : i32
          %swap3A_1233 = arith.index_cast %mul3A_1232 : i32 to index
          %swap3A_1234 = tpu.vector_load %arg9[%swap3A_1233] {strides = array<i32>} : memref<4096xf32, #tpu.memory_space<vmem>>, vector<16xf32>,
          tpu.vector_store %arg9[%swap3A_1233], %exp3A_1017 {add = true, strides = array<i32>} : memref<4096xf32, #tpu.memory_space<vmem>>, vector<16xf32>,
          %swap3A_1235 = arith.index_cast %mul3A_1232 : i32 to index
          %swap3A_1236 = tpu.vector_load %arg10[%swap3A_1235] {strides = array<i32>} : memref<4096xf32, #tpu.memory_space<vmem>>, vector<16xf32>,
          tpu.vector_store %arg10[%swap3A_1235], %mul3A_1033 {add = true, strides = array<i32>} : memref<4096xf32, #tpu.memory_space<vmem>>, vector<16xf32>,
          %swap3A_1237 = arith.index_cast %mul3A_1232 : i32 to index
          %swap3A_1238 = tpu.vector_load %arg11[%swap3A_1237] {strides = array<i32>} : memref<4096xf32, #tpu.memory_space<vmem>>, vector<16xf32>,
          tpu.vector_store %arg11[%swap3A_1237], %broadcast_in_dim3A_16 {add = true, strides = array<i32>} : memref<4096xf32, #tpu.memory_space<vmem>>, vector<16xf32>,
        } else {
        }
      }
      %scan3A_96 = arith.constant 25 : i32
    }
    %scan3A_54 = arith.constant 25 : i32
    %scan3A_55 = arith.constant 0 : i32
    %scan3A_56 = arith.constant 0 : i32
    %scan3A_57 = arith.constant 256 : i32
    %scan3A_58 = arith.addi %scan3A_56, %scan3A_57 : i32
    %scan3A_59 = arith.constant 1 : i32
    scf.for %scan3A_61 = %scan3A_56 to %scan3A_58 step %scan3A_59  : i32 {
      %mul3A_62 = arith.constant 16 : i32
      %mul3A_63 = arith.muli %scan3A_61, %mul3A_62 : i32
      %get3A_64 = arith.index_cast %mul3A_63 : i32 to index
      %get3A_65 = tpu.vector_load %arg9[%get3A_64] {strides = array<i32>} : memref<4096xf32, #tpu.memory_space<vmem>>, vector<16xf32>,
      %get3A_66 = arith.index_cast %mul3A_63 : i32 to index
      %get3A_67 = tpu.vector_load %arg10[%get3A_66] {strides = array<i32>} : memref<4096xf32, #tpu.memory_space<vmem>>, vector<16xf32>,
      %get3A_68 = arith.index_cast %mul3A_63 : i32 to index
      %get3A_69 = tpu.vector_load %arg11[%get3A_68] {strides = array<i32>} : memref<4096xf32, #tpu.memory_space<vmem>>, vector<16xf32>,
      %div3A = arith.divf %get3A_67, %get3A_65 : vector<16xf32>
      %mul3A_70 = arith.mulf %div3A, %get3A_69 : vector<16xf32>
      %sub3A = arith.constant 1.000000e+00 : f32
      %sub3A_71 = vector.broadcast %sub3A : f32 to vector<16xf32>
      %sub3A_72 = arith.subf %get3A_69, %sub3A_71 : vector<16xf32>
      %mul3A_73 = arith.mulf %get3A_9, %sub3A_72 : vector<16xf32>
      %add3A_74 = arith.constant 1.000000e+00 : f32
      %add3A_75 = vector.broadcast %add3A_74 : f32 to vector<16xf32>
      %add3A_76 = arith.addf %add3A_75, %mul3A_73 : vector<16xf32>
      %div3A_77 = arith.divf %mul3A_70, %add3A_76 : vector<16xf32>
      %mul3A_78 = arith.mulf %div3A_77, %get3A_13 : vector<16xf32>
      %swap3A = arith.index_cast %scan3A_61 : i32 to index
      %swap3A_79 = arith.constant 0 : index
      %swap3A_80 = tpu.vector_load %arg12[%swap3A, %swap3A_79] {strides = array<i32>} : memref<256x16xf32, #tpu.memory_space<vmem>>, vector<16xf32>,
      tpu.vector_store %arg12[%swap3A, %swap3A_79], %mul3A_78 {strides = array<i32>} : memref<256x16xf32, #tpu.memory_space<vmem>>, vector<16xf32>,
    }
    %scan3A_60 = arith.constant 256 : i32
    "tpu.region"() ({
      %run_scoped3A = tpu.sem_alloc : memref<!tpu.dma_semaphore, #tpu.memory_space<semaphore_mem>>
      %dma_start3A_61 = arith.constant 0 : i32
      %dma_start3A_62 = tpu.memref_slice %arg5[%dma_start3A_61, %mul3A_2] : memref<256x512xf32, #tpu.memory_space<hbm>> -> memref<256x16xf32, #tpu.memory_space<hbm>>
      %dma_start3A_63 = arith.constant 0 : i32
      %dma_start3A_64 = tpu.memref_slice %arg5[%dma_start3A_63, %mul3A_2] : memref<256x512xf32, #tpu.memory_space<hbm>> -> memref<256x16xf32, #tpu.memory_space<hbm>>
      tpu.enqueue_dma source(%arg12 : memref<256x16xf32, #tpu.memory_space<vmem>>) target(%dma_start3A_64 : memref<256x16xf32, #tpu.memory_space<hbm>>) target_semaphore(%run_scoped3A : memref<!tpu.dma_semaphore, #tpu.memory_space<semaphore_mem>>)
      %dma_wait3A = arith.constant 0 : i32
      %dma_wait3A_65 = tpu.memref_slice %arg5[%dma_wait3A, %mul3A_2] : memref<256x512xf32, #tpu.memory_space<hbm>> -> memref<256x16xf32, #tpu.memory_space<hbm>>
      %dma_wait3A_66 = arith.constant 0 : i32
      %dma_wait3A_67 = tpu.memref_slice %arg5[%dma_wait3A_66, %mul3A_2] : memref<256x512xf32, #tpu.memory_space<hbm>> -> memref<256x16xf32, #tpu.memory_space<hbm>>
      tpu.wait_dma2 semaphore(%run_scoped3A : memref<!tpu.dma_semaphore, #tpu.memory_space<semaphore_mem>>) src(%arg12 : memref<256x16xf32, #tpu.memory_space<vmem>>) dst(%dma_wait3A_67 : memref<256x16xf32, #tpu.memory_space<hbm>>)
      tpu.yield
    }) : () -> ()
    return
  }
}

</mosaic_0001>

<sc_bundles>
// kernel: _pool.3.cloned.1.call-start
scs
__scs_entry_jumppad:
0x0: {  	(pc) =	sbr.rel $0x88, $3  }
0x1: {  	(tag) =	ssettag $0x0;
	lr =	simm.s32 $0x1  }
0x2: {  	[smem:$0x3F9E] =	sst lr;
	_ =	strace $0xD0000000  }
0x3: {  	_ = 	snop  }
0x4: {  	_ = 	snop  }
0x5: {  	_ = 	snop  }
0x6: {  	_ = 	snop  }
0x7: {  	_ = 	snop  }
__scs_overlays_trampoline_lowered:
0x8: {  	[smem:$0x3FAD] =	sst s0  }
0x9: {  	[smem:$0x3FAE] =	sst s1  }
0xa: {  	[smem:$0x3FAF] =	sst s2  }
0xb: {  	[smem:$0x3FB0] =	sst s3  }
0xc: {  	[smem:$0x3FB1] =	sst s4  }
0xd: {  	[smem:$0x3FB2] =	sst s5  }
0xe: {  	[smem:$0x3FB3] =	sst s6  }
0xf: {  	[smem:$0x3FB4] =	sst s7  }
0x10: {  	[smem:$0x3FB5] =	sst s8  }
0x11: {  	[smem:$0x3FB6] =	sst s9;
	s0 =	simm.s32 @!p0 $0x0  }
0x12: {  	s1 =	sld [smem:$0x3F9C];
	s0 =	simm.s32 @p0 $0x1  }
0x13: {  	[smem:$0x3FB7] =	sst s0;
	s0 =	simm.s32 @!p1 $0x0  }
0x14: {  	s2 =	sld [smem:$0x3F9B];
	s0 =	simm.s32 @p1 $0x1  }
0x15: {  	[smem:$0x3FB8] =	sst s0;
	s0 =	simm.s32 @!p2 $0x0  }
0x16: {  	s3 =	sld [smem:$0x3FDB];
	s0 =	simm.s32 @p2 $0x1  }
0x17: {  	s4 =	simm.s32 $0x1BF5;
	[smem:$0x3FBA] =	sst s0  }
0x18: {  	s0 =	sld [smem:$0x3F9D];
	_ =	swait.ge [sflag:s4], $0x0  }
0x19: {  	s7 =	sld [smem:$0x3F9E]  }
0x1a: {  	s8 =	sadd.s32 $0xFFFFE003, lr  }
0x1b: {  	s9 =	sadd.s32 $0xFFFFFEF7, lr;
	s5 =	simm.s32 $0xFFFFFFFF;
	p2 =	slt.u32 s8, $0xFFFFF086  }
0x1c: {  	p1 =	slt.u32 s9, $0xF7A;
	s5 =	simm.s32 @!p2 $0x0  }
0x1d: {  	s5 =	simm.s32 @p1 $0x1;
	p0 =	seq.s32 s7, s2  }
0x1e: {  	s7 =	smul.u32 @!p0 $0xF7A, s2;
	p2 =	seq.s32 @!p0 s5, $0x0  }
0x1f: {  	s9 =	smul.u32 $0xF7A, s1;
	s8 =	simm.s32 @!p0 $0x1BF5;
	p2 =	por !p2, p0  }
0x20: {  	[sflag:s8] =	ssyncset.s32 @!p0 $0xFFFFF086;
	s6 =	sadd.s32 @!p0 s3, s7;
	s7 =	simm.s32 @!p0 $0x108  }
0x21: {  	s3 =	sadd.s32 s3, s9;
	s6 =	sadd.s32 @!p0 $0x88, s6;
	s7 =	simm.s32 @p2 $0x1082  }
0x22: {  	[simem:s7], [sflag:s8] =	dma.local @!p0 [hbm:s6], $0xF7A  }
0x23: {  	s9 =	sor.u32 $0xD0000000, s2;
	s6 =	simm.s32 $0x108;
	_ =	swait.ge @!p0 [sflag:s8], $0x0  }
0x24: {  	s3 =	sadd.s32 $0x88, s3;
	s6 =	simm.s32 @!p1 $0x1082;
	[sflag:s4] =	ssyncset.s32 $0xFFFFF086  }
0x25: {  	[simem:s6], [sflag:s4] =	dma.local [hbm:s3], $0xF7A  }
0x26: {  	[smem:$0x3F9E] =	sst s1;
	(tag) =	ssettag s2;
	_ =	strace s9  }
0x27: {  	s1 =	sld [smem:$0x3FAE]  }
0x28: {  	s2 =	sld [smem:$0x3FAF]  }
0x29: {  	s4 =	sld [smem:$0x3FB1]  }
0x2a: {  	p0 =	seq.s32 s5, $0x0;
	s5 =	sld [smem:$0x3FB2]  }
0x2b: {  	s6 =	sld [smem:$0x3FB3]  }
0x2c: {  	s7 =	sld [smem:$0x3FB4]  }
0x2d: {  	s3 =	simm.s32 $0x108;
	s8 =	sld [smem:$0x3FB5]  }
0x2e: {  	s3 =	simm.s32 @!p0 $0x1082;
	s9 =	sld [smem:$0x3FB6]  }
0x2f: {  	lr =	sadd.s32 s0, s3;
	s0 =	sld [smem:$0x3FAD]  }
0x30: {  	s3 =	sld [smem:$0x3FB0]  }
0x31: {  	[smem:$0x3FB9] =	sst s10  }
0x32: {  	s10 =	sld [smem:$0x3FB7];
	_ =	sdelay $0x3  }
0x33: {  	p0 =	seq.s32 s10, $0x1;
	s10 =	sld [smem:$0x3FB9];
	_ =	sdelay $0x3  }
0x34: {  	[smem:$0x3FB9] =	sst s10  }
0x35: {  	s10 =	sld [smem:$0x3FB8];
	_ =	sdelay $0x3  }
0x36: {  	p1 =	seq.s32 s10, $0x1;
	s10 =	sld [smem:$0x3FB9];
	_ =	sdelay $0x3  }
0x37: {  	[smem:$0x3FB9] =	sst s10  }
0x38: {  	s10 =	sld [smem:$0x3FBA]  }
0x39: {  	_ = 	snop;
	(pc) =	sbr.ind lr, $3  }
0x3a: {  	_ = 	snop  }
0x3b: {  	_ = 	snop  }
0x3c: {  	p2 =	seq.s32 s10, $0x1;
	s10 =	sld [smem:$0x3FB9]  }
0x3d: {  	_ =	shalt  }
0x3e: {  	_ =	shalt  }
0x3f: {  	_ =	shalt  }
0x40: {  	_ =	shalt  }
0x41: {  	_ =	shalt  }
0x42: {  	_ =	shalt  }
0x43: {  	_ =	shalt  }
0x44: {  	_ =	shalt  }
0x45: {  	_ =	shalt  }
0x46: {  	_ =	shalt  }
0x47: {  	_ =	shalt  }
0x48: {  	_ =	shalt  }
0x49: {  	_ =	shalt  }
0x4a: {  	_ =	shalt  }
0x4b: {  	_ =	shalt  }
0x4c: {  	_ =	shalt  }
0x4d: {  	_ =	shalt  }
0x4e: {  	_ =	shalt  }
0x4f: {  	_ =	shalt  }
0x50: {  	_ =	shalt  }
0x51: {  	_ =	shalt  }
0x52: {  	_ =	shalt  }
0x53: {  	_ =	shalt  }
0x54: {  	_ =	shalt  }
0x55: {  	_ =	shalt  }
0x56: {  	_ =	shalt  }
0x57: {  	_ =	shalt  }
0x58: {  	_ =	shalt  }
0x59: {  	_ =	shalt  }
0x5a: {  	_ =	shalt  }
0x5b: {  	_ =	shalt  }
0x5c: {  	_ =	shalt  }
0x5d: {  	_ =	shalt  }
0x5e: {  	_ =	shalt  }
0x5f: {  	_ =	shalt  }
0x60: {  	_ =	shalt  }
0x61: {  	_ =	shalt  }
0x62: {  	_ =	shalt  }
0x63: {  	_ =	shalt  }
0x64: {  	_ =	shalt  }
0x65: {  	_ =	shalt  }
0x66: {  	_ =	shalt  }
0x67: {  	_ =	shalt  }
0x68: {  	_ =	shalt  }
0x69: {  	_ =	shalt  }
0x6a: {  	_ =	shalt  }
0x6b: {  	_ =	shalt  }
0x6c: {  	_ =	shalt  }
0x6d: {  	_ =	shalt  }
0x6e: {  	_ =	shalt  }
0x6f: {  	_ =	shalt  }
0x70: {  	_ =	shalt  }
0x71: {  	_ =	shalt  }
0x72: {  	_ =	shalt  }
0x73: {  	_ =	shalt  }
0x74: {  	_ =	shalt  }
0x75: {  	_ =	shalt  }
0x76: {  	_ =	shalt  }
0x77: {  	_ =	shalt  }
0x78: {  	_ =	shalt  }
0x79: {  	_ =	shalt  }
0x7a: {  	_ =	shalt  }
0x7b: {  	_ =	shalt  }
0x7c: {  	_ =	shalt  }
0x7d: {  	_ =	shalt  }
0x7e: {  	_ =	shalt  }
0x7f: {  	_ =	shalt  }
0x80: {  	_ =	shalt  }
0x81: {  	_ =	shalt  }
0x82: {  	_ =	shalt  }
0x83: {  	_ =	shalt  }
0x84: {  	_ =	shalt  }
0x85: {  	_ =	shalt  }
0x86: {  	_ =	shalt  }
0x87: {  	_ =	shalt  }
.Lfunc_end0:
.L_simem_size_0:
called_computation.1_lowered:
.L_overlay_start_0:
0x88: {  	s2 =	sld [smem:$0x3FD9]  }
0x89: {  	s3 =	sld [smem:$0x3FFE];
	_ =	sdelay $0x1  }
0x8a: {  	s1 =	srdreg.scid  }
0x8b: {  	s0 =	sand.u32 $0x1, s1  }
0x8c: {  	s17 =	sshll.u32 s0, $0xA;
	s2 =	sadd.s32 s3, s2  }
0x8d: {  	s2 =	sadd.s32 s2, s17  }
0x8e: {  	[smem:$0x3FC5] =	sst s2  }
0x8f: {  	_ = 	snop  }
0x90: {  	s2 =	sld [smem:$0x3FC8]  }
0x91: {  	s18 =	sld [smem:$0x3FD0];
	(tm) =	ssettm $0x1  }
0x92: {  	s4 =	sld [smem:$0x3FFB];
	_ =	sdelay $0x3  }
0x93: {  	_ =	strace s4  }
0x94: {  	s4 =	sld [smem:$0x3FFC];
	_ =	sdelay $0x3  }
0x95: {  	_ =	strace s4  }
0x96: {  	s4 =	sld [smem:$0x3FFD];
	_ =	sdelay $0x3  }
0x97: {  	_ =	strace s4  }
0x98: {  	_ =	strace $0x8FFFFFFF  }
0x99: {  	s19 =	sld [smem:$0x3FDB];
	_ =	sdelay $0x1  }
0x9a: {  	s5 =	simm.s32 $_scs_section_size  }
0x9b: {  	s6 =	simm.s32 $_size__tile_overlayer_lowered;
	s7 =	simm.s32 $_tile_overlayer_lowered  }
0x9c: {  	s22 =	simm.s32 $0x1BFF;
	s21 =	sshll.u32 s7, $0x1;
	s4 =	sadd.s32 s5, s19  }
0x9d: {  	s8 =	simm.s32 $0x0;
	s20 =	sshll.u32 s6, $0x1;
	s6 =	sadd.s32 s21, s4  }
0x9e: {  	[timem:s8], [sflag:s22] =	dma.local [hbm:s6], s20  }
0x9f: {  	_ =	swait.ge [sflag:s22], s20  }
0xa0: {  	s5 =	ssub.s32 $0x0, s20;
	[sflag:s22] =	ssyncset.done $0x0  }
0xa1: {  	[sflag:s22] =	ssyncadd.s32 s5;
	_ =	sdelay $0x1  }
0xa2: {  	s23 =	simm.s32 $0x1B8B  }
0xa3: {  	_ =	swait.ge [sflag:s23], $0x1  }
0xa4: {  	[sflag:s23] =	ssyncset.done $0x0  }
0xa5: {  	s25 =	simm.s32 $0x1B8E;
	s24 =	sld [smem:$0x3FFE];
	[sflag:s23] =	ssyncadd.s32 $0xFFFFFFFF  }
0xa6: {  	s26 =	simm.s32 $execute0_lowered;
	[smem:$0x3FD2] =	sst s25  }
0xa7: {  	s6 =	sshll.u32 s26, $0x1;
	_ =	strace $0x80000049;
	[dreg:$0x1] =	wrdreg $0xFFFFFFFF  }
0xa8: {  	s28 =	simm.s32 $_size_execute0_lowered;
	s4 =	sadd.s32 s4, s6;
	[dreg:$0x0] =	wrdreg $0x0  }
0xa9: {  	s6 =	sshll.u32 s28, $0x1;
	[dreg:$0x2] =	wrdreg s4  }
0xaa: {  	[dreg:$0x3] =	wrdreg s6  }
0xab: {  	[dreg:$0x4] =	wrdreg $0xC0  }
0xac: {  	_ =	task [dreg:s8], $0x5FFFF  }
0xad: {  	[dreg:$0x1] =	wrdreg $0xFFFFFFFF  }
0xae: {  	[dreg:$0x0] =	wrdreg $0x60  }
0xaf: {  	[dreg:$0x2] =	wrdreg s24  }
0xb0: {  	[dreg:$0x3] =	wrdreg s2  }
0xb1: {  	[dreg:$0x4] =	wrdreg s18  }
0xb2: {  	[dreg:$0x5] =	wrdreg $0x9  }
0xb3: {  	_ =	task.clear_ibuf [dreg:s8], $0x6FFFF;
	_ =	strace $0x90000049  }
0xb4: {  	s29 =	simm.s32 $0x9;
	_ =	strace $0x8000004B  }
0xb5: {  	_ =	swait.ge [sflag:s29], $0x1  }
0xb6: {  	[sflag:s29] =	ssyncadd.s32 $0xFFFFFFFF  }
0xb7: {  	_ =	strace $0x9000004B  }
0xb8: {  	_ =	sfence  }
0xb9: {  	s30 =	sld [smem:$0x0];
	_ =	sdelay $0x2  }
0xba: {  	s31 =	sshll.u32 s1, $0xD;
	s1 =	sshrl.u32 s1, $0x2  }
0xbb: {  	s3 =	sand.u32 $0x4000, s31;
	s1 =	sadd.s32 s1, s30  }
0xbc: {  	s0 =	sor.u32 s3, s0;
	s1 =	sshll.u32 s1, $0x11  }
0xbd: {  	s0 =	sor.u32 s1, s0  }
0xbe: {  	s0 =	sadd.s32 $0x8F2B, s0  }
0xbf: {  	[sflag:s0] =	ssyncadd.remote.s32 $0x1  }
0xc0: {  	_ =	sfence.sel $0xFFFF  }
0xc1: {  	[dreg:$0x0] =	wrdreg $0xFFFFFFFF;
	(pc) =	sbr.abs _section_cstart, $3  }
0xc2: {  	[dreg:$0x1] =	wrdreg $0xFFFFFFFF  }
0xc3: {  	_ =	task.clear_ibuf [dreg:s8], $0x2FFFF;
	_ =	strace $0x9FFFFFFF  }
0xc4: {  	(tm) =	ssettm $0x7FFFFFFF  }
0xc5: {  	_ =	shalt  }
tec
execute0_lowered:
.L_overlay_start_1:
0x0: {  	(tag) =	ssettag $0x1  }
0x1: {  	s7 =	rddreg [dreg:$0x0]  }
0x2: {  	s1 =	rddreg [dreg:$0x1]  }
0x3: {  	s3 =	rddreg [dreg:$0x2]  }
0x4: {  	s0 =	rddreg [dreg:$0x3];
	s5 =	srdreg.scid  }
0x5: {  	s4 =	simm.s32 $0x0;
	s2 =	stileid.u32;
	s12 =	simm.s32 $0x10  }
0x6: {  	s13 =	simm.s32 $0x200;
	s14 =	simm.s32 $0xFA00;
	s15 =	simm.s32 $0x139D0  }
0x7: {  	s16 =	simm.s32 $0x0;
	s6 =	sand.u32 $0x1, s5;
	[smem:$0x7FF] =	sst s4  }
0x8: {  	s30 =	sshll.u32 s2, $0x5;
	s8 =	sshll.u32 s6, $0x4;
	s31 =	ssub.s32 $0x2, s6  }
0x9: {  	_ =	strace $0x8000004A;
	s5 =	sor.u32 s8, s30;
	s10 =	sshrl.u32 s31, $0x1  }
0xa: {  	s6 =	sadd.s32 $0xA00, s7;
	s9 =	sshrl.u32 s5, $0x3;
	s10 =	ssub.s32 s31, s10  }
0xb: {  	s11 =	sadd.s32 s9, s7;
	s7 =	sadd.s32 s6, s9;
	s9 =	smax.u32 s10, $0x1  }
0xc: {  	v0 =	vimm.f32 $0.0e+00;
	v1 =	vimm.f32 $1.600000000e+01;
	v2 =	vimm.f32 $1.000000000e+00;
	s10 =	simm.s32 $0x109A0;
	s8 =	sadd.s32 $0x30DE00, s11;
	s11 =	simm.s32 $0x5  }
.LBB2_1:
0xd: {  	[tilespmem:s10], [sflag:$0x5] =	stream.linear.gather [hbm4b:s3+s4], $0x30, $0x38;
	[tilespmem:$0x149D0] =	vst v63  }
0xe: {  	_ =	swait.ge [sflag:s11], $0x30  }
0xf: {  	[sflag:s11] =	ssyncset.done $0x0  }
0x10: {  	[sflag:s11] =	ssyncadd.s32 $0xFFFFFFD0  }
0x11: {  	v3 =	vld [tilespmem:$0x109C0]  }
0x12: {  	v4 =	vld [tilespmem:$0x109B0];
	_ =	sdelay $0x1  }
0x13: {  	s17 =	simm.s32 $0x40;
	s18 =	simm.s32 $0x0;
	v5 =	vld [tilespmem:$0x109A0]  }
.LBB2_2:
0x14: {  	p0 =	sne.s32 s17, $0x3FC0;
	[tilespmem:s18+$0x129D0] =	vst v0;
	s19 =	smov.u32 s17;
	s17 =	sadd.s32 $0x40, s17  }
.Ltmp0:
0x15: {  	[tilespmem:s18+$0x109D0] =	vst v0;
	(pc) =	sbr.rel @p0 .LBB2_2-.Ltmp0, $2  }
0x16: {  	[tilespmem:s18+$0x119D0] =	vst v0;
	_ =	sdelay $0x2  }
0x17: {  	s18 =	sshra.s32 s19, $0x2  }
0x18: {  	[tilespmem:s18+$0x129D0] =	vst v0  }
.Ltmp1:
0x19: {  	[tilespmem:s18+$0x109D0] =	vst v0;
	(pc) =	sbr.rel .LBB2_5-.Ltmp1, $4  }
0x1a: {  	[tilespmem:s18+$0x119D0] =	vst v0;
	s17 =	simm.s32 $0x0  }
0x1b: {  	[tilespmem:s17], [sflag:$0x1] =	stream.strided.gather [hbm4b:s7+s12], $0x7D00, s13, s12, $0x38;
	[tilespmem:$0x149D0] =	vst v63  }
0x1c: {  	p0 =	por $0x0, $0x0  }
0x1d: {  	[tilespmem:s14], [sflag:$0x3] =	stream.linear.gather [hbm4b:s1+s17], $0x7D0, $0x38;
	[tilespmem:$0x149D0] =	vst v63  }
.LBB2_4:
0x1e: {  	p1 =	seq.s32 s17, $0x19  }
.Ltmp2:
0x1f: {  	_ = 	snop;
	(pc) =	sbr.rel @p1 .LBB2_22-.Ltmp2, $2  }
0x20: {  	_ =	sdelay $0x2  }
0x21: {  	p0 =	por !p0, !p0  }
.LBB2_5:
0x22: {  	s18 =	smov.u32 s17;
	s28 =	sand.u32 $0x1, s17  }
0x23: {  	s22 =	simm.s32 $0x1;
	s19 =	sadd.s32 $0x1, s28;
	s29 =	sadd.s32 $0x3, s28  }
0x24: {  	s17 =	sadd.s32 $0x1, s18;
	p1 =	seq.s32 s18, $0x18;
	s22 =	simm.s32 @!p0 $0x0  }
0x25: {  	_ =	swait.ge [sflag:s19], $0x7D00;
	s18 =	smul.u32 @!p1 $0xFA000, s17;
	s20 =	sand.u32 @!p1 $0x1, s17  }
0x26: {  	s23 =	simm.s32 @!p1 $0x10;
	s30 =	smul.u32 $0x1F40, s22;
	[sflag:s19] =	ssyncset.done $0x0  }
0x27: {  	s24 =	simm.s32 @!p1 $0x200;
	s21 =	smul.u32 @!p1 $0x1F400, s20;
	[sflag:s19] =	ssyncadd.s32 $0xFFFF8300  }
0x28: {  	s22 =	smul.u32 $0x1F400, s22;
	s18 =	sor.u32 @!p1 s5, s18;
	_ =	swait.ge [sflag:s29], $0x7D0  }
0x29: {  	s19 =	sshrl.u32 @!p1 s21, $0x2;
	s18 =	sshrl.u32 @!p1 s18, $0x3;
	[sflag:s29] =	ssyncset.done $0x0  }
0x2a: {  	s21 =	sadd.s32 @!p1 $0x1, s20;
	s18 =	sadd.s32 @!p1 s6, s18;
	[sflag:s29] =	ssyncadd.s32 $0xFFFFF830  }
0x2b: {  	[tilespmem:s19], [sflag:s21] =	stream.strided.gather @!p1 [hbm4b:s18+s23], $0x7D00, s24, s23, $0x38;
	[tilespmem:$0x149D0] =	vst v63  }
0x2c: {  	s18 =	smul.u32 @!p1 $0x1F40, s20  }
0x2d: {  	s21 =	smul.u32 @!p1 $0xFA, s17;
	s19 =	sshrl.u32 s30, $0x2  }
.Ltmp3:
0x2e: {  	s20 =	sadd.s32 @!p1 $0x3, s20;
	s18 =	sshrl.u32 @!p1 s18, $0x2;
	(pc) =	sbr.rel .LBB2_6-.Ltmp3, $4  }
0x2f: {  	s23 =	simm.s32 @!p1 $0x0;
	s21 =	sadd.s32 @!p1 s1, s21;
	s18 =	sadd.s32 @!p1 $0xFA00, s18  }
0x30: {  	[tilespmem:s18], [sflag:s20] =	stream.linear.gather @!p1 [hbm4b:s21+s23], $0x7D0, $0x38;
	[tilespmem:$0x149D0] =	vst v63  }
0x31: {  	s31 =	sshrl.u32 s22, $0x2;
	s18 =	sadd.s32 $0xFA00, s19  }
0x32: {  	s19 =	sadd.s32 $0x280, s31;
	s20 =	simm.s32 $0x0;
	v6 =	vmov s18  }
.LBB2_20:
0x33: {  	v28 =	vshll.u32 v28, $0x4  }
0x34: {  	(v2sf) =	vpush v28, $0x1;
	_ =	sdelay $0x2  }
0x35: {  	(v2sf) =	vpush v28, $0x2;
	_ =	sdelay $0x2  }
0x36: {  	(v2sf) =	vpush v28, $0x3;
	_ =	sdelay $0x2  }
0x37: {  	(v2sf) =	vpush v28, $0x4;
	_ =	sdelay $0x2  }
0x38: {  	s22 =	sshll.u32 s22, $0x4;
	(v2sf) =	vpush v28, $0x5  }
0x39: {  	[tilespmem:s22+$0x109D0] =	vst.add.f32.msk $0xffff, v31  }
0x3a: {  	[tilespmem:s22+$0x119D0] =	vst.add.f32.msk $0xffff, v39  }
0x3b: {  	[tilespmem:s22+$0x129D0] =	vst.add.f32.msk $0xffff, v2;
	s25 =	spop (v2sf);
	(v2sf) =	vpush v28, $0x6  }
0x3c: {  	[tilespmem:s25+$0x109D0] =	vst.add.f32.msk $0xffff, v29  }
0x3d: {  	[tilespmem:s25+$0x119D0] =	vst.add.f32.msk $0xffff, v38  }
0x3e: {  	[tilespmem:s25+$0x129D0] =	vst.add.f32.msk $0xffff, v2;
	s26 =	spop (v2sf);
	(v2sf) =	vpush v28, $0x7  }
0x3f: {  	[tilespmem:s26+$0x109D0] =	vst.add.f32.msk $0xffff, v27  }
0x40: {  	[tilespmem:s26+$0x119D0] =	vst.add.f32.msk $0xffff, v37  }
0x41: {  	[tilespmem:s26+$0x129D0] =	vst.add.f32.msk $0xffff, v2;
	s28 =	spop (v2sf);
	(v2sf) =	vpush v28, $0x8  }
0x42: {  	[tilespmem:s28+$0x109D0] =	vst.add.f32.msk $0xffff, v25  }
0x43: {  	[tilespmem:s28+$0x119D0] =	vst.add.f32.msk $0xffff, v36  }
0x44: {  	[tilespmem:s28+$0x129D0] =	vst.add.f32.msk $0xffff, v2;
	s29 =	spop (v2sf);
	(v2sf) =	vpush v28, $0x9  }
0x45: {  	[tilespmem:s29+$0x109D0] =	vst.add.f32.msk $0xffff, v23  }
0x46: {  	[tilespmem:s29+$0x119D0] =	vst.add.f32.msk $0xffff, v35  }
0x47: {  	[tilespmem:s29+$0x129D0] =	vst.add.f32.msk $0xffff, v2;
	s30 =	spop (v2sf);
	(v2sf) =	vpush v28, $0xA  }
0x48: {  	[tilespmem:s30+$0x109D0] =	vst.add.f32.msk $0xffff, v21  }
0x49: {  	[tilespmem:s30+$0x119D0] =	vst.add.f32.msk $0xffff, v34  }
0x4a: {  	[tilespmem:s30+$0x129D0] =	vst.add.f32.msk $0xffff, v2;
	s31 =	spop (v2sf);
	(v2sf) =	vpush v28, $0xB  }
0x4b: {  	[tilespmem:s31+$0x109D0] =	vst.add.f32.msk $0xffff, v19  }
0x4c: {  	[tilespmem:s31+$0x119D0] =	vst.add.f32.msk $0xffff, v33  }
0x4d: {  	[tilespmem:s31+$0x129D0] =	vst.add.f32.msk $0xffff, v2;
	s23 =	spop (v2sf);
	(v2sf) =	vpush v28, $0xC  }
0x4e: {  	[tilespmem:s23+$0x109D0] =	vst.add.f32.msk $0xffff, v17  }
0x4f: {  	[tilespmem:s23+$0x119D0] =	vst.add.f32.msk $0xffff, v32  }
0x50: {  	[tilespmem:s23+$0x129D0] =	vst.add.f32.msk $0xffff, v2;
	s24 =	spop (v2sf);
	(v2sf) =	vpush v28, $0xD  }
0x51: {  	[tilespmem:s24+$0x109D0] =	vst.add.f32.msk $0xffff, v14  }
0x52: {  	[tilespmem:s24+$0x119D0] =	vst.add.f32.msk $0xffff, v30  }
0x53: {  	[tilespmem:s24+$0x129D0] =	vst.add.f32.msk $0xffff, v2;
	s25 =	spop (v2sf);
	(v2sf) =	vpush v28, $0xE  }
0x54: {  	[tilespmem:s25+$0x109D0] =	vst.add.f32.msk $0xffff, v13  }
0x55: {  	[tilespmem:s25+$0x119D0] =	vst.add.f32.msk $0xffff, v26  }
0x56: {  	[tilespmem:s25+$0x129D0] =	vst.add.f32.msk $0xffff, v2;
	s26 =	spop (v2sf)  }
0x57: {  	[tilespmem:s26+$0x109D0] =	vst.add.f32.msk $0xffff, v12  }
0x58: {  	[tilespmem:s26+$0x119D0] =	vst.add.f32.msk $0xffff, v24  }
0x59: {  	[tilespmem:s26+$0x129D0] =	vst.add.f32.msk $0xffff, v2;
	s28 =	spop (v2sf)  }
0x5a: {  	[tilespmem:s28+$0x109D0] =	vst.add.f32.msk $0xffff, v11  }
0x5b: {  	[tilespmem:s28+$0x119D0] =	vst.add.f32.msk $0xffff, v22  }
0x5c: {  	[tilespmem:s28+$0x129D0] =	vst.add.f32.msk $0xffff, v2;
	s29 =	spop (v2sf)  }
0x5d: {  	[tilespmem:s29+$0x109D0] =	vst.add.f32.msk $0xffff, v10  }
0x5e: {  	[tilespmem:s29+$0x119D0] =	vst.add.f32.msk $0xffff, v20  }
0x5f: {  	[tilespmem:s29+$0x129D0] =	vst.add.f32.msk $0xffff, v2;
	s30 =	spop (v2sf)  }
0x60: {  	[tilespmem:s30+$0x109D0] =	vst.add.f32.msk $0xffff, v9  }
0x61: {  	[tilespmem:s30+$0x119D0] =	vst.add.f32.msk $0xffff, v18  }
0x62: {  	[tilespmem:s30+$0x129D0] =	vst.add.f32.msk $0xffff, v2;
	s31 =	spop (v2sf)  }
0x63: {  	[tilespmem:s31+$0x109D0] =	vst.add.f32.msk $0xffff, v7  }
0x64: {  	[tilespmem:s31+$0x119D0] =	vst.add.f32.msk $0xffff, v16  }
0x65: {  	s21 =	sshll.u32 s21, $0x4;
	[tilespmem:s31+$0x129D0] =	vst.add.f32.msk $0xffff, v2  }
0x66: {  	[tilespmem:s21+$0x109D0] =	vst.add.f32.msk $0xffff, v8  }
0x67: {  	[tilespmem:s21+$0x119D0] =	vst.add.f32.msk $0xffff, v15  }
0x68: {  	[tilespmem:s21+$0x129D0] =	vst.add.f32.msk $0xffff, v2  }
.LBB2_21:
0x69: {  	s20 =	sadd.s32 $0x140, s20  }
0x6a: {  	p1 =	seq.s32 s20, $0x1F40  }
.Ltmp4:
0x6b: {  	_ = 	snop;
	(pc) =	sbr.rel @p1 .LBB2_4-.Ltmp4, $2  }
0x6c: {  	_ =	sdelay $0x2  }
0x6d: {  	s19 =	sadd.s32 $0x500, s19  }
.LBB2_6:
0x6e: {  	v7 =	vld [tilespmem:s19+$0xFFFFFD80]  }
0x6f: {  	v8 =	vld [tilespmem:s19+$0xFFFFFD90]  }
0x70: {  	v9 =	vld [tilespmem:s19+$0xFFFFFDA0]  }
0x71: {  	v10 =	vld [tilespmem:s19+$0xFFFFFDB0];
	_ =	sdelay $0x1  }
0x72: {  	v11 =	vmul.f32 v7, v5  }
0x73: {  	v15 =	vld [tilespmem:s19+$0xFFFFFDC0];
	v12 =	vmul.f32 v8, v5  }
0x74: {  	v17 =	vld [tilespmem:s19+$0xFFFFFDD0];
	v13 =	vmul.f32 v9, v5;
	v11 =	vmul.f32 $1.442695020e+00, v11  }
0x75: {  	v18 =	vld [tilespmem:s19+$0xFFFFFDE0];
	v14 =	vmul.f32 v10, v5;
	v12 =	vmul.f32 $1.442695020e+00, v12  }
0x76: {  	v20 =	vld [tilespmem:s19+$0xFFFFFDF0];
	(erf) = vpow2.f32 v11;
	v11 =	vmul.f32 $1.442695020e+00, v13  }
0x77: {  	(erf) = vpow2.f32 v12;
	v12 =	vmul.f32 $1.442695020e+00, v14  }
0x78: {  	v22 =	vld [tilespmem:s19+$0xFFFFFE00];
	(erf) = vpow2.f32 v11;
	v11 =	vmul.f32 v15, v5  }
0x79: {  	v24 =	vld [tilespmem:s19+$0xFFFFFE10];
	s21 =	sshra.s32 s20, $0x2;
	(erf) = vpow2.f32 v12;
	v12 =	vmul.f32 v17, v5  }
0x7a: {  	v28 =	vld.idx.msk [tilespmem:v6+s21+$0x0 ss:$0x1], $0xffff;
	v13 =	vmul.f32 v18, v5;
	v11 =	vmul.f32 $1.442695020e+00, v11  }
0x7b: {  	v40 =	vld [tilespmem:s19+$0xFFFFFE20];
	v14 =	vmul.f32 v20, v5;
	v12 =	vmul.f32 $1.442695020e+00, v12  }
0x7c: {  	v41 =	vld [tilespmem:s19+$0xFFFFFE30];
	(erf) = vpow2.f32 v11;
	v11 =	vmul.f32 $1.442695020e+00, v13  }
0x7d: {  	(erf) = vpow2.f32 v12;
	v12 =	vmul.f32 $1.442695020e+00, v14  }
0x7e: {  	(erf) = vpow2.f32 v11;
	v11 =	vmul.f32 v22, v5  }
0x7f: {  	v42 =	vld [tilespmem:s19+$0xFFFFFE40];
	(v2sf) =	vpush v28, $0x0;
	(erf) = vpow2.f32 v12;
	v12 =	vmul.f32 v24, v5  }
0x80: {  	v43 =	vld [tilespmem:s19+$0xFFFFFE50];
	(v2sf) =	vpush v28, $0xF;
	v13 =	vmul.f32 v40, v5;
	v11 =	vmul.f32 $1.442695020e+00, v11  }
0x81: {  	v44 =	vld [tilespmem:s19+$0xFFFFFE60];
	v14 =	vmul.f32 v41, v5;
	v12 =	vmul.f32 $1.442695020e+00, v12  }
0x82: {  	v45 =	vld [tilespmem:s19+$0xFFFFFE70];
	(erf) = vpow2.f32 v11;
	v11 =	vmul.f32 $1.442695020e+00, v13  }
0x83: {  	(erf) = vpow2.f32 v12;
	v12 =	vmul.f32 $1.442695020e+00, v14  }
0x84: {  	(erf) = vpow2.f32 v11;
	v11 =	vmul.f32 v42, v5  }
0x85: {  	v31 =	vpop (erf);
	(erf) = vpow2.f32 v12;
	v12 =	vmul.f32 v43, v5  }
0x86: {  	v29 =	vpop (erf);
	v13 =	vmul.f32 v44, v5;
	v11 =	vmul.f32 $1.442695020e+00, v11  }
0x87: {  	v27 =	vpop (erf);
	v14 =	vmul.f32 v45, v5;
	v12 =	vmul.f32 $1.442695020e+00, v12  }
0x88: {  	v25 =	vpop (erf);
	(erf) = vpow2.f32 v11;
	v11 =	vmul.f32 $1.442695020e+00, v13  }
0x89: {  	v23 =	vpop (erf);
	(erf) = vpow2.f32 v12;
	v12 =	vmul.f32 $1.442695020e+00, v14  }
0x8a: {  	v21 =	vpop (erf);
	(erf) = vpow2.f32 v11  }
0x8b: {  	v19 =	vpop (erf);
	(erf) = vpow2.f32 v12  }
0x8c: {  	v16 =	vpop (erf)  }
0x8d: {  	v14 =	vpop (erf)  }
0x8e: {  	v39 =	vmul.f32 v31, v7;
	v38 =	vmul.f32 v29, v8;
	s23 =	spop (v2sf);
	v13 =	vpop (erf)  }
0x8f: {  	v37 =	vmul.f32 v27, v9;
	v36 =	vmul.f32 v25, v10;
	s22 =	spop (v2sf);
	v12 =	vpop (erf)  }
0x90: {  	p1 =	sne.s32 s23, s22;
	v35 =	vmul.f32 v23, v15;
	v34 =	vmul.f32 v21, v17;
	v11 =	vpop (erf)  }
.Ltmp5:
0x91: {  	v33 =	vmul.f32 v19, v18;
	v32 =	vmul.f32 v16, v20;
	v10 =	vpop (erf);
	(pc) =	sbr.rel @p1 .LBB2_8-.Ltmp5, $4  }
0x92: {  	v30 =	vmul.f32 v14, v22;
	v26 =	vmul.f32 v13, v24;
	v9 =	vpop (erf)  }
0x93: {  	v24 =	vmul.f32 v12, v40;
	v22 =	vmul.f32 v11, v41;
	v7 =	vpop (erf)  }
0x94: {  	v20 =	vmul.f32 v10, v42;
	v18 =	vmul.f32 v9, v43;
	v8 =	vpop (erf)  }
0x95: {  	s21 =	sadd.s32 s21, s18;
	v17 =	vmul.f32 v7, v44;
	v15 =	vmul.f32 v8, v45  }
0x96: {  	v28 =	vadd.f32 v38, v39;
	v36 =	vadd.f32 v36, v37  }
0x97: {  	v34 =	vadd.f32 v34, v35;
	v32 =	vadd.f32 v32, v33  }
0x98: {  	v26 =	vadd.f32 v26, v30;
	v22 =	vadd.f32 v22, v24  }
0x99: {  	v18 =	vadd.f32 v18, v20;
	v58 =	vadd.f32 v29, v31  }
0x9a: {  	v59 =	vadd.f32 v25, v27;
	v21 =	vadd.f32 v21, v23  }
0x9b: {  	v16 =	vadd.f32 v16, v19;
	v13 =	vadd.f32 v13, v14  }
0x9c: {  	v11 =	vadd.f32 v11, v12;
	v9 =	vadd.f32 v9, v10  }
0x9d: {  	v7 =	vadd.f32 v8, v7;
	v15 =	vadd.f32 v15, v17  }
0x9e: {  	v28 =	vadd.f32 v36, v28;
	v32 =	vadd.f32 v32, v34  }
0x9f: {  	v8 =	vadd.f32 v59, v58;
	v60 =	vadd.f32 v16, v21  }
0xa0: {  	v11 =	vadd.f32 v11, v13;
	v7 =	vadd.f32 v7, v9  }
0xa1: {  	v61 =	vadd.f32 v22, v26;
	v62 =	vadd.f32 v15, v18  }
0xa2: {  	v8 =	vadd.f32 v60, v8;
	v7 =	vadd.f32 v7, v11  }
.Ltmp6:
0xa3: {  	v63 =	vadd.f32 v32, v28;
	v9 =	vadd.f32 v62, v61;
	(pc) =	sbr.rel .LBB2_9-.Ltmp6, $4  }
0xa4: {  	s22 =	sshll.u32 s23, $0x4;
	v7 =	vadd.f32 v7, v8  }
0xa5: {  	[tilespmem:s22+$0x129D0] =	vst.add.f32.msk $0xffff, v1;
	v8 =	vadd.f32 v9, v63  }
0xa6: {  	[tilespmem:s22+$0x109D0] =	vst.add.f32.msk $0xffff, v7  }
0xa7: {  	[tilespmem:s22+$0x119D0] =	vst.add.f32.msk $0xffff, v8  }
.LBB2_8:
0xa8: {  	v28 =	vshll.u32 v28, $0x4  }
0xa9: {  	(v2sf) =	vpush v28, $0x1;
	_ =	sdelay $0x2  }
0xaa: {  	(v2sf) =	vpush v28, $0x2;
	_ =	sdelay $0x2  }
0xab: {  	(v2sf) =	vpush v28, $0x3;
	_ =	sdelay $0x2  }
0xac: {  	(v2sf) =	vpush v28, $0x4;
	_ =	sdelay $0x2  }
0xad: {  	s23 =	sshll.u32 s23, $0x4;
	(v2sf) =	vpush v28, $0x5  }
0xae: {  	[tilespmem:s23+$0x109D0] =	vst.add.f32.msk $0xffff, v31  }
0xaf: {  	[tilespmem:s23+$0x119D0] =	vst.add.f32.msk $0xffff, v39  }
0xb0: {  	[tilespmem:s23+$0x129D0] =	vst.add.f32.msk $0xffff, v2;
	s24 =	spop (v2sf);
	(v2sf) =	vpush v28, $0x6  }
0xb1: {  	[tilespmem:s24+$0x109D0] =	vst.add.f32.msk $0xffff, v29  }
0xb2: {  	[tilespmem:s24+$0x119D0] =	vst.add.f32.msk $0xffff, v38  }
0xb3: {  	[tilespmem:s24+$0x129D0] =	vst.add.f32.msk $0xffff, v2;
	s25 =	spop (v2sf);
	(v2sf) =	vpush v28, $0x7  }
0xb4: {  	[tilespmem:s25+$0x109D0] =	vst.add.f32.msk $0xffff, v27  }
0xb5: {  	[tilespmem:s25+$0x119D0] =	vst.add.f32.msk $0xffff, v37  }
0xb6: {  	[tilespmem:s25+$0x129D0] =	vst.add.f32.msk $0xffff, v2;
	s26 =	spop (v2sf);
	(v2sf) =	vpush v28, $0x8  }
0xb7: {  	[tilespmem:s26+$0x109D0] =	vst.add.f32.msk $0xffff, v25  }
0xb8: {  	[tilespmem:s26+$0x119D0] =	vst.add.f32.msk $0xffff, v36  }
0xb9: {  	[tilespmem:s26+$0x129D0] =	vst.add.f32.msk $0xffff, v2;
	s28 =	spop (v2sf);
	(v2sf) =	vpush v28, $0x9  }
0xba: {  	[tilespmem:s28+$0x109D0] =	vst.add.f32.msk $0xffff, v23  }
0xbb: {  	[tilespmem:s28+$0x119D0] =	vst.add.f32.msk $0xffff, v35  }
0xbc: {  	[tilespmem:s28+$0x129D0] =	vst.add.f32.msk $0xffff, v2;
	s29 =	spop (v2sf);
	(v2sf) =	vpush v28, $0xA  }
0xbd: {  	[tilespmem:s29+$0x109D0] =	vst.add.f32.msk $0xffff, v21  }
0xbe: {  	[tilespmem:s29+$0x119D0] =	vst.add.f32.msk $0xffff, v34  }
0xbf: {  	[tilespmem:s29+$0x129D0] =	vst.add.f32.msk $0xffff, v2;
	s30 =	spop (v2sf);
	(v2sf) =	vpush v28, $0xB  }
0xc0: {  	[tilespmem:s30+$0x109D0] =	vst.add.f32.msk $0xffff, v19  }
0xc1: {  	[tilespmem:s30+$0x119D0] =	vst.add.f32.msk $0xffff, v33  }
0xc2: {  	[tilespmem:s30+$0x129D0] =	vst.add.f32.msk $0xffff, v2;
	s31 =	spop (v2sf);
	(v2sf) =	vpush v28, $0xC  }
0xc3: {  	[tilespmem:s31+$0x109D0] =	vst.add.f32.msk $0xffff, v16  }
0xc4: {  	[tilespmem:s31+$0x119D0] =	vst.add.f32.msk $0xffff, v32  }
0xc5: {  	[tilespmem:s31+$0x129D0] =	vst.add.f32.msk $0xffff, v2;
	s24 =	spop (v2sf);
	(v2sf) =	vpush v28, $0xD  }
0xc6: {  	[tilespmem:s24+$0x109D0] =	vst.add.f32.msk $0xffff, v14  }
0xc7: {  	[tilespmem:s24+$0x119D0] =	vst.add.f32.msk $0xffff, v30  }
0xc8: {  	[tilespmem:s24+$0x129D0] =	vst.add.f32.msk $0xffff, v2;
	s25 =	spop (v2sf);
	(v2sf) =	vpush v28, $0xE  }
0xc9: {  	[tilespmem:s25+$0x109D0] =	vst.add.f32.msk $0xffff, v13  }
0xca: {  	[tilespmem:s25+$0x119D0] =	vst.add.f32.msk $0xffff, v26  }
0xcb: {  	[tilespmem:s25+$0x129D0] =	vst.add.f32.msk $0xffff, v2;
	s26 =	spop (v2sf)  }
0xcc: {  	[tilespmem:s26+$0x109D0] =	vst.add.f32.msk $0xffff, v12  }
0xcd: {  	[tilespmem:s26+$0x119D0] =	vst.add.f32.msk $0xffff, v24  }
0xce: {  	[tilespmem:s26+$0x129D0] =	vst.add.f32.msk $0xffff, v2;
	s28 =	spop (v2sf)  }
0xcf: {  	[tilespmem:s28+$0x109D0] =	vst.add.f32.msk $0xffff, v11  }
0xd0: {  	[tilespmem:s28+$0x119D0] =	vst.add.f32.msk $0xffff, v22  }
0xd1: {  	[tilespmem:s28+$0x129D0] =	vst.add.f32.msk $0xffff, v2;
	s29 =	spop (v2sf)  }
0xd2: {  	[tilespmem:s29+$0x109D0] =	vst.add.f32.msk $0xffff, v10  }
0xd3: {  	[tilespmem:s29+$0x119D0] =	vst.add.f32.msk $0xffff, v20  }
0xd4: {  	[tilespmem:s29+$0x129D0] =	vst.add.f32.msk $0xffff, v2;
	s30 =	spop (v2sf)  }
0xd5: {  	[tilespmem:s30+$0x109D0] =	vst.add.f32.msk $0xffff, v9  }
0xd6: {  	[tilespmem:s30+$0x119D0] =	vst.add.f32.msk $0xffff, v18  }
0xd7: {  	[tilespmem:s30+$0x129D0] =	vst.add.f32.msk $0xffff, v2;
	s31 =	spop (v2sf)  }
0xd8: {  	[tilespmem:s31+$0x109D0] =	vst.add.f32.msk $0xffff, v7  }
0xd9: {  	[tilespmem:s31+$0x119D0] =	vst.add.f32.msk $0xffff, v17  }
0xda: {  	s22 =	sshll.u32 s22, $0x4;
	[tilespmem:s31+$0x129D0] =	vst.add.f32.msk $0xffff, v2  }
0xdb: {  	[tilespmem:s22+$0x109D0] =	vst.add.f32.msk $0xffff, v8  }
0xdc: {  	[tilespmem:s22+$0x119D0] =	vst.add.f32.msk $0xffff, v15  }
0xdd: {  	[tilespmem:s22+$0x129D0] =	vst.add.f32.msk $0xffff, v2  }
.LBB2_9:
0xde: {  	v7 =	vld [tilespmem:s19+$0xFFFFFE80]  }
0xdf: {  	v8 =	vld [tilespmem:s19+$0xFFFFFE90]  }
0xe0: {  	v9 =	vld [tilespmem:s19+$0xFFFFFEA0]  }
0xe1: {  	v10 =	vld [tilespmem:s19+$0xFFFFFEB0];
	_ =	sdelay $0x1  }
0xe2: {  	v11 =	vmul.f32 v7, v5  }
0xe3: {  	v15 =	vld [tilespmem:s19+$0xFFFFFEC0];
	v12 =	vmul.f32 v8, v5  }
0xe4: {  	v16 =	vld [tilespmem:s19+$0xFFFFFED0];
	v13 =	vmul.f32 v9, v5;
	v11 =	vmul.f32 $1.442695020e+00, v11  }
0xe5: {  	v18 =	vld [tilespmem:s19+$0xFFFFFEE0];
	v14 =	vmul.f32 v10, v5;
	v12 =	vmul.f32 $1.442695020e+00, v12  }
0xe6: {  	v20 =	vld [tilespmem:s19+$0xFFFFFEF0];
	(erf) = vpow2.f32 v11;
	v11 =	vmul.f32 $1.442695020e+00, v13  }
0xe7: {  	(erf) = vpow2.f32 v12;
	v12 =	vmul.f32 $1.442695020e+00, v14  }
0xe8: {  	v22 =	vld [tilespmem:s19+$0xFFFFFF00];
	(erf) = vpow2.f32 v11;
	v11 =	vmul.f32 v15, v5  }
0xe9: {  	v24 =	vld [tilespmem:s19+$0xFFFFFF10];
	(erf) = vpow2.f32 v12;
	v12 =	vmul.f32 v16, v5  }
0xea: {  	v28 =	vld [tilespmem:s21+$0x10];
	v13 =	vmul.f32 v18, v5;
	v11 =	vmul.f32 $1.442695020e+00, v11  }
0xeb: {  	v40 =	vld [tilespmem:s19+$0xFFFFFF20];
	v14 =	vmul.f32 v20, v5;
	v12 =	vmul.f32 $1.442695020e+00, v12  }
0xec: {  	v41 =	vld [tilespmem:s19+$0xFFFFFF30];
	(erf) = vpow2.f32 v11;
	v11 =	vmul.f32 $1.442695020e+00, v13  }
0xed: {  	(erf) = vpow2.f32 v12;
	v12 =	vmul.f32 $1.442695020e+00, v14  }
0xee: {  	(erf) = vpow2.f32 v11;
	v11 =	vmul.f32 v22, v5  }
0xef: {  	v42 =	vld [tilespmem:s19+$0xFFFFFF40];
	(v2sf) =	vpush v28, $0x0;
	(erf) = vpow2.f32 v12;
	v12 =	vmul.f32 v24, v5  }
0xf0: {  	v43 =	vld [tilespmem:s19+$0xFFFFFF50];
	(v2sf) =	vpush v28, $0xF;
	v13 =	vmul.f32 v40, v5;
	v11 =	vmul.f32 $1.442695020e+00, v11  }
0xf1: {  	v44 =	vld [tilespmem:s19+$0xFFFFFF60];
	v14 =	vmul.f32 v41, v5;
	v12 =	vmul.f32 $1.442695020e+00, v12  }
0xf2: {  	v45 =	vld [tilespmem:s19+$0xFFFFFF70];
	(erf) = vpow2.f32 v11;
	v11 =	vmul.f32 $1.442695020e+00, v13  }
0xf3: {  	(erf) = vpow2.f32 v12;
	v12 =	vmul.f32 $1.442695020e+00, v14  }
0xf4: {  	(erf) = vpow2.f32 v11;
	v11 =	vmul.f32 v42, v5  }
0xf5: {  	v31 =	vpop (erf);
	(erf) = vpow2.f32 v12;
	v12 =	vmul.f32 v43, v5  }
0xf6: {  	v29 =	vpop (erf);
	v13 =	vmul.f32 v44, v5;
	v11 =	vmul.f32 $1.442695020e+00, v11  }
0xf7: {  	v27 =	vpop (erf);
	v14 =	vmul.f32 v45, v5;
	v12 =	vmul.f32 $1.442695020e+00, v12  }
0xf8: {  	v25 =	vpop (erf);
	(erf) = vpow2.f32 v11;
	v11 =	vmul.f32 $1.442695020e+00, v13  }
0xf9: {  	v23 =	vpop (erf);
	(erf) = vpow2.f32 v12;
	v12 =	vmul.f32 $1.442695020e+00, v14  }
0xfa: {  	v21 =	vpop (erf);
	(erf) = vpow2.f32 v11  }
0xfb: {  	v19 =	vpop (erf);
	(erf) = vpow2.f32 v12  }
0xfc: {  	v17 =	vpop (erf)  }
0xfd: {  	v14 =	vpop (erf)  }
0xfe: {  	v39 =	vmul.f32 v31, v7;
	v38 =	vmul.f32 v29, v8;
	s23 =	spop (v2sf);
	v13 =	vpop (erf)  }
0xff: {  	v37 =	vmul.f32 v27, v9;
	s22 =	spop (v2sf);
	v36 =	vmul.f32 v25, v10;
	v12 =	vpop (erf)  }
0x100: {  	p1 =	sne.s32 s23, s22;
	v35 =	vmul.f32 v23, v15;
	v34 =	vmul.f32 v21, v16;
	v11 =	vpop (erf)  }
.Ltmp7:
0x101: {  	v33 =	vmul.f32 v19, v18;
	v32 =	vmul.f32 v17, v20;
	v10 =	vpop (erf);
	(pc) =	sbr.rel @p1 .LBB2_11-.Ltmp7, $4  }
0x102: {  	v30 =	vmul.f32 v14, v22;
	v26 =	vmul.f32 v13, v24;
	v9 =	vpop (erf)  }
0x103: {  	v24 =	vmul.f32 v12, v40;
	v22 =	vmul.f32 v11, v41;
	v7 =	vpop (erf)  }
0x104: {  	v20 =	vmul.f32 v10, v42;
	v18 =	vmul.f32 v9, v43;
	v8 =	vpop (erf)  }
0x105: {  	v16 =	vmul.f32 v7, v44;
	v15 =	vmul.f32 v8, v45  }
0x106: {  	v28 =	vadd.f32 v38, v39;
	v36 =	vadd.f32 v36, v37  }
0x107: {  	v34 =	vadd.f32 v34, v35;
	v32 =	vadd.f32 v32, v33  }
0x108: {  	v26 =	vadd.f32 v26, v30;
	v22 =	vadd.f32 v22, v24  }
0x109: {  	v18 =	vadd.f32 v18, v20;
	v58 =	vadd.f32 v29, v31  }
0x10a: {  	v59 =	vadd.f32 v25, v27;
	v21 =	vadd.f32 v21, v23  }
0x10b: {  	v17 =	vadd.f32 v17, v19;
	v13 =	vadd.f32 v13, v14  }
0x10c: {  	v11 =	vadd.f32 v11, v12;
	v9 =	vadd.f32 v9, v10  }
0x10d: {  	v7 =	vadd.f32 v8, v7;
	v15 =	vadd.f32 v15, v16  }
0x10e: {  	v28 =	vadd.f32 v36, v28;
	v32 =	vadd.f32 v32, v34  }
0x10f: {  	v8 =	vadd.f32 v59, v58;
	v60 =	vadd.f32 v17, v21  }
0x110: {  	v11 =	vadd.f32 v11, v13;
	v7 =	vadd.f32 v7, v9  }
0x111: {  	v61 =	vadd.f32 v22, v26;
	v62 =	vadd.f32 v15, v18  }
0x112: {  	v8 =	vadd.f32 v60, v8;
	v7 =	vadd.f32 v7, v11  }
.Ltmp8:
0x113: {  	v63 =	vadd.f32 v32, v28;
	v9 =	vadd.f32 v62, v61;
	(pc) =	sbr.rel .LBB2_12-.Ltmp8, $4  }
0x114: {  	s22 =	sshll.u32 s23, $0x4;
	v7 =	vadd.f32 v7, v8  }
0x115: {  	[tilespmem:s22+$0x129D0] =	vst.add.f32.msk $0xffff, v1;
	v8 =	vadd.f32 v9, v63  }
0x116: {  	[tilespmem:s22+$0x109D0] =	vst.add.f32.msk $0xffff, v7  }
0x117: {  	[tilespmem:s22+$0x119D0] =	vst.add.f32.msk $0xffff, v8  }
.LBB2_11:
0x118: {  	v28 =	vshll.u32 v28, $0x4  }
0x119: {  	(v2sf) =	vpush v28, $0x1;
	_ =	sdelay $0x2  }
0x11a: {  	(v2sf) =	vpush v28, $0x2;
	_ =	sdelay $0x2  }
0x11b: {  	(v2sf) =	vpush v28, $0x3;
	_ =	sdelay $0x2  }
0x11c: {  	(v2sf) =	vpush v28, $0x4;
	_ =	sdelay $0x2  }
0x11d: {  	s23 =	sshll.u32 s23, $0x4;
	(v2sf) =	vpush v28, $0x5  }
0x11e: {  	[tilespmem:s23+$0x109D0] =	vst.add.f32.msk $0xffff, v31  }
0x11f: {  	[tilespmem:s23+$0x119D0] =	vst.add.f32.msk $0xffff, v39  }
0x120: {  	[tilespmem:s23+$0x129D0] =	vst.add.f32.msk $0xffff, v2;
	s24 =	spop (v2sf);
	(v2sf) =	vpush v28, $0x6  }
0x121: {  	[tilespmem:s24+$0x109D0] =	vst.add.f32.msk $0xffff, v29  }
0x122: {  	[tilespmem:s24+$0x119D0] =	vst.add.f32.msk $0xffff, v38  }
0x123: {  	[tilespmem:s24+$0x129D0] =	vst.add.f32.msk $0xffff, v2;
	s25 =	spop (v2sf);
	(v2sf) =	vpush v28, $0x7  }
0x124: {  	[tilespmem:s25+$0x109D0] =	vst.add.f32.msk $0xffff, v27  }
0x125: {  	[tilespmem:s25+$0x119D0] =	vst.add.f32.msk $0xffff, v37  }
0x126: {  	[tilespmem:s25+$0x129D0] =	vst.add.f32.msk $0xffff, v2;
	s26 =	spop (v2sf);
	(v2sf) =	vpush v28, $0x8  }
0x127: {  	[tilespmem:s26+$0x109D0] =	vst.add.f32.msk $0xffff, v25  }
0x128: {  	[tilespmem:s26+$0x119D0] =	vst.add.f32.msk $0xffff, v36  }
0x129: {  	[tilespmem:s26+$0x129D0] =	vst.add.f32.msk $0xffff, v2;
	s28 =	spop (v2sf);
	(v2sf) =	vpush v28, $0x9  }
0x12a: {  	[tilespmem:s28+$0x109D0] =	vst.add.f32.msk $0xffff, v23  }
0x12b: {  	[tilespmem:s28+$0x119D0] =	vst.add.f32.msk $0xffff, v35  }
0x12c: {  	[tilespmem:s28+$0x129D0] =	vst.add.f32.msk $0xffff, v2;
	s29 =	spop (v2sf);
	(v2sf) =	vpush v28, $0xA  }
0x12d: {  	[tilespmem:s29+$0x109D0] =	vst.add.f32.msk $0xffff, v21  }
0x12e: {  	[tilespmem:s29+$0x119D0] =	vst.add.f32.msk $0xffff, v34  }
0x12f: {  	[tilespmem:s29+$0x129D0] =	vst.add.f32.msk $0xffff, v2;
	s30 =	spop (v2sf);
	(v2sf) =	vpush v28, $0xB  }
0x130: {  	[tilespmem:s30+$0x109D0] =	vst.add.f32.msk $0xffff, v19  }
0x131: {  	[tilespmem:s30+$0x119D0] =	vst.add.f32.msk $0xffff, v33  }
0x132: {  	[tilespmem:s30+$0x129D0] =	vst.add.f32.msk $0xffff, v2;
	s31 =	spop (v2sf);
	(v2sf) =	vpush v28, $0xC  }
0x133: {  	[tilespmem:s31+$0x109D0] =	vst.add.f32.msk $0xffff, v17  }
0x134: {  	[tilespmem:s31+$0x119D0] =	vst.add.f32.msk $0xffff, v32  }
0x135: {  	[tilespmem:s31+$0x129D0] =	vst.add.f32.msk $0xffff, v2;
	s24 =	spop (v2sf);
	(v2sf) =	vpush v28, $0xD  }
0x136: {  	[tilespmem:s24+$0x109D0] =	vst.add.f32.msk $0xffff, v14  }
0x137: {  	[tilespmem:s24+$0x119D0] =	vst.add.f32.msk $0xffff, v30  }
0x138: {  	[tilespmem:s24+$0x129D0] =	vst.add.f32.msk $0xffff, v2;
	s25 =	spop (v2sf);
	(v2sf) =	vpush v28, $0xE  }
0x139: {  	[tilespmem:s25+$0x109D0] =	vst.add.f32.msk $0xffff, v13  }
0x13a: {  	[tilespmem:s25+$0x119D0] =	vst.add.f32.msk $0xffff, v26  }
0x13b: {  	[tilespmem:s25+$0x129D0] =	vst.add.f32.msk $0xffff, v2;
	s26 =	spop (v2sf)  }
0x13c: {  	[tilespmem:s26+$0x109D0] =	vst.add.f32.msk $0xffff, v12  }
0x13d: {  	[tilespmem:s26+$0x119D0] =	vst.add.f32.msk $0xffff, v24  }
0x13e: {  	[tilespmem:s26+$0x129D0] =	vst.add.f32.msk $0xffff, v2;
	s28 =	spop (v2sf)  }
0x13f: {  	[tilespmem:s28+$0x109D0] =	vst.add.f32.msk $0xffff, v11  }
0x140: {  	[tilespmem:s28+$0x119D0] =	vst.add.f32.msk $0xffff, v22  }
0x141: {  	[tilespmem:s28+$0x129D0] =	vst.add.f32.msk $0xffff, v2;
	s29 =	spop (v2sf)  }
0x142: {  	[tilespmem:s29+$0x109D0] =	vst.add.f32.msk $0xffff, v10  }
0x143: {  	[tilespmem:s29+$0x119D0] =	vst.add.f32.msk $0xffff, v20  }
0x144: {  	[tilespmem:s29+$0x129D0] =	vst.add.f32.msk $0xffff, v2;
	s30 =	spop (v2sf)  }
0x145: {  	[tilespmem:s30+$0x109D0] =	vst.add.f32.msk $0xffff, v9  }
0x146: {  	[tilespmem:s30+$0x119D0] =	vst.add.f32.msk $0xffff, v18  }
0x147: {  	[tilespmem:s30+$0x129D0] =	vst.add.f32.msk $0xffff, v2;
	s31 =	spop (v2sf)  }
0x148: {  	[tilespmem:s31+$0x109D0] =	vst.add.f32.msk $0xffff, v7  }
0x149: {  	[tilespmem:s31+$0x119D0] =	vst.add.f32.msk $0xffff, v16  }
0x14a: {  	s22 =	sshll.u32 s22, $0x4;
	[tilespmem:s31+$0x129D0] =	vst.add.f32.msk $0xffff, v2  }
0x14b: {  	[tilespmem:s22+$0x109D0] =	vst.add.f32.msk $0xffff, v8  }
0x14c: {  	[tilespmem:s22+$0x119D0] =	vst.add.f32.msk $0xffff, v15  }
0x14d: {  	[tilespmem:s22+$0x129D0] =	vst.add.f32.msk $0xffff, v2  }
.LBB2_12:
0x14e: {  	v7 =	vld [tilespmem:s19+$0xFFFFFF80]  }
0x14f: {  	v8 =	vld [tilespmem:s19+$0xFFFFFF90]  }
0x150: {  	v9 =	vld [tilespmem:s19+$0xFFFFFFA0]  }
0x151: {  	v10 =	vld [tilespmem:s19+$0xFFFFFFB0];
	_ =	sdelay $0x1  }
0x152: {  	v11 =	vmul.f32 v7, v5  }
0x153: {  	v15 =	vld [tilespmem:s19+$0xFFFFFFC0];
	v12 =	vmul.f32 v8, v5  }
0x154: {  	v16 =	vld [tilespmem:s19+$0xFFFFFFD0];
	v13 =	vmul.f32 v9, v5;
	v11 =	vmul.f32 $1.442695020e+00, v11  }
0x155: {  	v18 =	vld [tilespmem:s19+$0xFFFFFFE0];
	v14 =	vmul.f32 v10, v5;
	v12 =	vmul.f32 $1.442695020e+00, v12  }
0x156: {  	v20 =	vld [tilespmem:s19+$0xFFFFFFF0];
	(erf) = vpow2.f32 v11;
	v11 =	vmul.f32 $1.442695020e+00, v13  }
0x157: {  	(erf) = vpow2.f32 v12;
	v12 =	vmul.f32 $1.442695020e+00, v14  }
0x158: {  	v22 =	vld [tilespmem:s19+$0x0];
	(erf) = vpow2.f32 v11;
	v11 =	vmul.f32 v15, v5  }
0x159: {  	v24 =	vld [tilespmem:s19+$0x10];
	(erf) = vpow2.f32 v12;
	v12 =	vmul.f32 v16, v5  }
0x15a: {  	v28 =	vld [tilespmem:s21+$0x20];
	v13 =	vmul.f32 v18, v5;
	v11 =	vmul.f32 $1.442695020e+00, v11  }
0x15b: {  	v40 =	vld [tilespmem:s19+$0x20];
	v14 =	vmul.f32 v20, v5;
	v12 =	vmul.f32 $1.442695020e+00, v12  }
0x15c: {  	v41 =	vld [tilespmem:s19+$0x30];
	(erf) = vpow2.f32 v11;
	v11 =	vmul.f32 $1.442695020e+00, v13  }
0x15d: {  	(erf) = vpow2.f32 v12;
	v12 =	vmul.f32 $1.442695020e+00, v14  }
0x15e: {  	(erf) = vpow2.f32 v11;
	v11 =	vmul.f32 v22, v5  }
0x15f: {  	v42 =	vld [tilespmem:s19+$0x40];
	(v2sf) =	vpush v28, $0x0;
	(erf) = vpow2.f32 v12;
	v12 =	vmul.f32 v24, v5  }
0x160: {  	v43 =	vld [tilespmem:s19+$0x50];
	(v2sf) =	vpush v28, $0xF;
	v13 =	vmul.f32 v40, v5;
	v11 =	vmul.f32 $1.442695020e+00, v11  }
0x161: {  	v44 =	vld [tilespmem:s19+$0x60];
	v14 =	vmul.f32 v41, v5;
	v12 =	vmul.f32 $1.442695020e+00, v12  }
0x162: {  	v45 =	vld [tilespmem:s19+$0x70];
	(erf) = vpow2.f32 v11;
	v11 =	vmul.f32 $1.442695020e+00, v13  }
0x163: {  	(erf) = vpow2.f32 v12;
	v12 =	vmul.f32 $1.442695020e+00, v14  }
0x164: {  	(erf) = vpow2.f32 v11;
	v11 =	vmul.f32 v42, v5  }
0x165: {  	v31 =	vpop (erf);
	(erf) = vpow2.f32 v12;
	v12 =	vmul.f32 v43, v5  }
0x166: {  	v29 =	vpop (erf);
	v13 =	vmul.f32 v44, v5;
	v11 =	vmul.f32 $1.442695020e+00, v11  }
0x167: {  	v27 =	vpop (erf);
	v14 =	vmul.f32 v45, v5;
	v12 =	vmul.f32 $1.442695020e+00, v12  }
0x168: {  	v25 =	vpop (erf);
	(erf) = vpow2.f32 v11;
	v11 =	vmul.f32 $1.442695020e+00, v13  }
0x169: {  	v23 =	vpop (erf);
	(erf) = vpow2.f32 v12;
	v12 =	vmul.f32 $1.442695020e+00, v14  }
0x16a: {  	v21 =	vpop (erf);
	(erf) = vpow2.f32 v11  }
0x16b: {  	v19 =	vpop (erf);
	(erf) = vpow2.f32 v12  }
0x16c: {  	v17 =	vpop (erf)  }
0x16d: {  	v14 =	vpop (erf)  }
0x16e: {  	v39 =	vmul.f32 v31, v7;
	v38 =	vmul.f32 v29, v8;
	s23 =	spop (v2sf);
	v13 =	vpop (erf)  }
0x16f: {  	v37 =	vmul.f32 v27, v9;
	s22 =	spop (v2sf);
	v36 =	vmul.f32 v25, v10;
	v12 =	vpop (erf)  }
0x170: {  	p1 =	sne.s32 s23, s22;
	v35 =	vmul.f32 v23, v15;
	v34 =	vmul.f32 v21, v16;
	v11 =	vpop (erf)  }
.Ltmp9:
0x171: {  	v33 =	vmul.f32 v19, v18;
	v32 =	vmul.f32 v17, v20;
	v10 =	vpop (erf);
	(pc) =	sbr.rel @p1 .LBB2_14-.Ltmp9, $4  }
0x172: {  	v30 =	vmul.f32 v14, v22;
	v26 =	vmul.f32 v13, v24;
	v9 =	vpop (erf)  }
0x173: {  	v24 =	vmul.f32 v12, v40;
	v22 =	vmul.f32 v11, v41;
	v7 =	vpop (erf)  }
0x174: {  	v20 =	vmul.f32 v10, v42;
	v18 =	vmul.f32 v9, v43;
	v8 =	vpop (erf)  }
0x175: {  	v16 =	vmul.f32 v7, v44;
	v15 =	vmul.f32 v8, v45  }
0x176: {  	v28 =	vadd.f32 v38, v39;
	v36 =	vadd.f32 v36, v37  }
0x177: {  	v34 =	vadd.f32 v34, v35;
	v32 =	vadd.f32 v32, v33  }
0x178: {  	v26 =	vadd.f32 v26, v30;
	v22 =	vadd.f32 v22, v24  }
0x179: {  	v18 =	vadd.f32 v18, v20;
	v58 =	vadd.f32 v29, v31  }
0x17a: {  	v59 =	vadd.f32 v25, v27;
	v21 =	vadd.f32 v21, v23  }
0x17b: {  	v17 =	vadd.f32 v17, v19;
	v13 =	vadd.f32 v13, v14  }
0x17c: {  	v11 =	vadd.f32 v11, v12;
	v9 =	vadd.f32 v9, v10  }
0x17d: {  	v7 =	vadd.f32 v8, v7;
	v15 =	vadd.f32 v15, v16  }
0x17e: {  	v28 =	vadd.f32 v36, v28;
	v32 =	vadd.f32 v32, v34  }
0x17f: {  	v8 =	vadd.f32 v59, v58;
	v60 =	vadd.f32 v17, v21  }
0x180: {  	v11 =	vadd.f32 v11, v13;
	v7 =	vadd.f32 v7, v9  }
0x181: {  	v61 =	vadd.f32 v22, v26;
	v62 =	vadd.f32 v15, v18  }
0x182: {  	v8 =	vadd.f32 v60, v8;
	v7 =	vadd.f32 v7, v11  }
.Ltmp10:
0x183: {  	v63 =	vadd.f32 v32, v28;
	v9 =	vadd.f32 v62, v61;
	(pc) =	sbr.rel .LBB2_15-.Ltmp10, $4  }
0x184: {  	s22 =	sshll.u32 s23, $0x4;
	v7 =	vadd.f32 v7, v8  }
0x185: {  	[tilespmem:s22+$0x129D0] =	vst.add.f32.msk $0xffff, v1;
	v8 =	vadd.f32 v9, v63  }
0x186: {  	[tilespmem:s22+$0x109D0] =	vst.add.f32.msk $0xffff, v7  }
0x187: {  	[tilespmem:s22+$0x119D0] =	vst.add.f32.msk $0xffff, v8  }
.LBB2_14:
0x188: {  	v28 =	vshll.u32 v28, $0x4  }
0x189: {  	(v2sf) =	vpush v28, $0x1;
	_ =	sdelay $0x2  }
0x18a: {  	(v2sf) =	vpush v28, $0x2;
	_ =	sdelay $0x2  }
0x18b: {  	(v2sf) =	vpush v28, $0x3;
	_ =	sdelay $0x2  }
0x18c: {  	(v2sf) =	vpush v28, $0x4;
	_ =	sdelay $0x2  }
0x18d: {  	s23 =	sshll.u32 s23, $0x4;
	(v2sf) =	vpush v28, $0x5  }
0x18e: {  	[tilespmem:s23+$0x109D0] =	vst.add.f32.msk $0xffff, v31  }
0x18f: {  	[tilespmem:s23+$0x119D0] =	vst.add.f32.msk $0xffff, v39  }
0x190: {  	[tilespmem:s23+$0x129D0] =	vst.add.f32.msk $0xffff, v2;
	s24 =	spop (v2sf);
	(v2sf) =	vpush v28, $0x6  }
0x191: {  	[tilespmem:s24+$0x109D0] =	vst.add.f32.msk $0xffff, v29  }
0x192: {  	[tilespmem:s24+$0x119D0] =	vst.add.f32.msk $0xffff, v38  }
0x193: {  	[tilespmem:s24+$0x129D0] =	vst.add.f32.msk $0xffff, v2;
	s25 =	spop (v2sf);
	(v2sf) =	vpush v28, $0x7  }
0x194: {  	[tilespmem:s25+$0x109D0] =	vst.add.f32.msk $0xffff, v27  }
0x195: {  	[tilespmem:s25+$0x119D0] =	vst.add.f32.msk $0xffff, v37  }
0x196: {  	[tilespmem:s25+$0x129D0] =	vst.add.f32.msk $0xffff, v2;
	s26 =	spop (v2sf);
	(v2sf) =	vpush v28, $0x8  }
0x197: {  	[tilespmem:s26+$0x109D0] =	vst.add.f32.msk $0xffff, v25  }
0x198: {  	[tilespmem:s26+$0x119D0] =	vst.add.f32.msk $0xffff, v36  }
0x199: {  	[tilespmem:s26+$0x129D0] =	vst.add.f32.msk $0xffff, v2;
	s28 =	spop (v2sf);
	(v2sf) =	vpush v28, $0x9  }
0x19a: {  	[tilespmem:s28+$0x109D0] =	vst.add.f32.msk $0xffff, v23  }
0x19b: {  	[tilespmem:s28+$0x119D0] =	vst.add.f32.msk $0xffff, v35  }
0x19c: {  	[tilespmem:s28+$0x129D0] =	vst.add.f32.msk $0xffff, v2;
	s29 =	spop (v2sf);
	(v2sf) =	vpush v28, $0xA  }
0x19d: {  	[tilespmem:s29+$0x109D0] =	vst.add.f32.msk $0xffff, v21  }
0x19e: {  	[tilespmem:s29+$0x119D0] =	vst.add.f32.msk $0xffff, v34  }
0x19f: {  	[tilespmem:s29+$0x129D0] =	vst.add.f32.msk $0xffff, v2;
	s30 =	spop (v2sf);
	(v2sf) =	vpush v28, $0xB  }
0x1a0: {  	[tilespmem:s30+$0x109D0] =	vst.add.f32.msk $0xffff, v19  }
0x1a1: {  	[tilespmem:s30+$0x119D0] =	vst.add.f32.msk $0xffff, v33  }
0x1a2: {  	[tilespmem:s30+$0x129D0] =	vst.add.f32.msk $0xffff, v2;
	s31 =	spop (v2sf);
	(v2sf) =	vpush v28, $0xC  }
0x1a3: {  	[tilespmem:s31+$0x109D0] =	vst.add.f32.msk $0xffff, v17  }
0x1a4: {  	[tilespmem:s31+$0x119D0] =	vst.add.f32.msk $0xffff, v32  }
0x1a5: {  	[tilespmem:s31+$0x129D0] =	vst.add.f32.msk $0xffff, v2;
	s24 =	spop (v2sf);
	(v2sf) =	vpush v28, $0xD  }
0x1a6: {  	[tilespmem:s24+$0x109D0] =	vst.add.f32.msk $0xffff, v14  }
0x1a7: {  	[tilespmem:s24+$0x119D0] =	vst.add.f32.msk $0xffff, v30  }
0x1a8: {  	[tilespmem:s24+$0x129D0] =	vst.add.f32.msk $0xffff, v2;
	s25 =	spop (v2sf);
	(v2sf) =	vpush v28, $0xE  }
0x1a9: {  	[tilespmem:s25+$0x109D0] =	vst.add.f32.msk $0xffff, v13  }
0x1aa: {  	[tilespmem:s25+$0x119D0] =	vst.add.f32.msk $0xffff, v26  }
0x1ab: {  	[tilespmem:s25+$0x129D0] =	vst.add.f32.msk $0xffff, v2;
	s26 =	spop (v2sf)  }
0x1ac: {  	[tilespmem:s26+$0x109D0] =	vst.add.f32.msk $0xffff, v12  }
0x1ad: {  	[tilespmem:s26+$0x119D0] =	vst.add.f32.msk $0xffff, v24  }
0x1ae: {  	[tilespmem:s26+$0x129D0] =	vst.add.f32.msk $0xffff, v2;
	s28 =	spop (v2sf)  }
0x1af: {  	[tilespmem:s28+$0x109D0] =	vst.add.f32.msk $0xffff, v11  }
0x1b0: {  	[tilespmem:s28+$0x119D0] =	vst.add.f32.msk $0xffff, v22  }
0x1b1: {  	[tilespmem:s28+$0x129D0] =	vst.add.f32.msk $0xffff, v2;
	s29 =	spop (v2sf)  }
0x1b2: {  	[tilespmem:s29+$0x109D0] =	vst.add.f32.msk $0xffff, v10  }
0x1b3: {  	[tilespmem:s29+$0x119D0] =	vst.add.f32.msk $0xffff, v20  }
0x1b4: {  	[tilespmem:s29+$0x129D0] =	vst.add.f32.msk $0xffff, v2;
	s30 =	spop (v2sf)  }
0x1b5: {  	[tilespmem:s30+$0x109D0] =	vst.add.f32.msk $0xffff, v9  }
0x1b6: {  	[tilespmem:s30+$0x119D0] =	vst.add.f32.msk $0xffff, v18  }
0x1b7: {  	[tilespmem:s30+$0x129D0] =	vst.add.f32.msk $0xffff, v2;
	s31 =	spop (v2sf)  }
0x1b8: {  	[tilespmem:s31+$0x109D0] =	vst.add.f32.msk $0xffff, v7  }
0x1b9: {  	[tilespmem:s31+$0x119D0] =	vst.add.f32.msk $0xffff, v16  }
0x1ba: {  	s22 =	sshll.u32 s22, $0x4;
	[tilespmem:s31+$0x129D0] =	vst.add.f32.msk $0xffff, v2  }
0x1bb: {  	[tilespmem:s22+$0x109D0] =	vst.add.f32.msk $0xffff, v8  }
0x1bc: {  	[tilespmem:s22+$0x119D0] =	vst.add.f32.msk $0xffff, v15  }
0x1bd: {  	[tilespmem:s22+$0x129D0] =	vst.add.f32.msk $0xffff, v2  }
.LBB2_15:
0x1be: {  	v7 =	vld [tilespmem:s19+$0x80]  }
0x1bf: {  	v8 =	vld [tilespmem:s19+$0x90]  }
0x1c0: {  	v9 =	vld [tilespmem:s19+$0xA0]  }
0x1c1: {  	v10 =	vld [tilespmem:s19+$0xB0];
	_ =	sdelay $0x1  }
0x1c2: {  	v11 =	vmul.f32 v7, v5  }
0x1c3: {  	v15 =	vld [tilespmem:s19+$0xC0];
	v12 =	vmul.f32 v8, v5  }
0x1c4: {  	v16 =	vld [tilespmem:s19+$0xD0];
	v13 =	vmul.f32 v9, v5;
	v11 =	vmul.f32 $1.442695020e+00, v11  }
0x1c5: {  	v18 =	vld [tilespmem:s19+$0xE0];
	v14 =	vmul.f32 v10, v5;
	v12 =	vmul.f32 $1.442695020e+00, v12  }
0x1c6: {  	v20 =	vld [tilespmem:s19+$0xF0];
	(erf) = vpow2.f32 v11;
	v11 =	vmul.f32 $1.442695020e+00, v13  }
0x1c7: {  	(erf) = vpow2.f32 v12;
	v12 =	vmul.f32 $1.442695020e+00, v14  }
0x1c8: {  	v22 =	vld [tilespmem:s19+$0x100];
	(erf) = vpow2.f32 v11;
	v11 =	vmul.f32 v15, v5  }
0x1c9: {  	v24 =	vld [tilespmem:s19+$0x110];
	(erf) = vpow2.f32 v12;
	v12 =	vmul.f32 v16, v5  }
0x1ca: {  	v28 =	vld [tilespmem:s21+$0x30];
	v13 =	vmul.f32 v18, v5;
	v11 =	vmul.f32 $1.442695020e+00, v11  }
0x1cb: {  	v40 =	vld [tilespmem:s19+$0x120];
	v14 =	vmul.f32 v20, v5;
	v12 =	vmul.f32 $1.442695020e+00, v12  }
0x1cc: {  	v41 =	vld [tilespmem:s19+$0x130];
	(erf) = vpow2.f32 v11;
	v11 =	vmul.f32 $1.442695020e+00, v13  }
0x1cd: {  	(erf) = vpow2.f32 v12;
	v12 =	vmul.f32 $1.442695020e+00, v14  }
0x1ce: {  	(erf) = vpow2.f32 v11;
	v11 =	vmul.f32 v22, v5  }
0x1cf: {  	v42 =	vld [tilespmem:s19+$0x140];
	(v2sf) =	vpush v28, $0x0;
	(erf) = vpow2.f32 v12;
	v12 =	vmul.f32 v24, v5  }
0x1d0: {  	v43 =	vld [tilespmem:s19+$0x150];
	(v2sf) =	vpush v28, $0xF;
	v13 =	vmul.f32 v40, v5;
	v11 =	vmul.f32 $1.442695020e+00, v11  }
0x1d1: {  	v44 =	vld [tilespmem:s19+$0x160];
	v14 =	vmul.f32 v41, v5;
	v12 =	vmul.f32 $1.442695020e+00, v12  }
0x1d2: {  	v45 =	vld [tilespmem:s19+$0x170];
	(erf) = vpow2.f32 v11;
	v11 =	vmul.f32 $1.442695020e+00, v13  }
0x1d3: {  	(erf) = vpow2.f32 v12;
	v12 =	vmul.f32 $1.442695020e+00, v14  }
0x1d4: {  	(erf) = vpow2.f32 v11;
	v11 =	vmul.f32 v42, v5  }
0x1d5: {  	v31 =	vpop (erf);
	(erf) = vpow2.f32 v12;
	v12 =	vmul.f32 v43, v5  }
0x1d6: {  	v29 =	vpop (erf);
	v13 =	vmul.f32 v44, v5;
	v11 =	vmul.f32 $1.442695020e+00, v11  }
0x1d7: {  	v27 =	vpop (erf);
	v14 =	vmul.f32 v45, v5;
	v12 =	vmul.f32 $1.442695020e+00, v12  }
0x1d8: {  	v25 =	vpop (erf);
	(erf) = vpow2.f32 v11;
	v11 =	vmul.f32 $1.442695020e+00, v13  }
0x1d9: {  	v23 =	vpop (erf);
	(erf) = vpow2.f32 v12;
	v12 =	vmul.f32 $1.442695020e+00, v14  }
0x1da: {  	v21 =	vpop (erf);
	(erf) = vpow2.f32 v11  }
0x1db: {  	v19 =	vpop (erf);
	(erf) = vpow2.f32 v12  }
0x1dc: {  	v17 =	vpop (erf)  }
0x1dd: {  	v14 =	vpop (erf)  }
0x1de: {  	v39 =	vmul.f32 v31, v7;
	v38 =	vmul.f32 v29, v8;
	s23 =	spop (v2sf);
	v13 =	vpop (erf)  }
0x1df: {  	v37 =	vmul.f32 v27, v9;
	s22 =	spop (v2sf);
	v36 =	vmul.f32 v25, v10;
	v12 =	vpop (erf)  }
0x1e0: {  	p1 =	sne.s32 s23, s22;
	v35 =	vmul.f32 v23, v15;
	v34 =	vmul.f32 v21, v16;
	v11 =	vpop (erf)  }
.Ltmp11:
0x1e1: {  	v33 =	vmul.f32 v19, v18;
	v32 =	vmul.f32 v17, v20;
	v10 =	vpop (erf);
	(pc) =	sbr.rel @p1 .LBB2_17-.Ltmp11, $4  }
0x1e2: {  	v30 =	vmul.f32 v14, v22;
	v26 =	vmul.f32 v13, v24;
	v9 =	vpop (erf)  }
0x1e3: {  	v24 =	vmul.f32 v12, v40;
	v22 =	vmul.f32 v11, v41;
	v7 =	vpop (erf)  }
0x1e4: {  	v20 =	vmul.f32 v10, v42;
	v18 =	vmul.f32 v9, v43;
	v8 =	vpop (erf)  }
0x1e5: {  	v16 =	vmul.f32 v7, v44;
	v15 =	vmul.f32 v8, v45  }
0x1e6: {  	v28 =	vadd.f32 v38, v39;
	v36 =	vadd.f32 v36, v37  }
0x1e7: {  	v34 =	vadd.f32 v34, v35;
	v32 =	vadd.f32 v32, v33  }
0x1e8: {  	v26 =	vadd.f32 v26, v30;
	v22 =	vadd.f32 v22, v24  }
0x1e9: {  	v18 =	vadd.f32 v18, v20;
	v58 =	vadd.f32 v29, v31  }
0x1ea: {  	v59 =	vadd.f32 v25, v27;
	v21 =	vadd.f32 v21, v23  }
0x1eb: {  	v17 =	vadd.f32 v17, v19;
	v13 =	vadd.f32 v13, v14  }
0x1ec: {  	v11 =	vadd.f32 v11, v12;
	v9 =	vadd.f32 v9, v10  }
0x1ed: {  	v7 =	vadd.f32 v8, v7;
	v15 =	vadd.f32 v15, v16  }
0x1ee: {  	v28 =	vadd.f32 v36, v28;
	v32 =	vadd.f32 v32, v34  }
0x1ef: {  	v8 =	vadd.f32 v59, v58;
	v60 =	vadd.f32 v17, v21  }
0x1f0: {  	v11 =	vadd.f32 v11, v13;
	v7 =	vadd.f32 v7, v9  }
0x1f1: {  	v61 =	vadd.f32 v22, v26;
	v62 =	vadd.f32 v15, v18  }
0x1f2: {  	v8 =	vadd.f32 v60, v8;
	v7 =	vadd.f32 v7, v11  }
.Ltmp12:
0x1f3: {  	v63 =	vadd.f32 v32, v28;
	v9 =	vadd.f32 v62, v61;
	(pc) =	sbr.rel .LBB2_18-.Ltmp12, $4  }
0x1f4: {  	s22 =	sshll.u32 s23, $0x4;
	v7 =	vadd.f32 v7, v8  }
0x1f5: {  	[tilespmem:s22+$0x129D0] =	vst.add.f32.msk $0xffff, v1;
	v8 =	vadd.f32 v9, v63  }
0x1f6: {  	[tilespmem:s22+$0x109D0] =	vst.add.f32.msk $0xffff, v7  }
0x1f7: {  	[tilespmem:s22+$0x119D0] =	vst.add.f32.msk $0xffff, v8  }
.LBB2_17:
0x1f8: {  	v28 =	vshll.u32 v28, $0x4  }
0x1f9: {  	(v2sf) =	vpush v28, $0x1;
	_ =	sdelay $0x2  }
0x1fa: {  	(v2sf) =	vpush v28, $0x2;
	_ =	sdelay $0x2  }
0x1fb: {  	(v2sf) =	vpush v28, $0x3;
	_ =	sdelay $0x2  }
0x1fc: {  	(v2sf) =	vpush v28, $0x4;
	_ =	sdelay $0x2  }
0x1fd: {  	s23 =	sshll.u32 s23, $0x4;
	(v2sf) =	vpush v28, $0x5  }
0x1fe: {  	[tilespmem:s23+$0x109D0] =	vst.add.f32.msk $0xffff, v31  }
0x1ff: {  	[tilespmem:s23+$0x119D0] =	vst.add.f32.msk $0xffff, v39  }
0x200: {  	[tilespmem:s23+$0x129D0] =	vst.add.f32.msk $0xffff, v2;
	s24 =	spop (v2sf);
	(v2sf) =	vpush v28, $0x6  }
0x201: {  	[tilespmem:s24+$0x109D0] =	vst.add.f32.msk $0xffff, v29  }
0x202: {  	[tilespmem:s24+$0x119D0] =	vst.add.f32.msk $0xffff, v38  }
0x203: {  	[tilespmem:s24+$0x129D0] =	vst.add.f32.msk $0xffff, v2;
	s25 =	spop (v2sf);
	(v2sf) =	vpush v28, $0x7  }
0x204: {  	[tilespmem:s25+$0x109D0] =	vst.add.f32.msk $0xffff, v27  }
0x205: {  	[tilespmem:s25+$0x119D0] =	vst.add.f32.msk $0xffff, v37  }
0x206: {  	[tilespmem:s25+$0x129D0] =	vst.add.f32.msk $0xffff, v2;
	s26 =	spop (v2sf);
	(v2sf) =	vpush v28, $0x8  }
0x207: {  	[tilespmem:s26+$0x109D0] =	vst.add.f32.msk $0xffff, v25  }
0x208: {  	[tilespmem:s26+$0x119D0] =	vst.add.f32.msk $0xffff, v36  }
0x209: {  	[tilespmem:s26+$0x129D0] =	vst.add.f32.msk $0xffff, v2;
	s28 =	spop (v2sf);
	(v2sf) =	vpush v28, $0x9  }
0x20a: {  	[tilespmem:s28+$0x109D0] =	vst.add.f32.msk $0xffff, v23  }
0x20b: {  	[tilespmem:s28+$0x119D0] =	vst.add.f32.msk $0xffff, v35  }
0x20c: {  	[tilespmem:s28+$0x129D0] =	vst.add.f32.msk $0xffff, v2;
	s29 =	spop (v2sf);
	(v2sf) =	vpush v28, $0xA  }
0x20d: {  	[tilespmem:s29+$0x109D0] =	vst.add.f32.msk $0xffff, v21  }
0x20e: {  	[tilespmem:s29+$0x119D0] =	vst.add.f32.msk $0xffff, v34  }
0x20f: {  	[tilespmem:s29+$0x129D0] =	vst.add.f32.msk $0xffff, v2;
	s30 =	spop (v2sf);
	(v2sf) =	vpush v28, $0xB  }
0x210: {  	[tilespmem:s30+$0x109D0] =	vst.add.f32.msk $0xffff, v19  }
0x211: {  	[tilespmem:s30+$0x119D0] =	vst.add.f32.msk $0xffff, v33  }
0x212: {  	[tilespmem:s30+$0x129D0] =	vst.add.f32.msk $0xffff, v2;
	s31 =	spop (v2sf);
	(v2sf) =	vpush v28, $0xC  }
0x213: {  	[tilespmem:s31+$0x109D0] =	vst.add.f32.msk $0xffff, v17  }
0x214: {  	[tilespmem:s31+$0x119D0] =	vst.add.f32.msk $0xffff, v32  }
0x215: {  	[tilespmem:s31+$0x129D0] =	vst.add.f32.msk $0xffff, v2;
	s24 =	spop (v2sf);
	(v2sf) =	vpush v28, $0xD  }
0x216: {  	[tilespmem:s24+$0x109D0] =	vst.add.f32.msk $0xffff, v14  }
0x217: {  	[tilespmem:s24+$0x119D0] =	vst.add.f32.msk $0xffff, v30  }
0x218: {  	[tilespmem:s24+$0x129D0] =	vst.add.f32.msk $0xffff, v2;
	s25 =	spop (v2sf);
	(v2sf) =	vpush v28, $0xE  }
0x219: {  	[tilespmem:s25+$0x109D0] =	vst.add.f32.msk $0xffff, v13  }
0x21a: {  	[tilespmem:s25+$0x119D0] =	vst.add.f32.msk $0xffff, v26  }
0x21b: {  	[tilespmem:s25+$0x129D0] =	vst.add.f32.msk $0xffff, v2;
	s26 =	spop (v2sf)  }
0x21c: {  	[tilespmem:s26+$0x109D0] =	vst.add.f32.msk $0xffff, v12  }
0x21d: {  	[tilespmem:s26+$0x119D0] =	vst.add.f32.msk $0xffff, v24  }
0x21e: {  	[tilespmem:s26+$0x129D0] =	vst.add.f32.msk $0xffff, v2;
	s28 =	spop (v2sf)  }
0x21f: {  	[tilespmem:s28+$0x109D0] =	vst.add.f32.msk $0xffff, v11  }
0x220: {  	[tilespmem:s28+$0x119D0] =	vst.add.f32.msk $0xffff, v22  }
0x221: {  	[tilespmem:s28+$0x129D0] =	vst.add.f32.msk $0xffff, v2;
	s29 =	spop (v2sf)  }
0x222: {  	[tilespmem:s29+$0x109D0] =	vst.add.f32.msk $0xffff, v10  }
0x223: {  	[tilespmem:s29+$0x119D0] =	vst.add.f32.msk $0xffff, v20  }
0x224: {  	[tilespmem:s29+$0x129D0] =	vst.add.f32.msk $0xffff, v2;
	s30 =	spop (v2sf)  }
0x225: {  	[tilespmem:s30+$0x109D0] =	vst.add.f32.msk $0xffff, v9  }
0x226: {  	[tilespmem:s30+$0x119D0] =	vst.add.f32.msk $0xffff, v18  }
0x227: {  	[tilespmem:s30+$0x129D0] =	vst.add.f32.msk $0xffff, v2;
	s31 =	spop (v2sf)  }
0x228: {  	[tilespmem:s31+$0x109D0] =	vst.add.f32.msk $0xffff, v7  }
0x229: {  	[tilespmem:s31+$0x119D0] =	vst.add.f32.msk $0xffff, v16  }
0x22a: {  	s22 =	sshll.u32 s22, $0x4;
	[tilespmem:s31+$0x129D0] =	vst.add.f32.msk $0xffff, v2  }
0x22b: {  	[tilespmem:s22+$0x109D0] =	vst.add.f32.msk $0xffff, v8  }
0x22c: {  	[tilespmem:s22+$0x119D0] =	vst.add.f32.msk $0xffff, v15  }
0x22d: {  	[tilespmem:s22+$0x129D0] =	vst.add.f32.msk $0xffff, v2  }
.LBB2_18:
0x22e: {  	v7 =	vld [tilespmem:s19+$0x180]  }
0x22f: {  	v8 =	vld [tilespmem:s19+$0x190]  }
0x230: {  	v9 =	vld [tilespmem:s19+$0x1A0]  }
0x231: {  	v10 =	vld [tilespmem:s19+$0x1B0];
	_ =	sdelay $0x1  }
0x232: {  	v11 =	vmul.f32 v7, v5  }
0x233: {  	v15 =	vld [tilespmem:s19+$0x1C0];
	v12 =	vmul.f32 v8, v5  }
0x234: {  	v16 =	vld [tilespmem:s19+$0x1D0];
	v13 =	vmul.f32 v9, v5;
	v11 =	vmul.f32 $1.442695020e+00, v11  }
0x235: {  	v18 =	vld [tilespmem:s19+$0x1E0];
	v14 =	vmul.f32 v10, v5;
	v12 =	vmul.f32 $1.442695020e+00, v12  }
0x236: {  	v20 =	vld [tilespmem:s19+$0x1F0];
	(erf) = vpow2.f32 v11;
	v11 =	vmul.f32 $1.442695020e+00, v13  }
0x237: {  	(erf) = vpow2.f32 v12;
	v12 =	vmul.f32 $1.442695020e+00, v14  }
0x238: {  	v22 =	vld [tilespmem:s19+$0x200];
	(erf) = vpow2.f32 v11;
	v11 =	vmul.f32 v15, v5  }
0x239: {  	v24 =	vld [tilespmem:s19+$0x210];
	(erf) = vpow2.f32 v12;
	v12 =	vmul.f32 v16, v5  }
0x23a: {  	v28 =	vld [tilespmem:s21+$0x40];
	v13 =	vmul.f32 v18, v5;
	v11 =	vmul.f32 $1.442695020e+00, v11  }
0x23b: {  	v40 =	vld [tilespmem:s19+$0x220];
	v14 =	vmul.f32 v20, v5;
	v12 =	vmul.f32 $1.442695020e+00, v12  }
0x23c: {  	v41 =	vld [tilespmem:s19+$0x230];
	(erf) = vpow2.f32 v11;
	v11 =	vmul.f32 $1.442695020e+00, v13  }
0x23d: {  	(erf) = vpow2.f32 v12;
	v12 =	vmul.f32 $1.442695020e+00, v14  }
0x23e: {  	(erf) = vpow2.f32 v11;
	v11 =	vmul.f32 v22, v5  }
0x23f: {  	v42 =	vld [tilespmem:s19+$0x240];
	(v2sf) =	vpush v28, $0x0;
	(erf) = vpow2.f32 v12;
	v12 =	vmul.f32 v24, v5  }
0x240: {  	v43 =	vld [tilespmem:s19+$0x250];
	(v2sf) =	vpush v28, $0xF;
	v13 =	vmul.f32 v40, v5;
	v11 =	vmul.f32 $1.442695020e+00, v11  }
0x241: {  	v44 =	vld [tilespmem:s19+$0x260];
	v14 =	vmul.f32 v41, v5;
	v12 =	vmul.f32 $1.442695020e+00, v12  }
0x242: {  	v45 =	vld [tilespmem:s19+$0x270];
	(erf) = vpow2.f32 v11;
	v11 =	vmul.f32 $1.442695020e+00, v13  }
0x243: {  	(erf) = vpow2.f32 v12;
	v12 =	vmul.f32 $1.442695020e+00, v14  }
0x244: {  	(erf) = vpow2.f32 v11;
	v11 =	vmul.f32 v42, v5  }
0x245: {  	v31 =	vpop (erf);
	(erf) = vpow2.f32 v12;
	v12 =	vmul.f32 v43, v5  }
0x246: {  	v29 =	vpop (erf);
	v13 =	vmul.f32 v44, v5;
	v11 =	vmul.f32 $1.442695020e+00, v11  }
0x247: {  	v27 =	vpop (erf);
	v14 =	vmul.f32 v45, v5;
	v12 =	vmul.f32 $1.442695020e+00, v12  }
0x248: {  	v25 =	vpop (erf);
	(erf) = vpow2.f32 v11;
	v11 =	vmul.f32 $1.442695020e+00, v13  }
0x249: {  	v23 =	vpop (erf);
	(erf) = vpow2.f32 v12;
	v12 =	vmul.f32 $1.442695020e+00, v14  }
0x24a: {  	v21 =	vpop (erf);
	(erf) = vpow2.f32 v11  }
0x24b: {  	v19 =	vpop (erf);
	(erf) = vpow2.f32 v12  }
0x24c: {  	v17 =	vpop (erf)  }
0x24d: {  	v14 =	vpop (erf)  }
0x24e: {  	v39 =	vmul.f32 v31, v7;
	v38 =	vmul.f32 v29, v8;
	s22 =	spop (v2sf);
	v13 =	vpop (erf)  }
0x24f: {  	v37 =	vmul.f32 v27, v9;
	s21 =	spop (v2sf);
	v36 =	vmul.f32 v25, v10;
	v12 =	vpop (erf)  }
0x250: {  	p1 =	sne.s32 s22, s21;
	v35 =	vmul.f32 v23, v15;
	v34 =	vmul.f32 v21, v16;
	v11 =	vpop (erf)  }
.Ltmp13:
0x251: {  	v33 =	vmul.f32 v19, v18;
	v32 =	vmul.f32 v17, v20;
	v10 =	vpop (erf);
	(pc) =	sbr.rel @p1 .LBB2_20-.Ltmp13, $4  }
0x252: {  	v30 =	vmul.f32 v14, v22;
	v26 =	vmul.f32 v13, v24;
	v9 =	vpop (erf)  }
0x253: {  	v24 =	vmul.f32 v12, v40;
	v22 =	vmul.f32 v11, v41;
	v7 =	vpop (erf)  }
0x254: {  	v20 =	vmul.f32 v10, v42;
	v18 =	vmul.f32 v9, v43;
	v8 =	vpop (erf)  }
0x255: {  	v16 =	vmul.f32 v7, v44;
	v15 =	vmul.f32 v8, v45  }
0x256: {  	v28 =	vadd.f32 v38, v39;
	v36 =	vadd.f32 v36, v37  }
0x257: {  	v34 =	vadd.f32 v34, v35;
	v32 =	vadd.f32 v32, v33  }
0x258: {  	v26 =	vadd.f32 v26, v30;
	v22 =	vadd.f32 v22, v24  }
0x259: {  	v18 =	vadd.f32 v18, v20;
	v58 =	vadd.f32 v29, v31  }
0x25a: {  	v59 =	vadd.f32 v25, v27;
	v21 =	vadd.f32 v21, v23  }
0x25b: {  	v17 =	vadd.f32 v17, v19;
	v13 =	vadd.f32 v13, v14  }
0x25c: {  	v11 =	vadd.f32 v11, v12;
	v9 =	vadd.f32 v9, v10  }
0x25d: {  	v7 =	vadd.f32 v8, v7;
	v15 =	vadd.f32 v15, v16  }
0x25e: {  	v28 =	vadd.f32 v36, v28;
	v32 =	vadd.f32 v32, v34  }
0x25f: {  	v8 =	vadd.f32 v59, v58;
	v60 =	vadd.f32 v17, v21  }
0x260: {  	v11 =	vadd.f32 v11, v13;
	v7 =	vadd.f32 v7, v9  }
0x261: {  	v61 =	vadd.f32 v22, v26;
	v62 =	vadd.f32 v15, v18  }
0x262: {  	v8 =	vadd.f32 v60, v8;
	v7 =	vadd.f32 v7, v11  }
.Ltmp14:
0x263: {  	v63 =	vadd.f32 v32, v28;
	v9 =	vadd.f32 v62, v61;
	(pc) =	sbr.rel .LBB2_21-.Ltmp14, $4  }
0x264: {  	s21 =	sshll.u32 s22, $0x4;
	v7 =	vadd.f32 v7, v8  }
0x265: {  	[tilespmem:s21+$0x129D0] =	vst.add.f32.msk $0xffff, v1;
	v8 =	vadd.f32 v9, v63  }
0x266: {  	[tilespmem:s21+$0x109D0] =	vst.add.f32.msk $0xffff, v7  }
0x267: {  	[tilespmem:s21+$0x119D0] =	vst.add.f32.msk $0xffff, v8  }
.LBB2_22:
0x268: {  	s19 =	simm.s32 $0x0  }
0x269: {  	v8 =	vld [tilespmem:s19+$0x129D0]  }
0x26a: {  	v5 =	vld [tilespmem:s19+$0x109D0];
	_ =	sdelay $0x3  }
0x26b: {  	v6 =	vadd.f32 $-1.000000000e+00, v8  }
0x26c: {  	s17 =	simm.s32 $0x10;
	(erf) = vrcp.f32 v5  }
0x26d: {  	v5 =	vld [tilespmem:s17+$0x129D0];
	v6 =	vmul.f32 v6, v4;
	_ =	sdelay $0x1  }
0x26e: {  	v6 =	vadd.f32 $1.000000000e+00, v6  }
0x26f: {  	v9 =	vld [tilespmem:s17+$0x109D0]  }
0x270: {  	(erf) = vrcp.f32 v6  }
0x271: {  	s18 =	simm.s32 $0x20;
	v7 =	vld [tilespmem:s19+$0x119D0];
	v10 =	vadd.f32 $-1.000000000e+00, v5  }
0x272: {  	v6 =	vld [tilespmem:s18+$0x129D0]  }
0x273: {  	v10 =	vmul.f32 v10, v4  }
0x274: {  	v11 =	vld [tilespmem:s18+$0x109D0];
	v12 =	vpop (erf);
	(erf) = vrcp.f32 v9  }
0x275: {  	v9 =	vadd.f32 $1.000000000e+00, v10  }
0x276: {  	v12 =	vmul.f32 v12, v7  }
0x277: {  	s20 =	simm.s32 $0x30;
	v13 =	vadd.f32 $-1.000000000e+00, v6;
	(erf) = vrcp.f32 v9  }
0x278: {  	v7 =	vld [tilespmem:s20+$0x129D0];
	v12 =	vmul.f32 v8, v12  }
0x279: {  	v8 =	vld [tilespmem:s17+$0x119D0];
	v10 =	vmul.f32 v13, v4;
	v63 =	vpop (erf);
	(erf) = vrcp.f32 v11;
	_ =	sdelay $0x1  }
0x27a: {  	v9 =	vld [tilespmem:s20+$0x109D0];
	v11 =	vadd.f32 $1.000000000e+00, v10  }
0x27b: {  	s21 =	simm.s32 $0x100;
	v10 =	vmul.f32 v63, v12  }
.LBB2_23:
0x27c: {  	s22 =	sshra.s32 s21, $0x2;
	v12 =	vadd.f32 $-1.000000000e+00, v7;
	(erf) = vrcp.f32 v11;
	v11 =	vpop (erf);
	v13 =	vmov v7;
	p0 =	sne.s32 s21, $0x3FC0  }
.Ltmp15:
0x27d: {  	s21 =	sadd.s32 $0x40, s21;
	v7 =	vld [tilespmem:s22+$0x129D0];
	v11 =	vmul.f32 v11, v8;
	v10 =	vmul.f32 v10, v3;
	(pc) =	sbr.rel @p0 .LBB2_23-.Ltmp15, $4  }
0x27e: {  	v12 =	vmul.f32 v12, v4;
	v8 =	vld [tilespmem:s18+$0x119D0]  }
0x27f: {  	(erf) = vrcp.f32 v9;
	v14 =	vmul.f32 v5, v11;
	v15 =	vpop (erf);
	[tilespmem:s19+$0x139D0] =	vst v10;
	v5 =	vmov v6;
	s19 =	smov.u32 s17;
	s17 =	smov.u32 s18;
	s18 =	smov.u32 s20  }
0x280: {  	v6 =	vmov v13;
	s20 =	smov.u32 s22;
	v9 =	vld [tilespmem:s22+$0x109D0];
	v11 =	vadd.f32 $1.000000000e+00, v12  }
0x281: {  	v10 =	vmul.f32 v15, v14  }
0x282: {  	_ = 	snop  }
0x283: {  	v12 =	vadd.f32 $-1.000000000e+00, v7  }
0x284: {  	(erf) = vrcp.f32 v11  }
0x285: {  	v4 =	vmul.f32 v12, v4;
	(erf) = vrcp.f32 v9;
	_ =	sdelay $0x1  }
0x286: {  	v55 =	vmul.f32 v10, v3;
	v4 =	vadd.f32 $1.000000000e+00, v4;
	_ =	sdelay $0x1  }
0x287: {  	v56 =	vld [tilespmem:s18+$0x119D0];
	[tilespmem:s19+$0x139D0] =	vst v55;
	(erf) = vrcp.f32 v4  }
0x288: {  	v57 =	vpop (erf);
	v9 =	vld [tilespmem:s20+$0x119D0]  }
0x289: {  	v58 =	vpop (erf)  }
0x28a: {  	v59 =	vpop (erf)  }
0x28b: {  	v4 =	vmul.f32 v57, v8;
	v60 =	vpop (erf)  }
0x28c: {  	v10 =	vmul.f32 v59, v56;
	v61 =	vpop (erf)  }
0x28d: {  	v4 =	vmul.f32 v5, v4;
	v62 =	vmul.f32 v61, v9  }
0x28e: {  	v6 =	vmul.f32 v6, v10  }
0x28f: {  	v4 =	vmul.f32 v58, v4;
	v5 =	vmul.f32 v7, v62  }
0x290: {  	v6 =	vmul.f32 v60, v6;
	v63 =	vpop (erf)  }
0x291: {  	v4 =	vmul.f32 v4, v3;
	v5 =	vmul.f32 v63, v5  }
0x292: {  	v6 =	vmul.f32 v6, v3  }
0x293: {  	s16 =	sadd.s32 $0x1, s16;
	[tilespmem:s17+$0x139D0] =	vst v4;
	v3 =	vmul.f32 v5, v3  }
0x294: {  	p0 =	sne.s32 s16, s9;
	[tilespmem:s18+$0x139D0] =	vst v6  }
.Ltmp16:
0x295: {  	[tilespmem:s20+$0x139D0] =	vst v3;
	(pc) =	sbr.rel @p0 .LBB2_1-.Ltmp16, $4  }
0x296: {  	[hbm4b:s8+s12] =	stream.strided.scatter [tilespmem:s15], [sflag:$0x5], $0x1000, s13, s12, $0x38;
	[tilespmem:$0x149D0] =	vst v63  }
0x297: {  	_ =	swait.ge [sflag:s11], $0x1000  }
0x298: {  	[sflag:s11] =	ssyncset.done $0x0  }
0x299: {  	[sflag:s11] =	ssyncadd.s32 $0xFFFFF000  }
0x29a: {  	_ =	sfence.sel $0x180000  }
0x29b: {  	[bflag:$0x0] =	sbarrier.arrive $0xFFFF  }
0x29c: {  	p0 =	sne.s32 s2, $0x0;
	_ =	strace $0x9000004A  }
0x29d: {  	s0 =	sadd.s32 @!p0 $0x100000, s0;
	[bflag:$0x2] =	sbarrier.arrive $0xFFFF  }
0x29e: {  	[sflag:s0] =	ssyncadd.tile.s32 @!p0 $0x1;
	_ =	shalt  }
.Lfunc_end2:
_tile_overlayer_lowered:
.L_overlay_start_2:
0x29f: {  	(tag) =	ssettag $0x2  }
0x2a0: {  	s0 =	rddreg [dreg:$0x0];
	s2 =	stileid.u32  }
0x2a1: {  	s1 =	rddreg [dreg:$0x1];
	p0 =	sne.s32 s2, $0x0  }
0x2a2: {  	s3 =	rddreg [dreg:$0x2];
	[bflag:$0x3] =	sbarrier.arrive $0xFFFF;
	s2 =	simm.s32 @!p0 $0x1C05  }
0x2a3: {  	[timem:s3], [sflag:s2] =	dma.local @!p0 [hbm:s0], s1  }
0x2a4: {  	s0 =	simm.s32 @!p0 $0x5  }
0x2a5: {  	_ =	swait.ge @!p0 [sflag:s0], s1  }
0x2a6: {  	s1 =	ssub.s32 @!p0 $0x0, s1;
	[sflag:s0] =	ssyncset.done @!p0 $0x0  }
0x2a7: {  	[sflag:s0] =	ssyncadd.s32 @!p0 s1  }
0x2a8: {  	[bflag:$0x3] =	sbarrier.arrive $0xFFFF  }
0x2a9: {  	_ =	shalt  }

// kernel: sparse-core-data-format-call.cloned.1.call-start
scs
called_computation_lowered:
.L_overlay_start_0:
0x0: {  	s2 =	sld [smem:$0x3FD9]  }
0x1: {  	s3 =	sld [smem:$0x3FFE];
	_ =	sdelay $0x1  }
0x2: {  	s1 =	srdreg.scid  }
0x3: {  	s0 =	sand.u32 $0x1, s1  }
0x4: {  	s18 =	sshll.u32 s0, $0xA;
	s2 =	sadd.s32 s3, s2  }
0x5: {  	s2 =	sadd.s32 s2, s18  }
0x6: {  	[smem:$0x3FC5] =	sst s2  }
0x7: {  	_ = 	snop  }
0x8: {  	s2 =	sld [smem:$0x3FC9];
	(tm) =	ssettm $0x1  }
0x9: {  	s19 =	sld [smem:$0x3FFB];
	_ =	sdelay $0x3  }
0xa: {  	_ =	strace s19  }
0xb: {  	s3 =	sld [smem:$0x3FFC];
	_ =	sdelay $0x3  }
0xc: {  	_ =	strace s3  }
0xd: {  	s3 =	sld [smem:$0x3FFD];
	_ =	sdelay $0x3  }
0xe: {  	_ =	strace s3  }
0xf: {  	_ =	strace $0x8FFFFFFF  }
0x10: {  	s20 =	sld [smem:$0x3FDB];
	_ =	sdelay $0x1  }
0x11: {  	s4 =	simm.s32 $_scs_section_size  }
0x12: {  	s5 =	simm.s32 $_size__tile_overlayer_lowered;
	s6 =	simm.s32 $_tile_overlayer_lowered  }
0x13: {  	s23 =	simm.s32 $0x1BFF;
	s22 =	sshll.u32 s6, $0x1;
	s3 =	sadd.s32 s4, s20  }
0x14: {  	s7 =	simm.s32 $0x0;
	s21 =	sshll.u32 s5, $0x1;
	s5 =	sadd.s32 s22, s3  }
0x15: {  	[timem:s7], [sflag:s23] =	dma.local [hbm:s5], s21  }
0x16: {  	_ =	swait.ge [sflag:s23], s21  }
0x17: {  	s4 =	ssub.s32 $0x0, s21;
	[sflag:s23] =	ssyncset.done $0x0  }
0x18: {  	[sflag:s23] =	ssyncadd.s32 s4;
	_ =	sdelay $0x1  }
0x19: {  	s24 =	simm.s32 $0x1B8B  }
0x1a: {  	_ =	swait.ge [sflag:s24], $0x1  }
0x1b: {  	[sflag:s24] =	ssyncset.done $0x0  }
0x1c: {  	s26 =	simm.s32 $0x1B8E;
	s25 =	sld [smem:$0x3FFE];
	[sflag:s24] =	ssyncadd.s32 $0xFFFFFFFF  }
0x1d: {  	s27 =	simm.s32 $execute0_lowered;
	[smem:$0x3FD2] =	sst s26  }
0x1e: {  	s5 =	sshll.u32 s27, $0x1;
	_ =	strace $0x80000046;
	[dreg:$0x1] =	wrdreg $0xFFFFFFFF  }
0x1f: {  	s28 =	simm.s32 $_size_execute0_lowered;
	s3 =	sadd.s32 s3, s5;
	[dreg:$0x0] =	wrdreg $0x0  }
0x20: {  	s5 =	sshll.u32 s28, $0x1;
	[dreg:$0x2] =	wrdreg s3  }
0x21: {  	[dreg:$0x3] =	wrdreg s5  }
0x22: {  	[dreg:$0x4] =	wrdreg $0xC0  }
0x23: {  	_ =	task [dreg:s7], $0x5FFFF  }
0x24: {  	[dreg:$0x1] =	wrdreg $0xFFFFFFFF  }
0x25: {  	[dreg:$0x0] =	wrdreg $0x60  }
0x26: {  	[dreg:$0x2] =	wrdreg s2  }
0x27: {  	[dreg:$0x3] =	wrdreg s25  }
0x28: {  	[dreg:$0x4] =	wrdreg $0x9  }
0x29: {  	_ =	task.clear_ibuf [dreg:s7], $0x5FFFF;
	_ =	strace $0x90000046  }
0x2a: {  	s29 =	simm.s32 $0x9;
	_ =	strace $0x80000048  }
0x2b: {  	_ =	swait.ge [sflag:s29], $0x1  }
0x2c: {  	[sflag:s29] =	ssyncadd.s32 $0xFFFFFFFF  }
0x2d: {  	_ =	strace $0x90000048  }
0x2e: {  	_ =	sfence  }
0x2f: {  	s30 =	sld [smem:$0x0];
	_ =	sdelay $0x2  }
0x30: {  	s31 =	sshll.u32 s1, $0xD;
	s1 =	sshrl.u32 s1, $0x2  }
0x31: {  	s3 =	sand.u32 $0x4000, s31;
	s1 =	sadd.s32 s1, s30  }
0x32: {  	s0 =	sor.u32 s3, s0;
	s1 =	sshll.u32 s1, $0x11  }
0x33: {  	s0 =	sor.u32 s1, s0  }
0x34: {  	s0 =	sadd.s32 $0x8F2B, s0  }
0x35: {  	[sflag:s0] =	ssyncadd.remote.s32 $0x1  }
0x36: {  	_ =	sfence.sel $0xFFFF  }
0x37: {  	[dreg:$0x0] =	wrdreg $0xFFFFFFFF;
	(pc) =	sbr.abs _section_cstart, $3  }
0x38: {  	[dreg:$0x1] =	wrdreg $0xFFFFFFFF  }
0x39: {  	_ =	task.clear_ibuf [dreg:s7], $0x2FFFF;
	_ =	strace $0x9FFFFFFF  }
0x3a: {  	(tm) =	ssettm $0x7FFFFFFF  }
0x3b: {  	_ =	shalt  }
tec
execute0_lowered:
.L_overlay_start_1:
0x0: {  	(tag) =	ssettag $0x1  }
0x1: {  	s0 =	srdreg.scid;
	s2 =	rddreg [dreg:$0x0]  }
0x2: {  	s5 =	rddreg [dreg:$0x1];
	s1 =	stileid.u32  }
0x3: {  	s4 =	simm.s32 $0x1;
	s6 =	simm.s32 $0x2;
	s0 =	sshll.u32 s0, $0x4  }
0x4: {  	s8 =	simm.s32 $0x0;
	s9 =	simm.s32 $0x0;
	s3 =	sand.u32 $0x10, s0  }
.Ltmp0:
0x5: {  	s13 =	simm.s32 $0x0;
	s3 =	sor.u32 s1, s3;
	(pc) =	sbr.rel .LBB1_1-.Ltmp0, $4  }
0x6: {  	s0 =	rddreg [dreg:$0x2];
	_ =	strace $0x80000047;
	s3 =	sshll.u32 s3, $0x2  }
0x7: {  	s10 =	simm.s32 $0x0;
	[sflag:s4] =	ssyncpa.u1 $0x0;
	s7 =	ssub.s32 $0x1868, s3  }
0x8: {  	s12 =	simm.s32 $0x0;
	[sflag:s6] =	ssyncpa.u1 $0x0;
	s6 =	sshrl.u32 s7, $0x7  }
0x9: {  	s5 =	sadd.s32 $0xA00, s5;
	s11 =	smov.u32 s3;
	s7 =	sadd.s32 $0x2, s6  }
.LBB1_9:
0xa: {  	s15 =	sshll.u32 s12, $0xE  }
0xb: {  	s16 =	sshll.u32 s10, $0x9;
	s15 =	sand.u32 $0x4000, s15  }
0xc: {  	s16 =	sadd.s32 s5, s16;
	s15 =	sor.u32 $0x8000, s15  }
0xd: {  	[hbm4b:s16+s8] =	stream.linear.scatter [tilespmem:s15], [sflag:$0x2], s14, $0x38;
	[tilespmem:$0x10000] =	vst v63  }
.LBB1_10:
0xe: {  	p0 =	slt.u32 s12, $0x2  }
0xf: {  	p1 =	sgt.s32 @!p0 s13, $0x1866  }
0x10: {  	s14 =	smov.u32 s13;
	s15 =	sshra.s32 @!p0 s13, $0x1F;
	p1 =	por !p1, p0  }
0x11: {  	s13 =	sand.u32 @!p0 s15, s13;
	s14 =	simm.s32 @p1 $0x1866  }
0x12: {  	s13 =	ssub.s32 @!p0 s14, s13  }
0x13: {  	s13 =	sadd.s32 @!p0 $0xFFFFE79A, s13  }
0x14: {  	s14 =	sshll.u32 @!p0 s13, $0xE  }
0x15: {  	p1 =	sgt.s32 @!p0 s13, $0x3;
	s13 =	ssub.s32 @!p0 $0x10000, s14  }
0x16: {  	s15 =	sadd.s32 $0x80, s11;
	p1 =	por !p1, p0;
	s13 =	sshrl.u32 @!p0 s13, $0x2  }
0x17: {  	s13 =	simm.s32 @!p1 $0x0;
	p1 =	sgt.s32 s15, $0x1869  }
0x18: {  	s15 =	smov.u32 @p1 s3;
	p1 =	sne.s32 s12, s7  }
.Ltmp1:
0x19: {  	_ = 	snop;
	(pc) =	sbr.rel @!p1 .LBB1_11-.Ltmp1, $4  }
0x1a: {  	s14 =	simm.s32 @!p0 $0x2  }
0x1b: {  	s9 =	sadd.s32 $0x4000, s9;
	_ =	swait.ge @!p0 [sflag:s14], s13;
	s16 =	ssub.s32 @!p0 $0x0, s13  }
0x1c: {  	s13 =	smov.u32 s10;
	s12 =	sadd.s32 $0x1, s12;
	[sflag:s14] =	ssyncset.done @!p0 $0x0  }
0x1d: {  	s10 =	smov.u32 s11;
	s11 =	smov.u32 s15;
	[sflag:s14] =	ssyncadd.s32 @!p0 s16  }
.LBB1_1:
0x1e: {  	p0 =	sgt.u32 s12, s6  }
0x1f: {  	p1 =	sgt.s32 @!p0 s11, $0x1866  }
0x20: {  	s14 =	smov.u32 s11;
	s15 =	sshra.s32 @!p0 s11, $0x1F;
	p1 =	por !p1, p0  }
0x21: {  	s15 =	sand.u32 @!p0 s15, s11;
	s14 =	simm.s32 @p1 $0x1866  }
0x22: {  	s14 =	ssub.s32 @!p0 s14, s15  }
0x23: {  	s14 =	sadd.s32 @!p0 $0xFFFFE79A, s14  }
0x24: {  	s17 =	simm.s32 @!p0 $0x0;
	s15 =	sxor.u32 @!p0 $0xFFFFFFFF, s12;
	s16 =	sshll.u32 @!p0 s14, $0xE  }
0x25: {  	s15 =	sshll.u32 @!p0 s15, $0xE;
	p1 =	sgt.s32 @!p0 s14, $0x3;
	s14 =	ssub.s32 @!p0 $0x10000, s16  }
0x26: {  	p1 =	por !p1, p0;
	s16 =	sshll.u32 @!p0 s11, $0x9;
	s14 =	sshrl.u32 @!p0 s14, $0x2  }
0x27: {  	s15 =	sand.u32 @!p0 $0x4000, s15;
	s16 =	sadd.s32 @!p0 s2, s16;
	s14 =	simm.s32 @!p1 $0x0  }
0x28: {  	[tilespmem:s15], [sflag:$0x1] =	stream.linear.gather @!p0 [hbm4b:s16+s17], s14, $0x38;
	[tilespmem:$0x10000] =	vst v63  }
0x29: {  	p0 =	seq.s32 s12, $0x0  }
0x2a: {  	p1 =	sge.u32 @!p0 s12, s7  }
0x2b: {  	p0 =	por p0, p1  }
.Ltmp2:
0x2c: {  	_ = 	snop;
	(pc) =	sbr.rel @p0 .LBB1_10-.Ltmp2, $1  }
0x2d: {  	_ =	sdelay $0x3  }
0x2e: {  	p0 =	sgt.s32 s10, $0x1866;
	s14 =	smov.u32 s10;
	s15 =	sshra.s32 s10, $0x1F  }
0x2f: {  	s14 =	simm.s32 @!p0 $0x1866;
	s15 =	sand.u32 s15, s10  }
0x30: {  	s14 =	ssub.s32 s14, s15  }
0x31: {  	s16 =	sadd.s32 $0x4, s10;
	s14 =	sadd.s32 $0xFFFFE79A, s14  }
0x32: {  	p1 =	slt.s32 s16, $0x186A;
	s30 =	sshll.u32 s14, $0xE  }
0x33: {  	s16 =	simm.s32 @!p1 $0x186A;
	s15 =	ssub.s32 $0x10000, s30  }
0x34: {  	p0 =	sgt.s32 s14, $0x3;
	s14 =	sshrl.u32 s15, $0x2;
	s15 =	ssub.s32 s16, s10  }
0x35: {  	s14 =	simm.s32 @p0 $0x0;
	p0 =	slt.s32 s15, $0x1  }
.Ltmp3:
0x36: {  	_ = 	snop;
	(pc) =	sbr.rel @p0 .LBB1_9-.Ltmp3, $4  }
0x37: {  	_ = 	snop  }
0x38: {  	_ =	swait.ge [sflag:s4], s14  }
0x39: {  	s31 =	ssub.s32 $0x0, s14;
	[sflag:s4] =	ssyncset.done $0x0  }
0x3a: {  	[sflag:s4] =	ssyncadd.s32 s31  }
0x3b: {  	s17 =	sand.u32 $0x4000, s9  }
0x3c: {  	s18 =	simm.s32 $0x0;
	s16 =	sor.u32 $0x40, s17;
	s17 =	sor.u32 $0x8040, s17  }
.LBB1_4:
0x3d: {  	s19 =	smov.u32 s17;
	s20 =	smov.u32 s16;
	s21 =	simm.s32 $0x0  }
.LBB1_5:
0x3e: {  	v0 =	vmov s19;
	v2 =	vld [tilespmem:s20+$0x30]  }
0x3f: {  	v4 =	vld [tilespmem:s20+$0xFFFFFFD0]  }
0x40: {  	v6 =	vld [tilespmem:s20+$0xFFFFFFE0]  }
0x41: {  	v7 =	vld [tilespmem:s20+$0xFFFFFFF0]  }
0x42: {  	s22 =	simm.s32 $0x0;
	v1 =	vld [tilespmem:s20+$0x0]  }
0x43: {  	v3 =	vld [tilespmem:s20+$0x10];
	[tilespmem:v0+s22+$0x30 ss:$0x1] =	vst.idx.msk $0xffff, v2  }
0x44: {  	v5 =	vld [tilespmem:s20+$0x20];
	[tilespmem:v0+s22+$0xFFFFFFD0 ss:$0x1] =	vst.idx.msk $0xffff, v4  }
0x45: {  	s23 =	sadd.s32 $0x80, s20;
	v2 =	vld [tilespmem:s20+$0xFFFFFFC0];
	[tilespmem:v0+s22+$0xFFFFFFE0 ss:$0x1] =	vst.idx.msk $0xffff, v6  }
0x46: {  	s24 =	simm.s32 $0x800;
	s25 =	simm.s32 $0x1000;
	v4 =	vld [tilespmem:s23+$0x30];
	[tilespmem:v0+s22+$0xFFFFFFF0 ss:$0x1] =	vst.idx.msk $0xffff, v7  }
.LBB1_6:
0x47: {  	p0 =	sne.s32 s25, $0x3800;
	v6 =	vld [tilespmem:s23+$0xFFFFFFD0];
	[tilespmem:v0+s22+$0x0 ss:$0x1] =	vst.idx.msk $0xffff, v1  }
0x48: {  	v7 =	vld [tilespmem:s23+$0xFFFFFFE0];
	[tilespmem:v0+s22+$0x10 ss:$0x1] =	vst.idx.msk $0xffff, v3  }
0x49: {  	v8 =	vld [tilespmem:s23+$0xFFFFFFF0];
	[tilespmem:v0+s22+$0x20 ss:$0x1] =	vst.idx.msk $0xffff, v5  }
.Ltmp4:
0x4a: {  	v1 =	vld [tilespmem:s23+$0x0];
	[tilespmem:v0+s22+$0xFFFFFFC0 ss:$0x1] =	vst.idx.msk $0xffff, v2;
	s22 =	sshra.s32 s24, $0x2;
	s24 =	smov.u32 s25;
	(pc) =	sbr.rel @p0 .LBB1_6-.Ltmp4, $4  }
0x4b: {  	v3 =	vld [tilespmem:s23+$0x10];
	[tilespmem:v0+s22+$0x30 ss:$0x1] =	vst.idx.msk $0xffff, v4  }
0x4c: {  	[tilespmem:v0+s22+$0xFFFFFFD0 ss:$0x1] =	vst.idx.msk $0xffff, v6;
	v5 =	vld [tilespmem:s23+$0x20]  }
0x4d: {  	v2 =	vld [tilespmem:s23+$0xFFFFFFC0];
	[tilespmem:v0+s22+$0xFFFFFFE0 ss:$0x1] =	vst.idx.msk $0xffff, v7;
	s23 =	sadd.s32 $0x80, s23  }
0x4e: {  	s25 =	sadd.s32 $0x800, s25;
	v4 =	vld [tilespmem:s23+$0x30];
	[tilespmem:v0+s22+$0xFFFFFFF0 ss:$0x1] =	vst.idx.msk $0xffff, v8  }
0x4f: {  	_ =	sdelay $0x3  }
0x50: {  	v6 =	vld [tilespmem:s23+$0xFFFFFFD0];
	[tilespmem:v0+s22+$0x0 ss:$0x1] =	vst.idx.msk $0xffff, v1  }
0x51: {  	v58 =	vld [tilespmem:s23+$0xFFFFFFE0];
	[tilespmem:v0+s22+$0x10 ss:$0x1] =	vst.idx.msk $0xffff, v3  }
0x52: {  	v59 =	vld [tilespmem:s23+$0xFFFFFFF0];
	[tilespmem:v0+s22+$0x20 ss:$0x1] =	vst.idx.msk $0xffff, v5  }
0x53: {  	s24 =	sshra.s32 s24, $0x2;
	v60 =	vld [tilespmem:s23+$0x0];
	[tilespmem:v0+s22+$0xFFFFFFC0 ss:$0x1] =	vst.idx.msk $0xffff, v2  }
0x54: {  	v61 =	vld [tilespmem:s23+$0x10];
	[tilespmem:v0+s24+$0x30 ss:$0x1] =	vst.idx.msk $0xffff, v4  }
0x55: {  	v62 =	vld [tilespmem:s23+$0x20];
	s21 =	sadd.s32 $0x1, s21;
	[tilespmem:v0+s24+$0xFFFFFFD0 ss:$0x1] =	vst.idx.msk $0xffff, v6  }
0x56: {  	v63 =	vld [tilespmem:s23+$0xFFFFFFC0];
	p0 =	sne.s32 s21, $0x4;
	[tilespmem:v0+s24+$0xFFFFFFE0 ss:$0x1] =	vst.idx.msk $0xffff, v58  }
.Ltmp5:
0x57: {  	[tilespmem:v0+s24+$0xFFFFFFF0 ss:$0x1] =	vst.idx.msk $0xffff, v59;
	(pc) =	sbr.rel @p0 .LBB1_5-.Ltmp5, $4  }
0x58: {  	[tilespmem:v0+s24+$0x0 ss:$0x1] =	vst.idx.msk $0xffff, v60  }
0x59: {  	[tilespmem:v0+s24+$0x10 ss:$0x1] =	vst.idx.msk $0xffff, v61  }
0x5a: {  	[tilespmem:v0+s24+$0x20 ss:$0x1] =	vst.idx.msk $0xffff, v62  }
0x5b: {  	s20 =	sadd.s32 $0x400, s20;
	s19 =	sadd.s32 $0x80, s19;
	[tilespmem:v0+s24+$0xFFFFFFC0 ss:$0x1] =	vst.idx.msk $0xffff, v63  }
0x5c: {  	s18 =	sadd.s32 $0x1, s18  }
0x5d: {  	p0 =	sne.s32 s18, s15  }
.Ltmp6:
0x5e: {  	_ = 	snop;
	(pc) =	sbr.rel @p0 .LBB1_4-.Ltmp6, $4  }
.Ltmp7:
0x5f: {  	_ = 	snop;
	(pc) =	sbr.rel @!p0 .LBB1_9-.Ltmp7, $4  }
0x60: {  	_ = 	snop  }
0x61: {  	_ = 	snop  }
0x62: {  	s16 =	sadd.s32 $0x1000, s16;
	s17 =	sadd.s32 $0x1000, s17  }
0x63: {  	_ = 	snop  }
.LBB1_11:
0x64: {  	_ =	sfence.sel $0x180000  }
0x65: {  	s2 =	simm.s32 $0x1;
	[bflag:$0x0] =	sbarrier.arrive $0xFFFF  }
0x66: {  	s31 =	simm.s32 $0x2;
	[sflag:s2] =	ssyncpa.u1 $0x1  }
0x67: {  	[sflag:s31] =	ssyncpa.u1 $0x1  }
0x68: {  	p0 =	sne.s32 s1, $0x0;
	_ =	strace $0x90000047  }
0x69: {  	s0 =	sadd.s32 @!p0 $0x100000, s0;
	[bflag:$0x2] =	sbarrier.arrive $0xFFFF  }
0x6a: {  	[sflag:s0] =	ssyncadd.tile.s32 @!p0 $0x1;
	_ =	shalt  }
.Lfunc_end1:
_tile_overlayer_lowered:
.L_overlay_start_2:
0x6b: {  	(tag) =	ssettag $0x2  }
0x6c: {  	s0 =	rddreg [dreg:$0x0];
	s2 =	stileid.u32  }
0x6d: {  	s1 =	rddreg [dreg:$0x1];
	p0 =	sne.s32 s2, $0x0  }
0x6e: {  	s3 =	rddreg [dreg:$0x2];
	[bflag:$0x3] =	sbarrier.arrive $0xFFFF;
	s2 =	simm.s32 @!p0 $0x1C01  }
0x6f: {  	[timem:s3], [sflag:s2] =	dma.local @!p0 [hbm:s0], s1  }
0x70: {  	s0 =	simm.s32 @!p0 $0x1  }
0x71: {  	_ =	swait.ge @!p0 [sflag:s0], s1  }
0x72: {  	s1 =	ssub.s32 @!p0 $0x0, s1;
	[sflag:s0] =	ssyncset.done @!p0 $0x0  }
0x73: {  	[sflag:s0] =	ssyncadd.s32 @!p0 s1  }
0x74: {  	[bflag:$0x3] =	sbarrier.arrive $0xFFFF  }
0x75: {  	_ =	shalt  }

</sc_bundles>
